<compile_context>
chip_gen: v7x
topology: tpu7x:2x2x1
jax: 0.10.2.dev20260603
libtpu: 0.0.44.dev20260713+nightly
codegen_flags: <defaults>
</compile_context>

<pallas_src>
import functools

import jax
import jax.numpy as jnp
from jax import lax
from jax.experimental import pallas as pl
from jax.experimental.pallas import tpu as pltpu
from jax.experimental.pallas import tpu_sc as plsc

_NC = 2
_NS = 16
_NW = _NC * _NS


def _sc_gather(heads, relations, tails, entityW, relationW):
    B = heads.shape[0]
    D = entityW.shape[1]
    bpw = B // _NW
    hbpw = bpw // 2
    mesh = plsc.VectorSubcoreMesh(core_axis_name="c", subcore_axis_name="s")
    row_t = jax.ShapeDtypeStruct((B, D), jnp.float32)

    @functools.partial(
        pl.kernel,
        mesh=mesh,
        out_type=[row_t, row_t, row_t],
        scratch_types=[
            pltpu.VMEM((bpw,), jnp.int32),
            pltpu.VMEM((bpw,), jnp.int32),
            pltpu.VMEM((bpw,), jnp.int32),
            pltpu.VMEM((hbpw, D), jnp.float32),
            pltpu.VMEM((hbpw, D), jnp.float32),
            pltpu.VMEM((hbpw, D), jnp.float32),
            pltpu.SemaphoreType.DMA,
            pltpu.SemaphoreType.DMA,
            pltpu.SemaphoreType.DMA,
        ],
    )
    def k(h_hbm, r_hbm, t_hbm, ew_hbm, rw_hbm, oh_hbm, or_hbm, ot_hbm,
          hi_s, ri_s, ti_s, hr_v, rr_v, tr_v, sem_h, sem_r, sem_t):
        wid = lax.axis_index("s") * _NC + lax.axis_index("c")
        base = wid * bpw
        pltpu.sync_copy(h_hbm.at[pl.ds(base, bpw)], hi_s)
        pltpu.sync_copy(t_hbm.at[pl.ds(base, bpw)], ti_s)
        pltpu.sync_copy(r_hbm.at[pl.ds(base, bpw)], ri_s)
        for half in range(2):
            off = half * hbpw

            @pl.loop(0, hbpw // 16)
            def _(g):
                row = off + g * 16
                hv = hi_s[pl.ds(row, 16)]
                tv = ti_s[pl.ds(row, 16)]
                rv = ri_s[pl.ds(row, 16)]
                for j in range(16):
                    dst = g * 16 + j
                    pltpu.async_copy(ew_hbm.at[hv[j]], hr_v.at[dst], sem_h)
                    pltpu.async_copy(ew_hbm.at[tv[j]], tr_v.at[dst], sem_t)
                    pltpu.async_copy(rw_hbm.at[rv[j]], rr_v.at[dst], sem_r)

            pltpu.make_async_copy(oh_hbm.at[pl.ds(0, hbpw)], hr_v, sem_h).wait()
            pltpu.make_async_copy(ot_hbm.at[pl.ds(0, hbpw)], tr_v, sem_t).wait()
            pltpu.make_async_copy(or_hbm.at[pl.ds(0, hbpw)], rr_v, sem_r).wait()
            pltpu.sync_copy(hr_v, oh_hbm.at[pl.ds(base + off, hbpw)])
            pltpu.sync_copy(tr_v, ot_hbm.at[pl.ds(base + off, hbpw)])
            pltpu.sync_copy(rr_v, or_hbm.at[pl.ds(base + off, hbpw)])

    return k(heads, relations, tails, entityW, relationW)


def _tc_score(h, r, t, max_norm=1.0):
    B, D = h.shape
    blk = 2048

    def body(h_ref, r_ref, t_ref, o_ref):
        hv = h_ref[...]
        rv = r_ref[...]
        tv = t_ref[...]
        nh = jnp.sqrt(jnp.sum(hv * hv, axis=1, keepdims=True))
        sh = jnp.where(nh > max_norm, max_norm / (nh + 1e-7), 1.0)
        nt = jnp.sqrt(jnp.sum(tv * tv, axis=1, keepdims=True))
        st = jnp.where(nt > max_norm, max_norm / (nt + 1e-7), 1.0)
        d = hv * sh + rv - tv * st
        o_ref[...] = -jnp.sqrt(jnp.sum(d * d, axis=1))

    return pl.pallas_call(
        body,
        grid=(B // blk,),
        in_specs=[
            pl.BlockSpec((blk, D), lambda i: (i, 0)),
            pl.BlockSpec((blk, D), lambda i: (i, 0)),
            pl.BlockSpec((blk, D), lambda i: (i, 0)),
        ],
        out_specs=pl.BlockSpec((blk,), lambda i: (i,)),
        out_shape=jax.ShapeDtypeStruct((B,), jnp.float32),
    )(h, r, t)


def kernel(heads, relations, tails, entityW, relationW):
    heads = heads.astype(jnp.int32)
    relations = relations.astype(jnp.int32)
    tails = tails.astype(jnp.int32)
    h, r, t = _sc_gather(heads, relations, tails, entityW, relationW)
    return _tc_score(h, r, t)

# --- scband reference (transcript-rebuilt; emitter-appended) ---
"""Pipeline reference for scband-trans-e-49727131353815 (READ-ONLY COPY).

The authoritative reference and input builder live on the scoring server;
editing this copy changes nothing except your own understanding.
"""

import jax, jax.numpy as jnp
import numpy as np

ENTITY_NUM = 1000000
RELATION_NUM = 1000
EMB_DIM = 64
BATCH = 16384
E_MAX_NORM = 1.0  # enorm=1; rnorm=None (no renorm for relations)


def _xavier_normal(key, shape):
    fan_in, fan_out = shape[0], shape[1]
    std = (2.0 / (fan_in + fan_out)) ** 0.5
    return jax.random.normal(key, shape, dtype=jnp.float32) * std


def _renorm_rows(rows, max_norm):
    # mirrors torch.embedding_renorm_: rows with L2 norm > max_norm are scaled
    norms = jnp.linalg.norm(rows, axis=-1, keepdims=True)
    scale = jnp.where(norms > max_norm, max_norm / (norms + 1e-7), 1.0)
    return rows * scale


def setup_inputs(seed: int = 0) -> dict:
    key = jax.random.key(seed)
    k1, k2, k3, k4, k5 = jax.random.split(key, 5)
    heads = jax.random.randint(k1, (BATCH,), 0, ENTITY_NUM, dtype=jnp.int64 if jax.config.jax_enable_x64 else jnp.int32)
    relations = jax.random.randint(k2, (BATCH,), 0, RELATION_NUM, dtype=heads.dtype)
    tails = jax.random.randint(k3, (BATCH,), 0, ENTITY_NUM, dtype=heads.dtype)
    entityW = _xavier_normal(k4, (ENTITY_NUM, EMB_DIM))
    relationW = _xavier_normal(k5, (RELATION_NUM, EMB_DIM))
    return {
        "heads": heads,
        "relations": relations,
        "tails": tails,
        "entityW": entityW,
        "relationW": relationW,
    }


def reference(heads, relations, tails, entityW, relationW):
    # TransE scoring: f(h, r, t) = -|| e_h + e_r - e_t ||_2
    h = _renorm_rows(jnp.take(entityW, heads, axis=0), E_MAX_NORM)
    t = _renorm_rows(jnp.take(entityW, tails, axis=0), E_MAX_NORM)
    r = jnp.take(relationW, relations, axis=0)  # rnorm=None -> no renorm
    score = -jnp.linalg.norm(h + r - t, axis=1)
    return score

if __name__ == "__main__":
    import jax
    _d = setup_inputs()
    print(jax.jit(kernel)(*tuple(_d.values())))

</pallas_src>

<mosaic_0001>
#map = affine_map<(d0, d1) -> (0)>
#map1 = affine_map<(d0, d1) -> (0, 0)>
module attributes {stable_mosaic.version = 14 : i64} {
  func.func @k(%arg0: i32, %arg1: i32, %arg2: memref<16384xi32, #tpu.memory_space<hbm>>, %arg3: memref<16384xi32, #tpu.memory_space<hbm>>, %arg4: memref<16384xi32, #tpu.memory_space<hbm>>, %arg5: memref<1000000x64xf32, #tpu.memory_space<hbm>>, %arg6: memref<1000x64xf32, #tpu.memory_space<hbm>>, %arg7: memref<16384x64xf32, #tpu.memory_space<hbm>>, %arg8: memref<16384x64xf32, #tpu.memory_space<hbm>>, %arg9: memref<16384x64xf32, #tpu.memory_space<hbm>>, %arg10: memref<512xi32, #tpu.memory_space<vmem>>, %arg11: memref<512xi32, #tpu.memory_space<vmem>>, %arg12: memref<512xi32, #tpu.memory_space<vmem>>, %arg13: memref<256x64xf32, #tpu.memory_space<vmem>>, %arg14: memref<256x64xf32, #tpu.memory_space<vmem>>, %arg15: memref<256x64xf32, #tpu.memory_space<vmem>>, %arg16: memref<!tpu.dma_semaphore, #tpu.memory_space<semaphore_mem>>, %arg17: memref<!tpu.dma_semaphore, #tpu.memory_space<semaphore_mem>>, %arg18: memref<!tpu.dma_semaphore, #tpu.memory_space<semaphore_mem>>) attributes {dimension_semantics = [#tpu.dimension_semantics<core_parallel>, #tpu.dimension_semantics<subcore_parallel>], iteration_bounds = array<i64: 2, 16>, scalar_prefetch = 0 : i64, scratch_operands = 9 : i64, tpu.core_type = #tpu.core_type<sc_vector_subcore>, window_params = [{transform_indices = #map}, {transform_indices = #map}, {transform_indices = #map}, {transform_indices = #map1}, {transform_indices = #map1}, {transform_indices = #map1}, {transform_indices = #map1}, {transform_indices = #map1}]} {
    %mul3A = arith.constant 2 : i32
    %mul3A_0 = arith.muli %arg1, %mul3A : i32
    %add3A = arith.addi %mul3A_0, %arg0 : i32
    %mul3A_1 = arith.constant 512 : i32
    %mul3A_2 = arith.muli %add3A, %mul3A_1 : i32
    "tpu.region"() ({
      %run_scoped3A = tpu.sem_alloc : memref<!tpu.dma_semaphore, #tpu.memory_space<semaphore_mem>>
      %dma_start3A = tpu.memref_slice %arg2[%mul3A_2] : memref<16384xi32, #tpu.memory_space<hbm>> -> memref<512xi32, #tpu.memory_space<hbm>>
      %dma_start3A_59 = tpu.memref_slice %arg2[%mul3A_2] : memref<16384xi32, #tpu.memory_space<hbm>> -> memref<512xi32, #tpu.memory_space<hbm>>
      tpu.enqueue_dma source(%dma_start3A_59 : memref<512xi32, #tpu.memory_space<hbm>>) target(%arg10 : memref<512xi32, #tpu.memory_space<vmem>>) target_semaphore(%run_scoped3A : memref<!tpu.dma_semaphore, #tpu.memory_space<semaphore_mem>>)
      %dma_wait3A_60 = tpu.memref_slice %arg2[%mul3A_2] : memref<16384xi32, #tpu.memory_space<hbm>> -> memref<512xi32, #tpu.memory_space<hbm>>
      %dma_wait3A_61 = tpu.memref_slice %arg2[%mul3A_2] : memref<16384xi32, #tpu.memory_space<hbm>> -> memref<512xi32, #tpu.memory_space<hbm>>
      tpu.wait_dma2 semaphore(%run_scoped3A : memref<!tpu.dma_semaphore, #tpu.memory_space<semaphore_mem>>) src(%dma_wait3A_61 : memref<512xi32, #tpu.memory_space<hbm>>) dst(%arg10 : memref<512xi32, #tpu.memory_space<vmem>>)
      tpu.yield
    }) : () -> ()
    "tpu.region"() ({
      %run_scoped3A = tpu.sem_alloc : memref<!tpu.dma_semaphore, #tpu.memory_space<semaphore_mem>>
      %dma_start3A = tpu.memref_slice %arg4[%mul3A_2] : memref<16384xi32, #tpu.memory_space<hbm>> -> memref<512xi32, #tpu.memory_space<hbm>>
      %dma_start3A_59 = tpu.memref_slice %arg4[%mul3A_2] : memref<16384xi32, #tpu.memory_space<hbm>> -> memref<512xi32, #tpu.memory_space<hbm>>
      tpu.enqueue_dma source(%dma_start3A_59 : memref<512xi32, #tpu.memory_space<hbm>>) target(%arg12 : memref<512xi32, #tpu.memory_space<vmem>>) target_semaphore(%run_scoped3A : memref<!tpu.dma_semaphore, #tpu.memory_space<semaphore_mem>>)
      %dma_wait3A_60 = tpu.memref_slice %arg4[%mul3A_2] : memref<16384xi32, #tpu.memory_space<hbm>> -> memref<512xi32, #tpu.memory_space<hbm>>
      %dma_wait3A_61 = tpu.memref_slice %arg4[%mul3A_2] : memref<16384xi32, #tpu.memory_space<hbm>> -> memref<512xi32, #tpu.memory_space<hbm>>
      tpu.wait_dma2 semaphore(%run_scoped3A : memref<!tpu.dma_semaphore, #tpu.memory_space<semaphore_mem>>) src(%dma_wait3A_61 : memref<512xi32, #tpu.memory_space<hbm>>) dst(%arg12 : memref<512xi32, #tpu.memory_space<vmem>>)
      tpu.yield
    }) : () -> ()
    "tpu.region"() ({
      %run_scoped3A = tpu.sem_alloc : memref<!tpu.dma_semaphore, #tpu.memory_space<semaphore_mem>>
      %dma_start3A = tpu.memref_slice %arg3[%mul3A_2] : memref<16384xi32, #tpu.memory_space<hbm>> -> memref<512xi32, #tpu.memory_space<hbm>>
      %dma_start3A_59 = tpu.memref_slice %arg3[%mul3A_2] : memref<16384xi32, #tpu.memory_space<hbm>> -> memref<512xi32, #tpu.memory_space<hbm>>
      tpu.enqueue_dma source(%dma_start3A_59 : memref<512xi32, #tpu.memory_space<hbm>>) target(%arg11 : memref<512xi32, #tpu.memory_space<vmem>>) target_semaphore(%run_scoped3A : memref<!tpu.dma_semaphore, #tpu.memory_space<semaphore_mem>>)
      %dma_wait3A_60 = tpu.memref_slice %arg3[%mul3A_2] : memref<16384xi32, #tpu.memory_space<hbm>> -> memref<512xi32, #tpu.memory_space<hbm>>
      %dma_wait3A_61 = tpu.memref_slice %arg3[%mul3A_2] : memref<16384xi32, #tpu.memory_space<hbm>> -> memref<512xi32, #tpu.memory_space<hbm>>
      tpu.wait_dma2 semaphore(%run_scoped3A : memref<!tpu.dma_semaphore, #tpu.memory_space<semaphore_mem>>) src(%dma_wait3A_61 : memref<512xi32, #tpu.memory_space<hbm>>) dst(%arg11 : memref<512xi32, #tpu.memory_space<vmem>>)
      tpu.yield
    }) : () -> ()
    %scan3A = arith.constant 0 : i32
    %scan3A_3 = arith.constant 16 : i32
    %scan3A_4 = arith.addi %scan3A, %scan3A_3 : i32
    %scan3A_5 = arith.constant 1 : i32
    scf.for %scan3A_59 = %scan3A to %scan3A_4 step %scan3A_5  : i32 {
      %mul3A_60 = arith.constant 1 : i32
      %mul3A_61 = arith.muli %scan3A_59, %mul3A_60 : i32
      %add3A_62 = arith.constant 0 : i32
      %add3A_63 = arith.addi %add3A_62, %mul3A_61 : i32
      %mul3A_64 = arith.constant 16 : i32
      %mul3A_65 = arith.muli %add3A_63, %mul3A_64 : i32
      %add3A_66 = arith.constant 0 : i32
      %add3A_67 = arith.addi %add3A_66, %mul3A_65 : i32
      %get3A = arith.index_cast %add3A_67 : i32 to index
      %get3A_68 = tpu.vector_load %arg10[%get3A] {strides = array<i32>} : memref<512xi32, #tpu.memory_space<vmem>>, vector<16xi32>,
      %get3A_69 = vector.shape_cast %get3A_68 : vector<16xi32> to vector<16xi32>
      %get3A_70 = arith.index_cast %add3A_67 : i32 to index
      %get3A_71 = tpu.vector_load %arg12[%get3A_70] {strides = array<i32>} : memref<512xi32, #tpu.memory_space<vmem>>, vector<16xi32>,
      %get3A_72 = vector.shape_cast %get3A_71 : vector<16xi32> to vector<16xi32>
      %get3A_73 = arith.index_cast %add3A_67 : i32 to index
      %get3A_74 = tpu.vector_load %arg11[%get3A_73] {strides = array<i32>} : memref<512xi32, #tpu.memory_space<vmem>>, vector<16xi32>,
      %get3A_75 = vector.shape_cast %get3A_74 : vector<16xi32> to vector<16xi32>
      %mul3A_76 = arith.constant 16 : i32
      %mul3A_77 = arith.muli %add3A_63, %mul3A_76 : i32
      %add3A_78 = arith.constant 0 : i32
      %add3A_79 = arith.addi %mul3A_77, %add3A_78 : i32
      %slice3A = vector.extract_strided_slice %get3A_69 {offsets = [0], sizes = [1], strides = [1]} : vector<16xi32> to vector<1xi32>
      %squeeze3A = vector.extract %slice3A[0] : i32 from vector<1xi32>
      %dma_start3A = arith.constant 0 : i32
      %dma_start3A_80 = tpu.memref_slice %arg13[%add3A_79, %dma_start3A] : memref<256x64xf32, #tpu.memory_space<vmem>> -> memref<1x64xf32, #tpu.memory_space<vmem>>
      %dma_start3A_81 = tpu.memref_squeeze %dma_start3A_80 : memref<1x64xf32, #tpu.memory_space<vmem>> -> memref<64xf32, #tpu.memory_space<vmem>>
      %dma_start3A_82 = arith.constant 0 : i32
      %dma_start3A_83 = tpu.memref_slice %arg5[%squeeze3A, %dma_start3A_82] : memref<1000000x64xf32, #tpu.memory_space<hbm>> -> memref<1x64xf32, #tpu.memory_space<hbm>>
      %dma_start3A_84 = tpu.memref_squeeze %dma_start3A_83 : memref<1x64xf32, #tpu.memory_space<hbm>> -> memref<64xf32, #tpu.memory_space<hbm>>
      %dma_start3A_85 = arith.constant 0 : i32
      %dma_start3A_86 = tpu.memref_slice %arg13[%add3A_79, %dma_start3A_85] : memref<256x64xf32, #tpu.memory_space<vmem>> -> memref<1x64xf32, #tpu.memory_space<vmem>>
      %dma_start3A_87 = tpu.memref_squeeze %dma_start3A_86 : memref<1x64xf32, #tpu.memory_space<vmem>> -> memref<64xf32, #tpu.memory_space<vmem>>
      %dma_start3A_88 = arith.constant 0 : i32
      %dma_start3A_89 = tpu.memref_slice %arg5[%squeeze3A, %dma_start3A_88] : memref<1000000x64xf32, #tpu.memory_space<hbm>> -> memref<1x64xf32, #tpu.memory_space<hbm>>
      %dma_start3A_90 = tpu.memref_squeeze %dma_start3A_89 : memref<1x64xf32, #tpu.memory_space<hbm>> -> memref<64xf32, #tpu.memory_space<hbm>>
      tpu.enqueue_dma source(%dma_start3A_90 : memref<64xf32, #tpu.memory_space<hbm>>) target(%dma_start3A_87 : memref<64xf32, #tpu.memory_space<vmem>>) target_semaphore(%arg16 : memref<!tpu.dma_semaphore, #tpu.memory_space<semaphore_mem>>)
      %slice3A_91 = vector.extract_strided_slice %get3A_72 {offsets = [0], sizes = [1], strides = [1]} : vector<16xi32> to vector<1xi32>
      %squeeze3A_92 = vector.extract %slice3A_91[0] : i32 from vector<1xi32>
      %dma_start3A_93 = arith.constant 0 : i32
      %dma_start3A_94 = tpu.memref_slice %arg15[%add3A_79, %dma_start3A_93] : memref<256x64xf32, #tpu.memory_space<vmem>> -> memref<1x64xf32, #tpu.memory_space<vmem>>
      %dma_start3A_95 = tpu.memref_squeeze %dma_start3A_94 : memref<1x64xf32, #tpu.memory_space<vmem>> -> memref<64xf32, #tpu.memory_space<vmem>>
      %dma_start3A_96 = arith.constant 0 : i32
      %dma_start3A_97 = tpu.memref_slice %arg5[%squeeze3A_92, %dma_start3A_96] : memref<1000000x64xf32, #tpu.memory_space<hbm>> -> memref<1x64xf32, #tpu.memory_space<hbm>>
      %dma_start3A_98 = tpu.memref_squeeze %dma_start3A_97 : memref<1x64xf32, #tpu.memory_space<hbm>> -> memref<64xf32, #tpu.memory_space<hbm>>
      %dma_start3A_99 = arith.constant 0 : i32
      %dma_start3A_100 = tpu.memref_slice %arg15[%add3A_79, %dma_start3A_99] : memref<256x64xf32, #tpu.memory_space<vmem>> -> memref<1x64xf32, #tpu.memory_space<vmem>>
      %dma_start3A_101 = tpu.memref_squeeze %dma_start3A_100 : memref<1x64xf32, #tpu.memory_space<vmem>> -> memref<64xf32, #tpu.memory_space<vmem>>
      %dma_start3A_102 = arith.constant 0 : i32
      %dma_start3A_103 = tpu.memref_slice %arg5[%squeeze3A_92, %dma_start3A_102] : memref<1000000x64xf32, #tpu.memory_space<hbm>> -> memref<1x64xf32, #tpu.memory_space<hbm>>
      %dma_start3A_104 = tpu.memref_squeeze %dma_start3A_103 : memref<1x64xf32, #tpu.memory_space<hbm>> -> memref<64xf32, #tpu.memory_space<hbm>>
      tpu.enqueue_dma source(%dma_start3A_104 : memref<64xf32, #tpu.memory_space<hbm>>) target(%dma_start3A_101 : memref<64xf32, #tpu.memory_space<vmem>>) target_semaphore(%arg18 : memref<!tpu.dma_semaphore, #tpu.memory_space<semaphore_mem>>)
      %slice3A_105 = vector.extract_strided_slice %get3A_75 {offsets = [0], sizes = [1], strides = [1]} : vector<16xi32> to vector<1xi32>
      %squeeze3A_106 = vector.extract %slice3A_105[0] : i32 from vector<1xi32>
      %dma_start3A_107 = arith.constant 0 : i32
      %dma_start3A_108 = tpu.memref_slice %arg14[%add3A_79, %dma_start3A_107] : memref<256x64xf32, #tpu.memory_space<vmem>> -> memref<1x64xf32, #tpu.memory_space<vmem>>
      %dma_start3A_109 = tpu.memref_squeeze %dma_start3A_108 : memref<1x64xf32, #tpu.memory_space<vmem>> -> memref<64xf32, #tpu.memory_space<vmem>>
      %dma_start3A_110 = arith.constant 0 : i32
      %dma_start3A_111 = tpu.memref_slice %arg6[%squeeze3A_106, %dma_start3A_110] : memref<1000x64xf32, #tpu.memory_space<hbm>> -> memref<1x64xf32, #tpu.memory_space<hbm>>
      %dma_start3A_112 = tpu.memref_squeeze %dma_start3A_111 : memref<1x64xf32, #tpu.memory_space<hbm>> -> memref<64xf32, #tpu.memory_space<hbm>>
      %dma_start3A_113 = arith.constant 0 : i32
      %dma_start3A_114 = tpu.memref_slice %arg14[%add3A_79, %dma_start3A_113] : memref<256x64xf32, #tpu.memory_space<vmem>> -> memref<1x64xf32, #tpu.memory_space<vmem>>
      %dma_start3A_115 = tpu.memref_squeeze %dma_start3A_114 : memref<1x64xf32, #tpu.memory_space<vmem>> -> memref<64xf32, #tpu.memory_space<vmem>>
      %dma_start3A_116 = arith.constant 0 : i32
      %dma_start3A_117 = tpu.memref_slice %arg6[%squeeze3A_106, %dma_start3A_116] : memref<1000x64xf32, #tpu.memory_space<hbm>> -> memref<1x64xf32, #tpu.memory_space<hbm>>
      %dma_start3A_118 = tpu.memref_squeeze %dma_start3A_117 : memref<1x64xf32, #tpu.memory_space<hbm>> -> memref<64xf32, #tpu.memory_space<hbm>>
      tpu.enqueue_dma source(%dma_start3A_118 : memref<64xf32, #tpu.memory_space<hbm>>) target(%dma_start3A_115 : memref<64xf32, #tpu.memory_space<vmem>>) target_semaphore(%arg17 : memref<!tpu.dma_semaphore, #tpu.memory_space<semaphore_mem>>)
      %mul3A_119 = arith.constant 16 : i32
      %mul3A_120 = arith.muli %add3A_63, %mul3A_119 : i32
      %add3A_121 = arith.constant 1 : i32
      %add3A_122 = arith.addi %mul3A_120, %add3A_121 : i32
      %slice3A_123 = vector.extract_strided_slice %get3A_69 {offsets = [1], sizes = [1], strides = [1]} : vector<16xi32> to vector<1xi32>
      %squeeze3A_124 = vector.extract %slice3A_123[0] : i32 from vector<1xi32>
      %dma_start3A_125 = arith.constant 0 : i32
      %dma_start3A_126 = tpu.memref_slice %arg13[%add3A_122, %dma_start3A_125] : memref<256x64xf32, #tpu.memory_space<vmem>> -> memref<1x64xf32, #tpu.memory_space<vmem>>
      %dma_start3A_127 = tpu.memref_squeeze %dma_start3A_126 : memref<1x64xf32, #tpu.memory_space<vmem>> -> memref<64xf32, #tpu.memory_space<vmem>>
      %dma_start3A_128 = arith.constant 0 : i32
      %dma_start3A_129 = tpu.memref_slice %arg5[%squeeze3A_124, %dma_start3A_128] : memref<1000000x64xf32, #tpu.memory_space<hbm>> -> memref<1x64xf32, #tpu.memory_space<hbm>>
      %dma_start3A_130 = tpu.memref_squeeze %dma_start3A_129 : memref<1x64xf32, #tpu.memory_space<hbm>> -> memref<64xf32, #tpu.memory_space<hbm>>
      %dma_start3A_131 = arith.constant 0 : i32
      %dma_start3A_132 = tpu.memref_slice %arg13[%add3A_122, %dma_start3A_131] : memref<256x64xf32, #tpu.memory_space<vmem>> -> memref<1x64xf32, #tpu.memory_space<vmem>>
      %dma_start3A_133 = tpu.memref_squeeze %dma_start3A_132 : memref<1x64xf32, #tpu.memory_space<vmem>> -> memref<64xf32, #tpu.memory_space<vmem>>
      %dma_start3A_134 = arith.constant 0 : i32
      %dma_start3A_135 = tpu.memref_slice %arg5[%squeeze3A_124, %dma_start3A_134] : memref<1000000x64xf32, #tpu.memory_space<hbm>> -> memref<1x64xf32, #tpu.memory_space<hbm>>
      %dma_start3A_136 = tpu.memref_squeeze %dma_start3A_135 : memref<1x64xf32, #tpu.memory_space<hbm>> -> memref<64xf32, #tpu.memory_space<hbm>>
      tpu.enqueue_dma source(%dma_start3A_136 : memref<64xf32, #tpu.memory_space<hbm>>) target(%dma_start3A_133 : memref<64xf32, #tpu.memory_space<vmem>>) target_semaphore(%arg16 : memref<!tpu.dma_semaphore, #tpu.memory_space<semaphore_mem>>)
      %slice3A_137 = vector.extract_strided_slice %get3A_72 {offsets = [1], sizes = [1], strides = [1]} : vector<16xi32> to vector<1xi32>
      %squeeze3A_138 = vector.extract %slice3A_137[0] : i32 from vector<1xi32>
      %dma_start3A_139 = arith.constant 0 : i32
      %dma_start3A_140 = tpu.memref_slice %arg15[%add3A_122, %dma_start3A_139] : memref<256x64xf32, #tpu.memory_space<vmem>> -> memref<1x64xf32, #tpu.memory_space<vmem>>
      %dma_start3A_141 = tpu.memref_squeeze %dma_start3A_140 : memref<1x64xf32, #tpu.memory_space<vmem>> -> memref<64xf32, #tpu.memory_space<vmem>>
      %dma_start3A_142 = arith.constant 0 : i32
      %dma_start3A_143 = tpu.memref_slice %arg5[%squeeze3A_138, %dma_start3A_142] : memref<1000000x64xf32, #tpu.memory_space<hbm>> -> memref<1x64xf32, #tpu.memory_space<hbm>>
      %dma_start3A_144 = tpu.memref_squeeze %dma_start3A_143 : memref<1x64xf32, #tpu.memory_space<hbm>> -> memref<64xf32, #tpu.memory_space<hbm>>
      %dma_start3A_145 = arith.constant 0 : i32
      %dma_start3A_146 = tpu.memref_slice %arg15[%add3A_122, %dma_start3A_145] : memref<256x64xf32, #tpu.memory_space<vmem>> -> memref<1x64xf32, #tpu.memory_space<vmem>>
      %dma_start3A_147 = tpu.memref_squeeze %dma_start3A_146 : memref<1x64xf32, #tpu.memory_space<vmem>> -> memref<64xf32, #tpu.memory_space<vmem>>
      %dma_start3A_148 = arith.constant 0 : i32
      %dma_start3A_149 = tpu.memref_slice %arg5[%squeeze3A_138, %dma_start3A_148] : memref<1000000x64xf32, #tpu.memory_space<hbm>> -> memref<1x64xf32, #tpu.memory_space<hbm>>
      %dma_start3A_150 = tpu.memref_squeeze %dma_start3A_149 : memref<1x64xf32, #tpu.memory_space<hbm>> -> memref<64xf32, #tpu.memory_space<hbm>>
      tpu.enqueue_dma source(%dma_start3A_150 : memref<64xf32, #tpu.memory_space<hbm>>) target(%dma_start3A_147 : memref<64xf32, #tpu.memory_space<vmem>>) target_semaphore(%arg18 : memref<!tpu.dma_semaphore, #tpu.memory_space<semaphore_mem>>)
      %slice3A_151 = vector.extract_strided_slice %get3A_75 {offsets = [1], sizes = [1], strides = [1]} : vector<16xi32> to vector<1xi32>
      %squeeze3A_152 = vector.extract %slice3A_151[0] : i32 from vector<1xi32>
      %dma_start3A_153 = arith.constant 0 : i32
      %dma_start3A_154 = tpu.memref_slice %arg14[%add3A_122, %dma_start3A_153] : memref<256x64xf32, #tpu.memory_space<vmem>> -> memref<1x64xf32, #tpu.memory_space<vmem>>
      %dma_start3A_155 = tpu.memref_squeeze %dma_start3A_154 : memref<1x64xf32, #tpu.memory_space<vmem>> -> memref<64xf32, #tpu.memory_space<vmem>>
      %dma_start3A_156 = arith.constant 0 : i32
      %dma_start3A_157 = tpu.memref_slice %arg6[%squeeze3A_152, %dma_start3A_156] : memref<1000x64xf32, #tpu.memory_space<hbm>> -> memref<1x64xf32, #tpu.memory_space<hbm>>
      %dma_start3A_158 = tpu.memref_squeeze %dma_start3A_157 : memref<1x64xf32, #tpu.memory_space<hbm>> -> memref<64xf32, #tpu.memory_space<hbm>>
      %dma_start3A_159 = arith.constant 0 : i32
      %dma_start3A_160 = tpu.memref_slice %arg14[%add3A_122, %dma_start3A_159] : memref<256x64xf32, #tpu.memory_space<vmem>> -> memref<1x64xf32, #tpu.memory_space<vmem>>
      %dma_start3A_161 = tpu.memref_squeeze %dma_start3A_160 : memref<1x64xf32, #tpu.memory_space<vmem>> -> memref<64xf32, #tpu.memory_space<vmem>>
      %dma_start3A_162 = arith.constant 0 : i32
      %dma_start3A_163 = tpu.memref_slice %arg6[%squeeze3A_152, %dma_start3A_162] : memref<1000x64xf32, #tpu.memory_space<hbm>> -> memref<1x64xf32, #tpu.memory_space<hbm>>
      %dma_start3A_164 = tpu.memref_squeeze %dma_start3A_163 : memref<1x64xf32, #tpu.memory_space<hbm>> -> memref<64xf32, #tpu.memory_space<hbm>>
      tpu.enqueue_dma source(%dma_start3A_164 : memref<64xf32, #tpu.memory_space<hbm>>) target(%dma_start3A_161 : memref<64xf32, #tpu.memory_space<vmem>>) target_semaphore(%arg17 : memref<!tpu.dma_semaphore, #tpu.memory_space<semaphore_mem>>)
      %mul3A_165 = arith.constant 16 : i32
      %mul3A_166 = arith.muli %add3A_63, %mul3A_165 : i32
      %add3A_167 = arith.constant 2 : i32
      %add3A_168 = arith.addi %mul3A_166, %add3A_167 : i32
      %slice3A_169 = vector.extract_strided_slice %get3A_69 {offsets = [2], sizes = [1], strides = [1]} : vector<16xi32> to vector<1xi32>
      %squeeze3A_170 = vector.extract %slice3A_169[0] : i32 from vector<1xi32>
      %dma_start3A_171 = arith.constant 0 : i32
      %dma_start3A_172 = tpu.memref_slice %arg13[%add3A_168, %dma_start3A_171] : memref<256x64xf32, #tpu.memory_space<vmem>> -> memref<1x64xf32, #tpu.memory_space<vmem>>
      %dma_start3A_173 = tpu.memref_squeeze %dma_start3A_172 : memref<1x64xf32, #tpu.memory_space<vmem>> -> memref<64xf32, #tpu.memory_space<vmem>>
      %dma_start3A_174 = arith.constant 0 : i32
      %dma_start3A_175 = tpu.memref_slice %arg5[%squeeze3A_170, %dma_start3A_174] : memref<1000000x64xf32, #tpu.memory_space<hbm>> -> memref<1x64xf32, #tpu.memory_space<hbm>>
      %dma_start3A_176 = tpu.memref_squeeze %dma_start3A_175 : memref<1x64xf32, #tpu.memory_space<hbm>> -> memref<64xf32, #tpu.memory_space<hbm>>
      %dma_start3A_177 = arith.constant 0 : i32
      %dma_start3A_178 = tpu.memref_slice %arg13[%add3A_168, %dma_start3A_177] : memref<256x64xf32, #tpu.memory_space<vmem>> -> memref<1x64xf32, #tpu.memory_space<vmem>>
      %dma_start3A_179 = tpu.memref_squeeze %dma_start3A_178 : memref<1x64xf32, #tpu.memory_space<vmem>> -> memref<64xf32, #tpu.memory_space<vmem>>
      %dma_start3A_180 = arith.constant 0 : i32
      %dma_start3A_181 = tpu.memref_slice %arg5[%squeeze3A_170, %dma_start3A_180] : memref<1000000x64xf32, #tpu.memory_space<hbm>> -> memref<1x64xf32, #tpu.memory_space<hbm>>
      %dma_start3A_182 = tpu.memref_squeeze %dma_start3A_181 : memref<1x64xf32, #tpu.memory_space<hbm>> -> memref<64xf32, #tpu.memory_space<hbm>>
      tpu.enqueue_dma source(%dma_start3A_182 : memref<64xf32, #tpu.memory_space<hbm>>) target(%dma_start3A_179 : memref<64xf32, #tpu.memory_space<vmem>>) target_semaphore(%arg16 : memref<!tpu.dma_semaphore, #tpu.memory_space<semaphore_mem>>)
      %slice3A_183 = vector.extract_strided_slice %get3A_72 {offsets = [2], sizes = [1], strides = [1]} : vector<16xi32> to vector<1xi32>
      %squeeze3A_184 = vector.extract %slice3A_183[0] : i32 from vector<1xi32>
      %dma_start3A_185 = arith.constant 0 : i32
      %dma_start3A_186 = tpu.memref_slice %arg15[%add3A_168, %dma_start3A_185] : memref<256x64xf32, #tpu.memory_space<vmem>> -> memref<1x64xf32, #tpu.memory_space<vmem>>
      %dma_start3A_187 = tpu.memref_squeeze %dma_start3A_186 : memref<1x64xf32, #tpu.memory_space<vmem>> -> memref<64xf32, #tpu.memory_space<vmem>>
      %dma_start3A_188 = arith.constant 0 : i32
      %dma_start3A_189 = tpu.memref_slice %arg5[%squeeze3A_184, %dma_start3A_188] : memref<1000000x64xf32, #tpu.memory_space<hbm>> -> memref<1x64xf32, #tpu.memory_space<hbm>>
      %dma_start3A_190 = tpu.memref_squeeze %dma_start3A_189 : memref<1x64xf32, #tpu.memory_space<hbm>> -> memref<64xf32, #tpu.memory_space<hbm>>
      %dma_start3A_191 = arith.constant 0 : i32
      %dma_start3A_192 = tpu.memref_slice %arg15[%add3A_168, %dma_start3A_191] : memref<256x64xf32, #tpu.memory_space<vmem>> -> memref<1x64xf32, #tpu.memory_space<vmem>>
      %dma_start3A_193 = tpu.memref_squeeze %dma_start3A_192 : memref<1x64xf32, #tpu.memory_space<vmem>> -> memref<64xf32, #tpu.memory_space<vmem>>
      %dma_start3A_194 = arith.constant 0 : i32
      %dma_start3A_195 = tpu.memref_slice %arg5[%squeeze3A_184, %dma_start3A_194] : memref<1000000x64xf32, #tpu.memory_space<hbm>> -> memref<1x64xf32, #tpu.memory_space<hbm>>
      %dma_start3A_196 = tpu.memref_squeeze %dma_start3A_195 : memref<1x64xf32, #tpu.memory_space<hbm>> -> memref<64xf32, #tpu.memory_space<hbm>>
      tpu.enqueue_dma source(%dma_start3A_196 : memref<64xf32, #tpu.memory_space<hbm>>) target(%dma_start3A_193 : memref<64xf32, #tpu.memory_space<vmem>>) target_semaphore(%arg18 : memref<!tpu.dma_semaphore, #tpu.memory_space<semaphore_mem>>)
      %slice3A_197 = vector.extract_strided_slice %get3A_75 {offsets = [2], sizes = [1], strides = [1]} : vector<16xi32> to vector<1xi32>
      %squeeze3A_198 = vector.extract %slice3A_197[0] : i32 from vector<1xi32>
      %dma_start3A_199 = arith.constant 0 : i32
      %dma_start3A_200 = tpu.memref_slice %arg14[%add3A_168, %dma_start3A_199] : memref<256x64xf32, #tpu.memory_space<vmem>> -> memref<1x64xf32, #tpu.memory_space<vmem>>
      %dma_start3A_201 = tpu.memref_squeeze %dma_start3A_200 : memref<1x64xf32, #tpu.memory_space<vmem>> -> memref<64xf32, #tpu.memory_space<vmem>>
      %dma_start3A_202 = arith.constant 0 : i32
      %dma_start3A_203 = tpu.memref_slice %arg6[%squeeze3A_198, %dma_start3A_202] : memref<1000x64xf32, #tpu.memory_space<hbm>> -> memref<1x64xf32, #tpu.memory_space<hbm>>
      %dma_start3A_204 = tpu.memref_squeeze %dma_start3A_203 : memref<1x64xf32, #tpu.memory_space<hbm>> -> memref<64xf32, #tpu.memory_space<hbm>>
      %dma_start3A_205 = arith.constant 0 : i32
      %dma_start3A_206 = tpu.memref_slice %arg14[%add3A_168, %dma_start3A_205] : memref<256x64xf32, #tpu.memory_space<vmem>> -> memref<1x64xf32, #tpu.memory_space<vmem>>
      %dma_start3A_207 = tpu.memref_squeeze %dma_start3A_206 : memref<1x64xf32, #tpu.memory_space<vmem>> -> memref<64xf32, #tpu.memory_space<vmem>>
      %dma_start3A_208 = arith.constant 0 : i32
      %dma_start3A_209 = tpu.memref_slice %arg6[%squeeze3A_198, %dma_start3A_208] : memref<1000x64xf32, #tpu.memory_space<hbm>> -> memref<1x64xf32, #tpu.memory_space<hbm>>
      %dma_start3A_210 = tpu.memref_squeeze %dma_start3A_209 : memref<1x64xf32, #tpu.memory_space<hbm>> -> memref<64xf32, #tpu.memory_space<hbm>>
      tpu.enqueue_dma source(%dma_start3A_210 : memref<64xf32, #tpu.memory_space<hbm>>) target(%dma_start3A_207 : memref<64xf32, #tpu.memory_space<vmem>>) target_semaphore(%arg17 : memref<!tpu.dma_semaphore, #tpu.memory_space<semaphore_mem>>)
      %mul3A_211 = arith.constant 16 : i32
      %mul3A_212 = arith.muli %add3A_63, %mul3A_211 : i32
      %add3A_213 = arith.constant 3 : i32
      %add3A_214 = arith.addi %mul3A_212, %add3A_213 : i32
      %slice3A_215 = vector.extract_strided_slice %get3A_69 {offsets = [3], sizes = [1], strides = [1]} : vector<16xi32> to vector<1xi32>
      %squeeze3A_216 = vector.extract %slice3A_215[0] : i32 from vector<1xi32>
      %dma_start3A_217 = arith.constant 0 : i32
      %dma_start3A_218 = tpu.memref_slice %arg13[%add3A_214, %dma_start3A_217] : memref<256x64xf32, #tpu.memory_space<vmem>> -> memref<1x64xf32, #tpu.memory_space<vmem>>
      %dma_start3A_219 = tpu.memref_squeeze %dma_start3A_218 : memref<1x64xf32, #tpu.memory_space<vmem>> -> memref<64xf32, #tpu.memory_space<vmem>>
      %dma_start3A_220 = arith.constant 0 : i32
      %dma_start3A_221 = tpu.memref_slice %arg5[%squeeze3A_216, %dma_start3A_220] : memref<1000000x64xf32, #tpu.memory_space<hbm>> -> memref<1x64xf32, #tpu.memory_space<hbm>>
      %dma_start3A_222 = tpu.memref_squeeze %dma_start3A_221 : memref<1x64xf32, #tpu.memory_space<hbm>> -> memref<64xf32, #tpu.memory_space<hbm>>
      %dma_start3A_223 = arith.constant 0 : i32
      %dma_start3A_224 = tpu.memref_slice %arg13[%add3A_214, %dma_start3A_223] : memref<256x64xf32, #tpu.memory_space<vmem>> -> memref<1x64xf32, #tpu.memory_space<vmem>>
      %dma_start3A_225 = tpu.memref_squeeze %dma_start3A_224 : memref<1x64xf32, #tpu.memory_space<vmem>> -> memref<64xf32, #tpu.memory_space<vmem>>
      %dma_start3A_226 = arith.constant 0 : i32
      %dma_start3A_227 = tpu.memref_slice %arg5[%squeeze3A_216, %dma_start3A_226] : memref<1000000x64xf32, #tpu.memory_space<hbm>> -> memref<1x64xf32, #tpu.memory_space<hbm>>
      %dma_start3A_228 = tpu.memref_squeeze %dma_start3A_227 : memref<1x64xf32, #tpu.memory_space<hbm>> -> memref<64xf32, #tpu.memory_space<hbm>>
      tpu.enqueue_dma source(%dma_start3A_228 : memref<64xf32, #tpu.memory_space<hbm>>) target(%dma_start3A_225 : memref<64xf32, #tpu.memory_space<vmem>>) target_semaphore(%arg16 : memref<!tpu.dma_semaphore, #tpu.memory_space<semaphore_mem>>)
      %slice3A_229 = vector.extract_strided_slice %get3A_72 {offsets = [3], sizes = [1], strides = [1]} : vector<16xi32> to vector<1xi32>
      %squeeze3A_230 = vector.extract %slice3A_229[0] : i32 from vector<1xi32>
      %dma_start3A_231 = arith.constant 0 : i32
      %dma_start3A_232 = tpu.memref_slice %arg15[%add3A_214, %dma_start3A_231] : memref<256x64xf32, #tpu.memory_space<vmem>> -> memref<1x64xf32, #tpu.memory_space<vmem>>
      %dma_start3A_233 = tpu.memref_squeeze %dma_start3A_232 : memref<1x64xf32, #tpu.memory_space<vmem>> -> memref<64xf32, #tpu.memory_space<vmem>>
      %dma_start3A_234 = arith.constant 0 : i32
      %dma_start3A_235 = tpu.memref_slice %arg5[%squeeze3A_230, %dma_start3A_234] : memref<1000000x64xf32, #tpu.memory_space<hbm>> -> memref<1x64xf32, #tpu.memory_space<hbm>>
      %dma_start3A_236 = tpu.memref_squeeze %dma_start3A_235 : memref<1x64xf32, #tpu.memory_space<hbm>> -> memref<64xf32, #tpu.memory_space<hbm>>
      %dma_start3A_237 = arith.constant 0 : i32
      %dma_start3A_238 = tpu.memref_slice %arg15[%add3A_214, %dma_start3A_237] : memref<256x64xf32, #tpu.memory_space<vmem>> -> memref<1x64xf32, #tpu.memory_space<vmem>>
      %dma_start3A_239 = tpu.memref_squeeze %dma_start3A_238 : memref<1x64xf32, #tpu.memory_space<vmem>> -> memref<64xf32, #tpu.memory_space<vmem>>
      %dma_start3A_240 = arith.constant 0 : i32
      %dma_start3A_241 = tpu.memref_slice %arg5[%squeeze3A_230, %dma_start3A_240] : memref<1000000x64xf32, #tpu.memory_space<hbm>> -> memref<1x64xf32, #tpu.memory_space<hbm>>
      %dma_start3A_242 = tpu.memref_squeeze %dma_start3A_241 : memref<1x64xf32, #tpu.memory_space<hbm>> -> memref<64xf32, #tpu.memory_space<hbm>>
      tpu.enqueue_dma source(%dma_start3A_242 : memref<64xf32, #tpu.memory_space<hbm>>) target(%dma_start3A_239 : memref<64xf32, #tpu.memory_space<vmem>>) target_semaphore(%arg18 : memref<!tpu.dma_semaphore, #tpu.memory_space<semaphore_mem>>)
      %slice3A_243 = vector.extract_strided_slice %get3A_75 {offsets = [3], sizes = [1], strides = [1]} : vector<16xi32> to vector<1xi32>
      %squeeze3A_244 = vector.extract %slice3A_243[0] : i32 from vector<1xi32>
      %dma_start3A_245 = arith.constant 0 : i32
      %dma_start3A_246 = tpu.memref_slice %arg14[%add3A_214, %dma_start3A_245] : memref<256x64xf32, #tpu.memory_space<vmem>> -> memref<1x64xf32, #tpu.memory_space<vmem>>
      %dma_start3A_247 = tpu.memref_squeeze %dma_start3A_246 : memref<1x64xf32, #tpu.memory_space<vmem>> -> memref<64xf32, #tpu.memory_space<vmem>>
      %dma_start3A_248 = arith.constant 0 : i32
      %dma_start3A_249 = tpu.memref_slice %arg6[%squeeze3A_244, %dma_start3A_248] : memref<1000x64xf32, #tpu.memory_space<hbm>> -> memref<1x64xf32, #tpu.memory_space<hbm>>
      %dma_start3A_250 = tpu.memref_squeeze %dma_start3A_249 : memref<1x64xf32, #tpu.memory_space<hbm>> -> memref<64xf32, #tpu.memory_space<hbm>>
      %dma_start3A_251 = arith.constant 0 : i32
      %dma_start3A_252 = tpu.memref_slice %arg14[%add3A_214, %dma_start3A_251] : memref<256x64xf32, #tpu.memory_space<vmem>> -> memref<1x64xf32, #tpu.memory_space<vmem>>
      %dma_start3A_253 = tpu.memref_squeeze %dma_start3A_252 : memref<1x64xf32, #tpu.memory_space<vmem>> -> memref<64xf32, #tpu.memory_space<vmem>>
      %dma_start3A_254 = arith.constant 0 : i32
      %dma_start3A_255 = tpu.memref_slice %arg6[%squeeze3A_244, %dma_start3A_254] : memref<1000x64xf32, #tpu.memory_space<hbm>> -> memref<1x64xf32, #tpu.memory_space<hbm>>
      %dma_start3A_256 = tpu.memref_squeeze %dma_start3A_255 : memref<1x64xf32, #tpu.memory_space<hbm>> -> memref<64xf32, #tpu.memory_space<hbm>>
      tpu.enqueue_dma source(%dma_start3A_256 : memref<64xf32, #tpu.memory_space<hbm>>) target(%dma_start3A_253 : memref<64xf32, #tpu.memory_space<vmem>>) target_semaphore(%arg17 : memref<!tpu.dma_semaphore, #tpu.memory_space<semaphore_mem>>)
      %mul3A_257 = arith.constant 16 : i32
      %mul3A_258 = arith.muli %add3A_63, %mul3A_257 : i32
      %add3A_259 = arith.constant 4 : i32
      %add3A_260 = arith.addi %mul3A_258, %add3A_259 : i32
      %slice3A_261 = vector.extract_strided_slice %get3A_69 {offsets = [4], sizes = [1], strides = [1]} : vector<16xi32> to vector<1xi32>
      %squeeze3A_262 = vector.extract %slice3A_261[0] : i32 from vector<1xi32>
      %dma_start3A_263 = arith.constant 0 : i32
      %dma_start3A_264 = tpu.memref_slice %arg13[%add3A_260, %dma_start3A_263] : memref<256x64xf32, #tpu.memory_space<vmem>> -> memref<1x64xf32, #tpu.memory_space<vmem>>
      %dma_start3A_265 = tpu.memref_squeeze %dma_start3A_264 : memref<1x64xf32, #tpu.memory_space<vmem>> -> memref<64xf32, #tpu.memory_space<vmem>>
      %dma_start3A_266 = arith.constant 0 : i32
      %dma_start3A_267 = tpu.memref_slice %arg5[%squeeze3A_262, %dma_start3A_266] : memref<1000000x64xf32, #tpu.memory_space<hbm>> -> memref<1x64xf32, #tpu.memory_space<hbm>>
      %dma_start3A_268 = tpu.memref_squeeze %dma_start3A_267 : memref<1x64xf32, #tpu.memory_space<hbm>> -> memref<64xf32, #tpu.memory_space<hbm>>
      %dma_start3A_269 = arith.constant 0 : i32
      %dma_start3A_270 = tpu.memref_slice %arg13[%add3A_260, %dma_start3A_269] : memref<256x64xf32, #tpu.memory_space<vmem>> -> memref<1x64xf32, #tpu.memory_space<vmem>>
      %dma_start3A_271 = tpu.memref_squeeze %dma_start3A_270 : memref<1x64xf32, #tpu.memory_space<vmem>> -> memref<64xf32, #tpu.memory_space<vmem>>
      %dma_start3A_272 = arith.constant 0 : i32
      %dma_start3A_273 = tpu.memref_slice %arg5[%squeeze3A_262, %dma_start3A_272] : memref<1000000x64xf32, #tpu.memory_space<hbm>> -> memref<1x64xf32, #tpu.memory_space<hbm>>
      %dma_start3A_274 = tpu.memref_squeeze %dma_start3A_273 : memref<1x64xf32, #tpu.memory_space<hbm>> -> memref<64xf32, #tpu.memory_space<hbm>>
      tpu.enqueue_dma source(%dma_start3A_274 : memref<64xf32, #tpu.memory_space<hbm>>) target(%dma_start3A_271 : memref<64xf32, #tpu.memory_space<vmem>>) target_semaphore(%arg16 : memref<!tpu.dma_semaphore, #tpu.memory_space<semaphore_mem>>)
      %slice3A_275 = vector.extract_strided_slice %get3A_72 {offsets = [4], sizes = [1], strides = [1]} : vector<16xi32> to vector<1xi32>
      %squeeze3A_276 = vector.extract %slice3A_275[0] : i32 from vector<1xi32>
      %dma_start3A_277 = arith.constant 0 : i32
      %dma_start3A_278 = tpu.memref_slice %arg15[%add3A_260, %dma_start3A_277] : memref<256x64xf32, #tpu.memory_space<vmem>> -> memref<1x64xf32, #tpu.memory_space<vmem>>
      %dma_start3A_279 = tpu.memref_squeeze %dma_start3A_278 : memref<1x64xf32, #tpu.memory_space<vmem>> -> memref<64xf32, #tpu.memory_space<vmem>>
      %dma_start3A_280 = arith.constant 0 : i32
      %dma_start3A_281 = tpu.memref_slice %arg5[%squeeze3A_276, %dma_start3A_280] : memref<1000000x64xf32, #tpu.memory_space<hbm>> -> memref<1x64xf32, #tpu.memory_space<hbm>>
      %dma_start3A_282 = tpu.memref_squeeze %dma_start3A_281 : memref<1x64xf32, #tpu.memory_space<hbm>> -> memref<64xf32, #tpu.memory_space<hbm>>
      %dma_start3A_283 = arith.constant 0 : i32
      %dma_start3A_284 = tpu.memref_slice %arg15[%add3A_260, %dma_start3A_283] : memref<256x64xf32, #tpu.memory_space<vmem>> -> memref<1x64xf32, #tpu.memory_space<vmem>>
      %dma_start3A_285 = tpu.memref_squeeze %dma_start3A_284 : memref<1x64xf32, #tpu.memory_space<vmem>> -> memref<64xf32, #tpu.memory_space<vmem>>
      %dma_start3A_286 = arith.constant 0 : i32
      %dma_start3A_287 = tpu.memref_slice %arg5[%squeeze3A_276, %dma_start3A_286] : memref<1000000x64xf32, #tpu.memory_space<hbm>> -> memref<1x64xf32, #tpu.memory_space<hbm>>
      %dma_start3A_288 = tpu.memref_squeeze %dma_start3A_287 : memref<1x64xf32, #tpu.memory_space<hbm>> -> memref<64xf32, #tpu.memory_space<hbm>>
      tpu.enqueue_dma source(%dma_start3A_288 : memref<64xf32, #tpu.memory_space<hbm>>) target(%dma_start3A_285 : memref<64xf32, #tpu.memory_space<vmem>>) target_semaphore(%arg18 : memref<!tpu.dma_semaphore, #tpu.memory_space<semaphore_mem>>)
      %slice3A_289 = vector.extract_strided_slice %get3A_75 {offsets = [4], sizes = [1], strides = [1]} : vector<16xi32> to vector<1xi32>
      %squeeze3A_290 = vector.extract %slice3A_289[0] : i32 from vector<1xi32>
      %dma_start3A_291 = arith.constant 0 : i32
      %dma_start3A_292 = tpu.memref_slice %arg14[%add3A_260, %dma_start3A_291] : memref<256x64xf32, #tpu.memory_space<vmem>> -> memref<1x64xf32, #tpu.memory_space<vmem>>
      %dma_start3A_293 = tpu.memref_squeeze %dma_start3A_292 : memref<1x64xf32, #tpu.memory_space<vmem>> -> memref<64xf32, #tpu.memory_space<vmem>>
      %dma_start3A_294 = arith.constant 0 : i32
      %dma_start3A_295 = tpu.memref_slice %arg6[%squeeze3A_290, %dma_start3A_294] : memref<1000x64xf32, #tpu.memory_space<hbm>> -> memref<1x64xf32, #tpu.memory_space<hbm>>
      %dma_start3A_296 = tpu.memref_squeeze %dma_start3A_295 : memref<1x64xf32, #tpu.memory_space<hbm>> -> memref<64xf32, #tpu.memory_space<hbm>>
      %dma_start3A_297 = arith.constant 0 : i32
      %dma_start3A_298 = tpu.memref_slice %arg14[%add3A_260, %dma_start3A_297] : memref<256x64xf32, #tpu.memory_space<vmem>> -> memref<1x64xf32, #tpu.memory_space<vmem>>
      %dma_start3A_299 = tpu.memref_squeeze %dma_start3A_298 : memref<1x64xf32, #tpu.memory_space<vmem>> -> memref<64xf32, #tpu.memory_space<vmem>>
      %dma_start3A_300 = arith.constant 0 : i32
      %dma_start3A_301 = tpu.memref_slice %arg6[%squeeze3A_290, %dma_start3A_300] : memref<1000x64xf32, #tpu.memory_space<hbm>> -> memref<1x64xf32, #tpu.memory_space<hbm>>
      %dma_start3A_302 = tpu.memref_squeeze %dma_start3A_301 : memref<1x64xf32, #tpu.memory_space<hbm>> -> memref<64xf32, #tpu.memory_space<hbm>>
      tpu.enqueue_dma source(%dma_start3A_302 : memref<64xf32, #tpu.memory_space<hbm>>) target(%dma_start3A_299 : memref<64xf32, #tpu.memory_space<vmem>>) target_semaphore(%arg17 : memref<!tpu.dma_semaphore, #tpu.memory_space<semaphore_mem>>)
      %mul3A_303 = arith.constant 16 : i32
      %mul3A_304 = arith.muli %add3A_63, %mul3A_303 : i32
      %add3A_305 = arith.constant 5 : i32
      %add3A_306 = arith.addi %mul3A_304, %add3A_305 : i32
      %slice3A_307 = vector.extract_strided_slice %get3A_69 {offsets = [5], sizes = [1], strides = [1]} : vector<16xi32> to vector<1xi32>
      %squeeze3A_308 = vector.extract %slice3A_307[0] : i32 from vector<1xi32>
      %dma_start3A_309 = arith.constant 0 : i32
      %dma_start3A_310 = tpu.memref_slice %arg13[%add3A_306, %dma_start3A_309] : memref<256x64xf32, #tpu.memory_space<vmem>> -> memref<1x64xf32, #tpu.memory_space<vmem>>
      %dma_start3A_311 = tpu.memref_squeeze %dma_start3A_310 : memref<1x64xf32, #tpu.memory_space<vmem>> -> memref<64xf32, #tpu.memory_space<vmem>>
      %dma_start3A_312 = arith.constant 0 : i32
      %dma_start3A_313 = tpu.memref_slice %arg5[%squeeze3A_308, %dma_start3A_312] : memref<1000000x64xf32, #tpu.memory_space<hbm>> -> memref<1x64xf32, #tpu.memory_space<hbm>>
      %dma_start3A_314 = tpu.memref_squeeze %dma_start3A_313 : memref<1x64xf32, #tpu.memory_space<hbm>> -> memref<64xf32, #tpu.memory_space<hbm>>
      %dma_start3A_315 = arith.constant 0 : i32
      %dma_start3A_316 = tpu.memref_slice %arg13[%add3A_306, %dma_start3A_315] : memref<256x64xf32, #tpu.memory_space<vmem>> -> memref<1x64xf32, #tpu.memory_space<vmem>>
      %dma_start3A_317 = tpu.memref_squeeze %dma_start3A_316 : memref<1x64xf32, #tpu.memory_space<vmem>> -> memref<64xf32, #tpu.memory_space<vmem>>
      %dma_start3A_318 = arith.constant 0 : i32
      %dma_start3A_319 = tpu.memref_slice %arg5[%squeeze3A_308, %dma_start3A_318] : memref<1000000x64xf32, #tpu.memory_space<hbm>> -> memref<1x64xf32, #tpu.memory_space<hbm>>
      %dma_start3A_320 = tpu.memref_squeeze %dma_start3A_319 : memref<1x64xf32, #tpu.memory_space<hbm>> -> memref<64xf32, #tpu.memory_space<hbm>>
      tpu.enqueue_dma source(%dma_start3A_320 : memref<64xf32, #tpu.memory_space<hbm>>) target(%dma_start3A_317 : memref<64xf32, #tpu.memory_space<vmem>>) target_semaphore(%arg16 : memref<!tpu.dma_semaphore, #tpu.memory_space<semaphore_mem>>)
      %slice3A_321 = vector.extract_strided_slice %get3A_72 {offsets = [5], sizes = [1], strides = [1]} : vector<16xi32> to vector<1xi32>
      %squeeze3A_322 = vector.extract %slice3A_321[0] : i32 from vector<1xi32>
      %dma_start3A_323 = arith.constant 0 : i32
      %dma_start3A_324 = tpu.memref_slice %arg15[%add3A_306, %dma_start3A_323] : memref<256x64xf32, #tpu.memory_space<vmem>> -> memref<1x64xf32, #tpu.memory_space<vmem>>
      %dma_start3A_325 = tpu.memref_squeeze %dma_start3A_324 : memref<1x64xf32, #tpu.memory_space<vmem>> -> memref<64xf32, #tpu.memory_space<vmem>>
      %dma_start3A_326 = arith.constant 0 : i32
      %dma_start3A_327 = tpu.memref_slice %arg5[%squeeze3A_322, %dma_start3A_326] : memref<1000000x64xf32, #tpu.memory_space<hbm>> -> memref<1x64xf32, #tpu.memory_space<hbm>>
      %dma_start3A_328 = tpu.memref_squeeze %dma_start3A_327 : memref<1x64xf32, #tpu.memory_space<hbm>> -> memref<64xf32, #tpu.memory_space<hbm>>
      %dma_start3A_329 = arith.constant 0 : i32
      %dma_start3A_330 = tpu.memref_slice %arg15[%add3A_306, %dma_start3A_329] : memref<256x64xf32, #tpu.memory_space<vmem>> -> memref<1x64xf32, #tpu.memory_space<vmem>>
      %dma_start3A_331 = tpu.memref_squeeze %dma_start3A_330 : memref<1x64xf32, #tpu.memory_space<vmem>> -> memref<64xf32, #tpu.memory_space<vmem>>
      %dma_start3A_332 = arith.constant 0 : i32
      %dma_start3A_333 = tpu.memref_slice %arg5[%squeeze3A_322, %dma_start3A_332] : memref<1000000x64xf32, #tpu.memory_space<hbm>> -> memref<1x64xf32, #tpu.memory_space<hbm>>
      %dma_start3A_334 = tpu.memref_squeeze %dma_start3A_333 : memref<1x64xf32, #tpu.memory_space<hbm>> -> memref<64xf32, #tpu.memory_space<hbm>>
      tpu.enqueue_dma source(%dma_start3A_334 : memref<64xf32, #tpu.memory_space<hbm>>) target(%dma_start3A_331 : memref<64xf32, #tpu.memory_space<vmem>>) target_semaphore(%arg18 : memref<!tpu.dma_semaphore, #tpu.memory_space<semaphore_mem>>)
      %slice3A_335 = vector.extract_strided_slice %get3A_75 {offsets = [5], sizes = [1], strides = [1]} : vector<16xi32> to vector<1xi32>
      %squeeze3A_336 = vector.extract %slice3A_335[0] : i32 from vector<1xi32>
      %dma_start3A_337 = arith.constant 0 : i32
      %dma_start3A_338 = tpu.memref_slice %arg14[%add3A_306, %dma_start3A_337] : memref<256x64xf32, #tpu.memory_space<vmem>> -> memref<1x64xf32, #tpu.memory_space<vmem>>
      %dma_start3A_339 = tpu.memref_squeeze %dma_start3A_338 : memref<1x64xf32, #tpu.memory_space<vmem>> -> memref<64xf32, #tpu.memory_space<vmem>>
      %dma_start3A_340 = arith.constant 0 : i32
      %dma_start3A_341 = tpu.memref_slice %arg6[%squeeze3A_336, %dma_start3A_340] : memref<1000x64xf32, #tpu.memory_space<hbm>> -> memref<1x64xf32, #tpu.memory_space<hbm>>
      %dma_start3A_342 = tpu.memref_squeeze %dma_start3A_341 : memref<1x64xf32, #tpu.memory_space<hbm>> -> memref<64xf32, #tpu.memory_space<hbm>>
      %dma_start3A_343 = arith.constant 0 : i32
      %dma_start3A_344 = tpu.memref_slice %arg14[%add3A_306, %dma_start3A_343] : memref<256x64xf32, #tpu.memory_space<vmem>> -> memref<1x64xf32, #tpu.memory_space<vmem>>
      %dma_start3A_345 = tpu.memref_squeeze %dma_start3A_344 : memref<1x64xf32, #tpu.memory_space<vmem>> -> memref<64xf32, #tpu.memory_space<vmem>>
      %dma_start3A_346 = arith.constant 0 : i32
      %dma_start3A_347 = tpu.memref_slice %arg6[%squeeze3A_336, %dma_start3A_346] : memref<1000x64xf32, #tpu.memory_space<hbm>> -> memref<1x64xf32, #tpu.memory_space<hbm>>
      %dma_start3A_348 = tpu.memref_squeeze %dma_start3A_347 : memref<1x64xf32, #tpu.memory_space<hbm>> -> memref<64xf32, #tpu.memory_space<hbm>>
      tpu.enqueue_dma source(%dma_start3A_348 : memref<64xf32, #tpu.memory_space<hbm>>) target(%dma_start3A_345 : memref<64xf32, #tpu.memory_space<vmem>>) target_semaphore(%arg17 : memref<!tpu.dma_semaphore, #tpu.memory_space<semaphore_mem>>)
      %mul3A_349 = arith.constant 16 : i32
      %mul3A_350 = arith.muli %add3A_63, %mul3A_349 : i32
      %add3A_351 = arith.constant 6 : i32
      %add3A_352 = arith.addi %mul3A_350, %add3A_351 : i32
      %slice3A_353 = vector.extract_strided_slice %get3A_69 {offsets = [6], sizes = [1], strides = [1]} : vector<16xi32> to vector<1xi32>
      %squeeze3A_354 = vector.extract %slice3A_353[0] : i32 from vector<1xi32>
      %dma_start3A_355 = arith.constant 0 : i32
      %dma_start3A_356 = tpu.memref_slice %arg13[%add3A_352, %dma_start3A_355] : memref<256x64xf32, #tpu.memory_space<vmem>> -> memref<1x64xf32, #tpu.memory_space<vmem>>
      %dma_start3A_357 = tpu.memref_squeeze %dma_start3A_356 : memref<1x64xf32, #tpu.memory_space<vmem>> -> memref<64xf32, #tpu.memory_space<vmem>>
      %dma_start3A_358 = arith.constant 0 : i32
      %dma_start3A_359 = tpu.memref_slice %arg5[%squeeze3A_354, %dma_start3A_358] : memref<1000000x64xf32, #tpu.memory_space<hbm>> -> memref<1x64xf32, #tpu.memory_space<hbm>>
      %dma_start3A_360 = tpu.memref_squeeze %dma_start3A_359 : memref<1x64xf32, #tpu.memory_space<hbm>> -> memref<64xf32, #tpu.memory_space<hbm>>
      %dma_start3A_361 = arith.constant 0 : i32
      %dma_start3A_362 = tpu.memref_slice %arg13[%add3A_352, %dma_start3A_361] : memref<256x64xf32, #tpu.memory_space<vmem>> -> memref<1x64xf32, #tpu.memory_space<vmem>>
      %dma_start3A_363 = tpu.memref_squeeze %dma_start3A_362 : memref<1x64xf32, #tpu.memory_space<vmem>> -> memref<64xf32, #tpu.memory_space<vmem>>
      %dma_start3A_364 = arith.constant 0 : i32
      %dma_start3A_365 = tpu.memref_slice %arg5[%squeeze3A_354, %dma_start3A_364] : memref<1000000x64xf32, #tpu.memory_space<hbm>> -> memref<1x64xf32, #tpu.memory_space<hbm>>
      %dma_start3A_366 = tpu.memref_squeeze %dma_start3A_365 : memref<1x64xf32, #tpu.memory_space<hbm>> -> memref<64xf32, #tpu.memory_space<hbm>>
      tpu.enqueue_dma source(%dma_start3A_366 : memref<64xf32, #tpu.memory_space<hbm>>) target(%dma_start3A_363 : memref<64xf32, #tpu.memory_space<vmem>>) target_semaphore(%arg16 : memref<!tpu.dma_semaphore, #tpu.memory_space<semaphore_mem>>)
      %slice3A_367 = vector.extract_strided_slice %get3A_72 {offsets = [6], sizes = [1], strides = [1]} : vector<16xi32> to vector<1xi32>
      %squeeze3A_368 = vector.extract %slice3A_367[0] : i32 from vector<1xi32>
      %dma_start3A_369 = arith.constant 0 : i32
      %dma_start3A_370 = tpu.memref_slice %arg15[%add3A_352, %dma_start3A_369] : memref<256x64xf32, #tpu.memory_space<vmem>> -> memref<1x64xf32, #tpu.memory_space<vmem>>
      %dma_start3A_371 = tpu.memref_squeeze %dma_start3A_370 : memref<1x64xf32, #tpu.memory_space<vmem>> -> memref<64xf32, #tpu.memory_space<vmem>>
      %dma_start3A_372 = arith.constant 0 : i32
      %dma_start3A_373 = tpu.memref_slice %arg5[%squeeze3A_368, %dma_start3A_372] : memref<1000000x64xf32, #tpu.memory_space<hbm>> -> memref<1x64xf32, #tpu.memory_space<hbm>>
      %dma_start3A_374 = tpu.memref_squeeze %dma_start3A_373 : memref<1x64xf32, #tpu.memory_space<hbm>> -> memref<64xf32, #tpu.memory_space<hbm>>
      %dma_start3A_375 = arith.constant 0 : i32
      %dma_start3A_376 = tpu.memref_slice %arg15[%add3A_352, %dma_start3A_375] : memref<256x64xf32, #tpu.memory_space<vmem>> -> memref<1x64xf32, #tpu.memory_space<vmem>>
      %dma_start3A_377 = tpu.memref_squeeze %dma_start3A_376 : memref<1x64xf32, #tpu.memory_space<vmem>> -> memref<64xf32, #tpu.memory_space<vmem>>
      %dma_start3A_378 = arith.constant 0 : i32
      %dma_start3A_379 = tpu.memref_slice %arg5[%squeeze3A_368, %dma_start3A_378] : memref<1000000x64xf32, #tpu.memory_space<hbm>> -> memref<1x64xf32, #tpu.memory_space<hbm>>
      %dma_start3A_380 = tpu.memref_squeeze %dma_start3A_379 : memref<1x64xf32, #tpu.memory_space<hbm>> -> memref<64xf32, #tpu.memory_space<hbm>>
      tpu.enqueue_dma source(%dma_start3A_380 : memref<64xf32, #tpu.memory_space<hbm>>) target(%dma_start3A_377 : memref<64xf32, #tpu.memory_space<vmem>>) target_semaphore(%arg18 : memref<!tpu.dma_semaphore, #tpu.memory_space<semaphore_mem>>)
      %slice3A_381 = vector.extract_strided_slice %get3A_75 {offsets = [6], sizes = [1], strides = [1]} : vector<16xi32> to vector<1xi32>
      %squeeze3A_382 = vector.extract %slice3A_381[0] : i32 from vector<1xi32>
      %dma_start3A_383 = arith.constant 0 : i32
      %dma_start3A_384 = tpu.memref_slice %arg14[%add3A_352, %dma_start3A_383] : memref<256x64xf32, #tpu.memory_space<vmem>> -> memref<1x64xf32, #tpu.memory_space<vmem>>
      %dma_start3A_385 = tpu.memref_squeeze %dma_start3A_384 : memref<1x64xf32, #tpu.memory_space<vmem>> -> memref<64xf32, #tpu.memory_space<vmem>>
      %dma_start3A_386 = arith.constant 0 : i32
      %dma_start3A_387 = tpu.memref_slice %arg6[%squeeze3A_382, %dma_start3A_386] : memref<1000x64xf32, #tpu.memory_space<hbm>> -> memref<1x64xf32, #tpu.memory_space<hbm>>
      %dma_start3A_388 = tpu.memref_squeeze %dma_start3A_387 : memref<1x64xf32, #tpu.memory_space<hbm>> -> memref<64xf32, #tpu.memory_space<hbm>>
      %dma_start3A_389 = arith.constant 0 : i32
      %dma_start3A_390 = tpu.memref_slice %arg14[%add3A_352, %dma_start3A_389] : memref<256x64xf32, #tpu.memory_space<vmem>> -> memref<1x64xf32, #tpu.memory_space<vmem>>
      %dma_start3A_391 = tpu.memref_squeeze %dma_start3A_390 : memref<1x64xf32, #tpu.memory_space<vmem>> -> memref<64xf32, #tpu.memory_space<vmem>>
      %dma_start3A_392 = arith.constant 0 : i32
      %dma_start3A_393 = tpu.memref_slice %arg6[%squeeze3A_382, %dma_start3A_392] : memref<1000x64xf32, #tpu.memory_space<hbm>> -> memref<1x64xf32, #tpu.memory_space<hbm>>
      %dma_start3A_394 = tpu.memref_squeeze %dma_start3A_393 : memref<1x64xf32, #tpu.memory_space<hbm>> -> memref<64xf32, #tpu.memory_space<hbm>>
      tpu.enqueue_dma source(%dma_start3A_394 : memref<64xf32, #tpu.memory_space<hbm>>) target(%dma_start3A_391 : memref<64xf32, #tpu.memory_space<vmem>>) target_semaphore(%arg17 : memref<!tpu.dma_semaphore, #tpu.memory_space<semaphore_mem>>)
      %mul3A_395 = arith.constant 16 : i32
      %mul3A_396 = arith.muli %add3A_63, %mul3A_395 : i32
      %add3A_397 = arith.constant 7 : i32
      %add3A_398 = arith.addi %mul3A_396, %add3A_397 : i32
      %slice3A_399 = vector.extract_strided_slice %get3A_69 {offsets = [7], sizes = [1], strides = [1]} : vector<16xi32> to vector<1xi32>
      %squeeze3A_400 = vector.extract %slice3A_399[0] : i32 from vector<1xi32>
      %dma_start3A_401 = arith.constant 0 : i32
      %dma_start3A_402 = tpu.memref_slice %arg13[%add3A_398, %dma_start3A_401] : memref<256x64xf32, #tpu.memory_space<vmem>> -> memref<1x64xf32, #tpu.memory_space<vmem>>
      %dma_start3A_403 = tpu.memref_squeeze %dma_start3A_402 : memref<1x64xf32, #tpu.memory_space<vmem>> -> memref<64xf32, #tpu.memory_space<vmem>>
      %dma_start3A_404 = arith.constant 0 : i32
      %dma_start3A_405 = tpu.memref_slice %arg5[%squeeze3A_400, %dma_start3A_404] : memref<1000000x64xf32, #tpu.memory_space<hbm>> -> memref<1x64xf32, #tpu.memory_space<hbm>>
      %dma_start3A_406 = tpu.memref_squeeze %dma_start3A_405 : memref<1x64xf32, #tpu.memory_space<hbm>> -> memref<64xf32, #tpu.memory_space<hbm>>
      %dma_start3A_407 = arith.constant 0 : i32
      %dma_start3A_408 = tpu.memref_slice %arg13[%add3A_398, %dma_start3A_407] : memref<256x64xf32, #tpu.memory_space<vmem>> -> memref<1x64xf32, #tpu.memory_space<vmem>>
      %dma_start3A_409 = tpu.memref_squeeze %dma_start3A_408 : memref<1x64xf32, #tpu.memory_space<vmem>> -> memref<64xf32, #tpu.memory_space<vmem>>
      %dma_start3A_410 = arith.constant 0 : i32
      %dma_start3A_411 = tpu.memref_slice %arg5[%squeeze3A_400, %dma_start3A_410] : memref<1000000x64xf32, #tpu.memory_space<hbm>> -> memref<1x64xf32, #tpu.memory_space<hbm>>
      %dma_start3A_412 = tpu.memref_squeeze %dma_start3A_411 : memref<1x64xf32, #tpu.memory_space<hbm>> -> memref<64xf32, #tpu.memory_space<hbm>>
      tpu.enqueue_dma source(%dma_start3A_412 : memref<64xf32, #tpu.memory_space<hbm>>) target(%dma_start3A_409 : memref<64xf32, #tpu.memory_space<vmem>>) target_semaphore(%arg16 : memref<!tpu.dma_semaphore, #tpu.memory_space<semaphore_mem>>)
      %slice3A_413 = vector.extract_strided_slice %get3A_72 {offsets = [7], sizes = [1], strides = [1]} : vector<16xi32> to vector<1xi32>
      %squeeze3A_414 = vector.extract %slice3A_413[0] : i32 from vector<1xi32>
      %dma_start3A_415 = arith.constant 0 : i32
      %dma_start3A_416 = tpu.memref_slice %arg15[%add3A_398, %dma_start3A_415] : memref<256x64xf32, #tpu.memory_space<vmem>> -> memref<1x64xf32, #tpu.memory_space<vmem>>
      %dma_start3A_417 = tpu.memref_squeeze %dma_start3A_416 : memref<1x64xf32, #tpu.memory_space<vmem>> -> memref<64xf32, #tpu.memory_space<vmem>>
      %dma_start3A_418 = arith.constant 0 : i32
      %dma_start3A_419 = tpu.memref_slice %arg5[%squeeze3A_414, %dma_start3A_418] : memref<1000000x64xf32, #tpu.memory_space<hbm>> -> memref<1x64xf32, #tpu.memory_space<hbm>>
      %dma_start3A_420 = tpu.memref_squeeze %dma_start3A_419 : memref<1x64xf32, #tpu.memory_space<hbm>> -> memref<64xf32, #tpu.memory_space<hbm>>
      %dma_start3A_421 = arith.constant 0 : i32
      %dma_start3A_422 = tpu.memref_slice %arg15[%add3A_398, %dma_start3A_421] : memref<256x64xf32, #tpu.memory_space<vmem>> -> memref<1x64xf32, #tpu.memory_space<vmem>>
      %dma_start3A_423 = tpu.memref_squeeze %dma_start3A_422 : memref<1x64xf32, #tpu.memory_space<vmem>> -> memref<64xf32, #tpu.memory_space<vmem>>
      %dma_start3A_424 = arith.constant 0 : i32
      %dma_start3A_425 = tpu.memref_slice %arg5[%squeeze3A_414, %dma_start3A_424] : memref<1000000x64xf32, #tpu.memory_space<hbm>> -> memref<1x64xf32, #tpu.memory_space<hbm>>
      %dma_start3A_426 = tpu.memref_squeeze %dma_start3A_425 : memref<1x64xf32, #tpu.memory_space<hbm>> -> memref<64xf32, #tpu.memory_space<hbm>>
      tpu.enqueue_dma source(%dma_start3A_426 : memref<64xf32, #tpu.memory_space<hbm>>) target(%dma_start3A_423 : memref<64xf32, #tpu.memory_space<vmem>>) target_semaphore(%arg18 : memref<!tpu.dma_semaphore, #tpu.memory_space<semaphore_mem>>)
      %slice3A_427 = vector.extract_strided_slice %get3A_75 {offsets = [7], sizes = [1], strides = [1]} : vector<16xi32> to vector<1xi32>
      %squeeze3A_428 = vector.extract %slice3A_427[0] : i32 from vector<1xi32>
      %dma_start3A_429 = arith.constant 0 : i32
      %dma_start3A_430 = tpu.memref_slice %arg14[%add3A_398, %dma_start3A_429] : memref<256x64xf32, #tpu.memory_space<vmem>> -> memref<1x64xf32, #tpu.memory_space<vmem>>
      %dma_start3A_431 = tpu.memref_squeeze %dma_start3A_430 : memref<1x64xf32, #tpu.memory_space<vmem>> -> memref<64xf32, #tpu.memory_space<vmem>>
      %dma_start3A_432 = arith.constant 0 : i32
      %dma_start3A_433 = tpu.memref_slice %arg6[%squeeze3A_428, %dma_start3A_432] : memref<1000x64xf32, #tpu.memory_space<hbm>> -> memref<1x64xf32, #tpu.memory_space<hbm>>
      %dma_start3A_434 = tpu.memref_squeeze %dma_start3A_433 : memref<1x64xf32, #tpu.memory_space<hbm>> -> memref<64xf32, #tpu.memory_space<hbm>>
      %dma_start3A_435 = arith.constant 0 : i32
      %dma_start3A_436 = tpu.memref_slice %arg14[%add3A_398, %dma_start3A_435] : memref<256x64xf32, #tpu.memory_space<vmem>> -> memref<1x64xf32, #tpu.memory_space<vmem>>
      %dma_start3A_437 = tpu.memref_squeeze %dma_start3A_436 : memref<1x64xf32, #tpu.memory_space<vmem>> -> memref<64xf32, #tpu.memory_space<vmem>>
      %dma_start3A_438 = arith.constant 0 : i32
      %dma_start3A_439 = tpu.memref_slice %arg6[%squeeze3A_428, %dma_start3A_438] : memref<1000x64xf32, #tpu.memory_space<hbm>> -> memref<1x64xf32, #tpu.memory_space<hbm>>
      %dma_start3A_440 = tpu.memref_squeeze %dma_start3A_439 : memref<1x64xf32, #tpu.memory_space<hbm>> -> memref<64xf32, #tpu.memory_space<hbm>>
      tpu.enqueue_dma source(%dma_start3A_440 : memref<64xf32, #tpu.memory_space<hbm>>) target(%dma_start3A_437 : memref<64xf32, #tpu.memory_space<vmem>>) target_semaphore(%arg17 : memref<!tpu.dma_semaphore, #tpu.memory_space<semaphore_mem>>)
      %mul3A_441 = arith.constant 16 : i32
      %mul3A_442 = arith.muli %add3A_63, %mul3A_441 : i32
      %add3A_443 = arith.constant 8 : i32
      %add3A_444 = arith.addi %mul3A_442, %add3A_443 : i32
      %slice3A_445 = vector.extract_strided_slice %get3A_69 {offsets = [8], sizes = [1], strides = [1]} : vector<16xi32> to vector<1xi32>
      %squeeze3A_446 = vector.extract %slice3A_445[0] : i32 from vector<1xi32>
      %dma_start3A_447 = arith.constant 0 : i32
      %dma_start3A_448 = tpu.memref_slice %arg13[%add3A_444, %dma_start3A_447] : memref<256x64xf32, #tpu.memory_space<vmem>> -> memref<1x64xf32, #tpu.memory_space<vmem>>
      %dma_start3A_449 = tpu.memref_squeeze %dma_start3A_448 : memref<1x64xf32, #tpu.memory_space<vmem>> -> memref<64xf32, #tpu.memory_space<vmem>>
      %dma_start3A_450 = arith.constant 0 : i32
      %dma_start3A_451 = tpu.memref_slice %arg5[%squeeze3A_446, %dma_start3A_450] : memref<1000000x64xf32, #tpu.memory_space<hbm>> -> memref<1x64xf32, #tpu.memory_space<hbm>>
      %dma_start3A_452 = tpu.memref_squeeze %dma_start3A_451 : memref<1x64xf32, #tpu.memory_space<hbm>> -> memref<64xf32, #tpu.memory_space<hbm>>
      %dma_start3A_453 = arith.constant 0 : i32
      %dma_start3A_454 = tpu.memref_slice %arg13[%add3A_444, %dma_start3A_453] : memref<256x64xf32, #tpu.memory_space<vmem>> -> memref<1x64xf32, #tpu.memory_space<vmem>>
      %dma_start3A_455 = tpu.memref_squeeze %dma_start3A_454 : memref<1x64xf32, #tpu.memory_space<vmem>> -> memref<64xf32, #tpu.memory_space<vmem>>
      %dma_start3A_456 = arith.constant 0 : i32
      %dma_start3A_457 = tpu.memref_slice %arg5[%squeeze3A_446, %dma_start3A_456] : memref<1000000x64xf32, #tpu.memory_space<hbm>> -> memref<1x64xf32, #tpu.memory_space<hbm>>
      %dma_start3A_458 = tpu.memref_squeeze %dma_start3A_457 : memref<1x64xf32, #tpu.memory_space<hbm>> -> memref<64xf32, #tpu.memory_space<hbm>>
      tpu.enqueue_dma source(%dma_start3A_458 : memref<64xf32, #tpu.memory_space<hbm>>) target(%dma_start3A_455 : memref<64xf32, #tpu.memory_space<vmem>>) target_semaphore(%arg16 : memref<!tpu.dma_semaphore, #tpu.memory_space<semaphore_mem>>)
      %slice3A_459 = vector.extract_strided_slice %get3A_72 {offsets = [8], sizes = [1], strides = [1]} : vector<16xi32> to vector<1xi32>
      %squeeze3A_460 = vector.extract %slice3A_459[0] : i32 from vector<1xi32>
      %dma_start3A_461 = arith.constant 0 : i32
      %dma_start3A_462 = tpu.memref_slice %arg15[%add3A_444, %dma_start3A_461] : memref<256x64xf32, #tpu.memory_space<vmem>> -> memref<1x64xf32, #tpu.memory_space<vmem>>
      %dma_start3A_463 = tpu.memref_squeeze %dma_start3A_462 : memref<1x64xf32, #tpu.memory_space<vmem>> -> memref<64xf32, #tpu.memory_space<vmem>>
      %dma_start3A_464 = arith.constant 0 : i32
      %dma_start3A_465 = tpu.memref_slice %arg5[%squeeze3A_460, %dma_start3A_464] : memref<1000000x64xf32, #tpu.memory_space<hbm>> -> memref<1x64xf32, #tpu.memory_space<hbm>>
      %dma_start3A_466 = tpu.memref_squeeze %dma_start3A_465 : memref<1x64xf32, #tpu.memory_space<hbm>> -> memref<64xf32, #tpu.memory_space<hbm>>
      %dma_start3A_467 = arith.constant 0 : i32
      %dma_start3A_468 = tpu.memref_slice %arg15[%add3A_444, %dma_start3A_467] : memref<256x64xf32, #tpu.memory_space<vmem>> -> memref<1x64xf32, #tpu.memory_space<vmem>>
      %dma_start3A_469 = tpu.memref_squeeze %dma_start3A_468 : memref<1x64xf32, #tpu.memory_space<vmem>> -> memref<64xf32, #tpu.memory_space<vmem>>
      %dma_start3A_470 = arith.constant 0 : i32
      %dma_start3A_471 = tpu.memref_slice %arg5[%squeeze3A_460, %dma_start3A_470] : memref<1000000x64xf32, #tpu.memory_space<hbm>> -> memref<1x64xf32, #tpu.memory_space<hbm>>
      %dma_start3A_472 = tpu.memref_squeeze %dma_start3A_471 : memref<1x64xf32, #tpu.memory_space<hbm>> -> memref<64xf32, #tpu.memory_space<hbm>>
      tpu.enqueue_dma source(%dma_start3A_472 : memref<64xf32, #tpu.memory_space<hbm>>) target(%dma_start3A_469 : memref<64xf32, #tpu.memory_space<vmem>>) target_semaphore(%arg18 : memref<!tpu.dma_semaphore, #tpu.memory_space<semaphore_mem>>)
      %slice3A_473 = vector.extract_strided_slice %get3A_75 {offsets = [8], sizes = [1], strides = [1]} : vector<16xi32> to vector<1xi32>
      %squeeze3A_474 = vector.extract %slice3A_473[0] : i32 from vector<1xi32>
      %dma_start3A_475 = arith.constant 0 : i32
      %dma_start3A_476 = tpu.memref_slice %arg14[%add3A_444, %dma_start3A_475] : memref<256x64xf32, #tpu.memory_space<vmem>> -> memref<1x64xf32, #tpu.memory_space<vmem>>
      %dma_start3A_477 = tpu.memref_squeeze %dma_start3A_476 : memref<1x64xf32, #tpu.memory_space<vmem>> -> memref<64xf32, #tpu.memory_space<vmem>>
      %dma_start3A_478 = arith.constant 0 : i32
      %dma_start3A_479 = tpu.memref_slice %arg6[%squeeze3A_474, %dma_start3A_478] : memref<1000x64xf32, #tpu.memory_space<hbm>> -> memref<1x64xf32, #tpu.memory_space<hbm>>
      %dma_start3A_480 = tpu.memref_squeeze %dma_start3A_479 : memref<1x64xf32, #tpu.memory_space<hbm>> -> memref<64xf32, #tpu.memory_space<hbm>>
      %dma_start3A_481 = arith.constant 0 : i32
      %dma_start3A_482 = tpu.memref_slice %arg14[%add3A_444, %dma_start3A_481] : memref<256x64xf32, #tpu.memory_space<vmem>> -> memref<1x64xf32, #tpu.memory_space<vmem>>
      %dma_start3A_483 = tpu.memref_squeeze %dma_start3A_482 : memref<1x64xf32, #tpu.memory_space<vmem>> -> memref<64xf32, #tpu.memory_space<vmem>>
      %dma_start3A_484 = arith.constant 0 : i32
      %dma_start3A_485 = tpu.memref_slice %arg6[%squeeze3A_474, %dma_start3A_484] : memref<1000x64xf32, #tpu.memory_space<hbm>> -> memref<1x64xf32, #tpu.memory_space<hbm>>
      %dma_start3A_486 = tpu.memref_squeeze %dma_start3A_485 : memref<1x64xf32, #tpu.memory_space<hbm>> -> memref<64xf32, #tpu.memory_space<hbm>>
      tpu.enqueue_dma source(%dma_start3A_486 : memref<64xf32, #tpu.memory_space<hbm>>) target(%dma_start3A_483 : memref<64xf32, #tpu.memory_space<vmem>>) target_semaphore(%arg17 : memref<!tpu.dma_semaphore, #tpu.memory_space<semaphore_mem>>)
      %mul3A_487 = arith.constant 16 : i32
      %mul3A_488 = arith.muli %add3A_63, %mul3A_487 : i32
      %add3A_489 = arith.constant 9 : i32
      %add3A_490 = arith.addi %mul3A_488, %add3A_489 : i32
      %slice3A_491 = vector.extract_strided_slice %get3A_69 {offsets = [9], sizes = [1], strides = [1]} : vector<16xi32> to vector<1xi32>
      %squeeze3A_492 = vector.extract %slice3A_491[0] : i32 from vector<1xi32>
      %dma_start3A_493 = arith.constant 0 : i32
      %dma_start3A_494 = tpu.memref_slice %arg13[%add3A_490, %dma_start3A_493] : memref<256x64xf32, #tpu.memory_space<vmem>> -> memref<1x64xf32, #tpu.memory_space<vmem>>
      %dma_start3A_495 = tpu.memref_squeeze %dma_start3A_494 : memref<1x64xf32, #tpu.memory_space<vmem>> -> memref<64xf32, #tpu.memory_space<vmem>>
      %dma_start3A_496 = arith.constant 0 : i32
      %dma_start3A_497 = tpu.memref_slice %arg5[%squeeze3A_492, %dma_start3A_496] : memref<1000000x64xf32, #tpu.memory_space<hbm>> -> memref<1x64xf32, #tpu.memory_space<hbm>>
      %dma_start3A_498 = tpu.memref_squeeze %dma_start3A_497 : memref<1x64xf32, #tpu.memory_space<hbm>> -> memref<64xf32, #tpu.memory_space<hbm>>
      %dma_start3A_499 = arith.constant 0 : i32
      %dma_start3A_500 = tpu.memref_slice %arg13[%add3A_490, %dma_start3A_499] : memref<256x64xf32, #tpu.memory_space<vmem>> -> memref<1x64xf32, #tpu.memory_space<vmem>>
      %dma_start3A_501 = tpu.memref_squeeze %dma_start3A_500 : memref<1x64xf32, #tpu.memory_space<vmem>> -> memref<64xf32, #tpu.memory_space<vmem>>
      %dma_start3A_502 = arith.constant 0 : i32
      %dma_start3A_503 = tpu.memref_slice %arg5[%squeeze3A_492, %dma_start3A_502] : memref<1000000x64xf32, #tpu.memory_space<hbm>> -> memref<1x64xf32, #tpu.memory_space<hbm>>
      %dma_start3A_504 = tpu.memref_squeeze %dma_start3A_503 : memref<1x64xf32, #tpu.memory_space<hbm>> -> memref<64xf32, #tpu.memory_space<hbm>>
      tpu.enqueue_dma source(%dma_start3A_504 : memref<64xf32, #tpu.memory_space<hbm>>) target(%dma_start3A_501 : memref<64xf32, #tpu.memory_space<vmem>>) target_semaphore(%arg16 : memref<!tpu.dma_semaphore, #tpu.memory_space<semaphore_mem>>)
      %slice3A_505 = vector.extract_strided_slice %get3A_72 {offsets = [9], sizes = [1], strides = [1]} : vector<16xi32> to vector<1xi32>
      %squeeze3A_506 = vector.extract %slice3A_505[0] : i32 from vector<1xi32>
      %dma_start3A_507 = arith.constant 0 : i32
      %dma_start3A_508 = tpu.memref_slice %arg15[%add3A_490, %dma_start3A_507] : memref<256x64xf32, #tpu.memory_space<vmem>> -> memref<1x64xf32, #tpu.memory_space<vmem>>
      %dma_start3A_509 = tpu.memref_squeeze %dma_start3A_508 : memref<1x64xf32, #tpu.memory_space<vmem>> -> memref<64xf32, #tpu.memory_space<vmem>>
      %dma_start3A_510 = arith.constant 0 : i32
      %dma_start3A_511 = tpu.memref_slice %arg5[%squeeze3A_506, %dma_start3A_510] : memref<1000000x64xf32, #tpu.memory_space<hbm>> -> memref<1x64xf32, #tpu.memory_space<hbm>>
      %dma_start3A_512 = tpu.memref_squeeze %dma_start3A_511 : memref<1x64xf32, #tpu.memory_space<hbm>> -> memref<64xf32, #tpu.memory_space<hbm>>
      %dma_start3A_513 = arith.constant 0 : i32
      %dma_start3A_514 = tpu.memref_slice %arg15[%add3A_490, %dma_start3A_513] : memref<256x64xf32, #tpu.memory_space<vmem>> -> memref<1x64xf32, #tpu.memory_space<vmem>>
      %dma_start3A_515 = tpu.memref_squeeze %dma_start3A_514 : memref<1x64xf32, #tpu.memory_space<vmem>> -> memref<64xf32, #tpu.memory_space<vmem>>
      %dma_start3A_516 = arith.constant 0 : i32
      %dma_start3A_517 = tpu.memref_slice %arg5[%squeeze3A_506, %dma_start3A_516] : memref<1000000x64xf32, #tpu.memory_space<hbm>> -> memref<1x64xf32, #tpu.memory_space<hbm>>
      %dma_start3A_518 = tpu.memref_squeeze %dma_start3A_517 : memref<1x64xf32, #tpu.memory_space<hbm>> -> memref<64xf32, #tpu.memory_space<hbm>>
      tpu.enqueue_dma source(%dma_start3A_518 : memref<64xf32, #tpu.memory_space<hbm>>) target(%dma_start3A_515 : memref<64xf32, #tpu.memory_space<vmem>>) target_semaphore(%arg18 : memref<!tpu.dma_semaphore, #tpu.memory_space<semaphore_mem>>)
      %slice3A_519 = vector.extract_strided_slice %get3A_75 {offsets = [9], sizes = [1], strides = [1]} : vector<16xi32> to vector<1xi32>
      %squeeze3A_520 = vector.extract %slice3A_519[0] : i32 from vector<1xi32>
      %dma_start3A_521 = arith.constant 0 : i32
      %dma_start3A_522 = tpu.memref_slice %arg14[%add3A_490, %dma_start3A_521] : memref<256x64xf32, #tpu.memory_space<vmem>> -> memref<1x64xf32, #tpu.memory_space<vmem>>
      %dma_start3A_523 = tpu.memref_squeeze %dma_start3A_522 : memref<1x64xf32, #tpu.memory_space<vmem>> -> memref<64xf32, #tpu.memory_space<vmem>>
      %dma_start3A_524 = arith.constant 0 : i32
      %dma_start3A_525 = tpu.memref_slice %arg6[%squeeze3A_520, %dma_start3A_524] : memref<1000x64xf32, #tpu.memory_space<hbm>> -> memref<1x64xf32, #tpu.memory_space<hbm>>
      %dma_start3A_526 = tpu.memref_squeeze %dma_start3A_525 : memref<1x64xf32, #tpu.memory_space<hbm>> -> memref<64xf32, #tpu.memory_space<hbm>>
      %dma_start3A_527 = arith.constant 0 : i32
      %dma_start3A_528 = tpu.memref_slice %arg14[%add3A_490, %dma_start3A_527] : memref<256x64xf32, #tpu.memory_space<vmem>> -> memref<1x64xf32, #tpu.memory_space<vmem>>
      %dma_start3A_529 = tpu.memref_squeeze %dma_start3A_528 : memref<1x64xf32, #tpu.memory_space<vmem>> -> memref<64xf32, #tpu.memory_space<vmem>>
      %dma_start3A_530 = arith.constant 0 : i32
      %dma_start3A_531 = tpu.memref_slice %arg6[%squeeze3A_520, %dma_start3A_530] : memref<1000x64xf32, #tpu.memory_space<hbm>> -> memref<1x64xf32, #tpu.memory_space<hbm>>
      %dma_start3A_532 = tpu.memref_squeeze %dma_start3A_531 : memref<1x64xf32, #tpu.memory_space<hbm>> -> memref<64xf32, #tpu.memory_space<hbm>>
      tpu.enqueue_dma source(%dma_start3A_532 : memref<64xf32, #tpu.memory_space<hbm>>) target(%dma_start3A_529 : memref<64xf32, #tpu.memory_space<vmem>>) target_semaphore(%arg17 : memref<!tpu.dma_semaphore, #tpu.memory_space<semaphore_mem>>)
      %mul3A_533 = arith.constant 16 : i32
      %mul3A_534 = arith.muli %add3A_63, %mul3A_533 : i32
      %add3A_535 = arith.constant 10 : i32
      %add3A_536 = arith.addi %mul3A_534, %add3A_535 : i32
      %slice3A_537 = vector.extract_strided_slice %get3A_69 {offsets = [10], sizes = [1], strides = [1]} : vector<16xi32> to vector<1xi32>
      %squeeze3A_538 = vector.extract %slice3A_537[0] : i32 from vector<1xi32>
      %dma_start3A_539 = arith.constant 0 : i32
      %dma_start3A_540 = tpu.memref_slice %arg13[%add3A_536, %dma_start3A_539] : memref<256x64xf32, #tpu.memory_space<vmem>> -> memref<1x64xf32, #tpu.memory_space<vmem>>
      %dma_start3A_541 = tpu.memref_squeeze %dma_start3A_540 : memref<1x64xf32, #tpu.memory_space<vmem>> -> memref<64xf32, #tpu.memory_space<vmem>>
      %dma_start3A_542 = arith.constant 0 : i32
      %dma_start3A_543 = tpu.memref_slice %arg5[%squeeze3A_538, %dma_start3A_542] : memref<1000000x64xf32, #tpu.memory_space<hbm>> -> memref<1x64xf32, #tpu.memory_space<hbm>>
      %dma_start3A_544 = tpu.memref_squeeze %dma_start3A_543 : memref<1x64xf32, #tpu.memory_space<hbm>> -> memref<64xf32, #tpu.memory_space<hbm>>
      %dma_start3A_545 = arith.constant 0 : i32
      %dma_start3A_546 = tpu.memref_slice %arg13[%add3A_536, %dma_start3A_545] : memref<256x64xf32, #tpu.memory_space<vmem>> -> memref<1x64xf32, #tpu.memory_space<vmem>>
      %dma_start3A_547 = tpu.memref_squeeze %dma_start3A_546 : memref<1x64xf32, #tpu.memory_space<vmem>> -> memref<64xf32, #tpu.memory_space<vmem>>
      %dma_start3A_548 = arith.constant 0 : i32
      %dma_start3A_549 = tpu.memref_slice %arg5[%squeeze3A_538, %dma_start3A_548] : memref<1000000x64xf32, #tpu.memory_space<hbm>> -> memref<1x64xf32, #tpu.memory_space<hbm>>
      %dma_start3A_550 = tpu.memref_squeeze %dma_start3A_549 : memref<1x64xf32, #tpu.memory_space<hbm>> -> memref<64xf32, #tpu.memory_space<hbm>>
      tpu.enqueue_dma source(%dma_start3A_550 : memref<64xf32, #tpu.memory_space<hbm>>) target(%dma_start3A_547 : memref<64xf32, #tpu.memory_space<vmem>>) target_semaphore(%arg16 : memref<!tpu.dma_semaphore, #tpu.memory_space<semaphore_mem>>)
      %slice3A_551 = vector.extract_strided_slice %get3A_72 {offsets = [10], sizes = [1], strides = [1]} : vector<16xi32> to vector<1xi32>
      %squeeze3A_552 = vector.extract %slice3A_551[0] : i32 from vector<1xi32>
      %dma_start3A_553 = arith.constant 0 : i32
      %dma_start3A_554 = tpu.memref_slice %arg15[%add3A_536, %dma_start3A_553] : memref<256x64xf32, #tpu.memory_space<vmem>> -> memref<1x64xf32, #tpu.memory_space<vmem>>
      %dma_start3A_555 = tpu.memref_squeeze %dma_start3A_554 : memref<1x64xf32, #tpu.memory_space<vmem>> -> memref<64xf32, #tpu.memory_space<vmem>>
      %dma_start3A_556 = arith.constant 0 : i32
      %dma_start3A_557 = tpu.memref_slice %arg5[%squeeze3A_552, %dma_start3A_556] : memref<1000000x64xf32, #tpu.memory_space<hbm>> -> memref<1x64xf32, #tpu.memory_space<hbm>>
      %dma_start3A_558 = tpu.memref_squeeze %dma_start3A_557 : memref<1x64xf32, #tpu.memory_space<hbm>> -> memref<64xf32, #tpu.memory_space<hbm>>
      %dma_start3A_559 = arith.constant 0 : i32
      %dma_start3A_560 = tpu.memref_slice %arg15[%add3A_536, %dma_start3A_559] : memref<256x64xf32, #tpu.memory_space<vmem>> -> memref<1x64xf32, #tpu.memory_space<vmem>>
      %dma_start3A_561 = tpu.memref_squeeze %dma_start3A_560 : memref<1x64xf32, #tpu.memory_space<vmem>> -> memref<64xf32, #tpu.memory_space<vmem>>
      %dma_start3A_562 = arith.constant 0 : i32
      %dma_start3A_563 = tpu.memref_slice %arg5[%squeeze3A_552, %dma_start3A_562] : memref<1000000x64xf32, #tpu.memory_space<hbm>> -> memref<1x64xf32, #tpu.memory_space<hbm>>
      %dma_start3A_564 = tpu.memref_squeeze %dma_start3A_563 : memref<1x64xf32, #tpu.memory_space<hbm>> -> memref<64xf32, #tpu.memory_space<hbm>>
      tpu.enqueue_dma source(%dma_start3A_564 : memref<64xf32, #tpu.memory_space<hbm>>) target(%dma_start3A_561 : memref<64xf32, #tpu.memory_space<vmem>>) target_semaphore(%arg18 : memref<!tpu.dma_semaphore, #tpu.memory_space<semaphore_mem>>)
      %slice3A_565 = vector.extract_strided_slice %get3A_75 {offsets = [10], sizes = [1], strides = [1]} : vector<16xi32> to vector<1xi32>
      %squeeze3A_566 = vector.extract %slice3A_565[0] : i32 from vector<1xi32>
      %dma_start3A_567 = arith.constant 0 : i32
      %dma_start3A_568 = tpu.memref_slice %arg14[%add3A_536, %dma_start3A_567] : memref<256x64xf32, #tpu.memory_space<vmem>> -> memref<1x64xf32, #tpu.memory_space<vmem>>
      %dma_start3A_569 = tpu.memref_squeeze %dma_start3A_568 : memref<1x64xf32, #tpu.memory_space<vmem>> -> memref<64xf32, #tpu.memory_space<vmem>>
      %dma_start3A_570 = arith.constant 0 : i32
      %dma_start3A_571 = tpu.memref_slice %arg6[%squeeze3A_566, %dma_start3A_570] : memref<1000x64xf32, #tpu.memory_space<hbm>> -> memref<1x64xf32, #tpu.memory_space<hbm>>
      %dma_start3A_572 = tpu.memref_squeeze %dma_start3A_571 : memref<1x64xf32, #tpu.memory_space<hbm>> -> memref<64xf32, #tpu.memory_space<hbm>>
      %dma_start3A_573 = arith.constant 0 : i32
      %dma_start3A_574 = tpu.memref_slice %arg14[%add3A_536, %dma_start3A_573] : memref<256x64xf32, #tpu.memory_space<vmem>> -> memref<1x64xf32, #tpu.memory_space<vmem>>
      %dma_start3A_575 = tpu.memref_squeeze %dma_start3A_574 : memref<1x64xf32, #tpu.memory_space<vmem>> -> memref<64xf32, #tpu.memory_space<vmem>>
      %dma_start3A_576 = arith.constant 0 : i32
      %dma_start3A_577 = tpu.memref_slice %arg6[%squeeze3A_566, %dma_start3A_576] : memref<1000x64xf32, #tpu.memory_space<hbm>> -> memref<1x64xf32, #tpu.memory_space<hbm>>
      %dma_start3A_578 = tpu.memref_squeeze %dma_start3A_577 : memref<1x64xf32, #tpu.memory_space<hbm>> -> memref<64xf32, #tpu.memory_space<hbm>>
      tpu.enqueue_dma source(%dma_start3A_578 : memref<64xf32, #tpu.memory_space<hbm>>) target(%dma_start3A_575 : memref<64xf32, #tpu.memory_space<vmem>>) target_semaphore(%arg17 : memref<!tpu.dma_semaphore, #tpu.memory_space<semaphore_mem>>)
      %mul3A_579 = arith.constant 16 : i32
      %mul3A_580 = arith.muli %add3A_63, %mul3A_579 : i32
      %add3A_581 = arith.constant 11 : i32
      %add3A_582 = arith.addi %mul3A_580, %add3A_581 : i32
      %slice3A_583 = vector.extract_strided_slice %get3A_69 {offsets = [11], sizes = [1], strides = [1]} : vector<16xi32> to vector<1xi32>
      %squeeze3A_584 = vector.extract %slice3A_583[0] : i32 from vector<1xi32>
      %dma_start3A_585 = arith.constant 0 : i32
      %dma_start3A_586 = tpu.memref_slice %arg13[%add3A_582, %dma_start3A_585] : memref<256x64xf32, #tpu.memory_space<vmem>> -> memref<1x64xf32, #tpu.memory_space<vmem>>
      %dma_start3A_587 = tpu.memref_squeeze %dma_start3A_586 : memref<1x64xf32, #tpu.memory_space<vmem>> -> memref<64xf32, #tpu.memory_space<vmem>>
      %dma_start3A_588 = arith.constant 0 : i32
      %dma_start3A_589 = tpu.memref_slice %arg5[%squeeze3A_584, %dma_start3A_588] : memref<1000000x64xf32, #tpu.memory_space<hbm>> -> memref<1x64xf32, #tpu.memory_space<hbm>>
      %dma_start3A_590 = tpu.memref_squeeze %dma_start3A_589 : memref<1x64xf32, #tpu.memory_space<hbm>> -> memref<64xf32, #tpu.memory_space<hbm>>
      %dma_start3A_591 = arith.constant 0 : i32
      %dma_start3A_592 = tpu.memref_slice %arg13[%add3A_582, %dma_start3A_591] : memref<256x64xf32, #tpu.memory_space<vmem>> -> memref<1x64xf32, #tpu.memory_space<vmem>>
      %dma_start3A_593 = tpu.memref_squeeze %dma_start3A_592 : memref<1x64xf32, #tpu.memory_space<vmem>> -> memref<64xf32, #tpu.memory_space<vmem>>
      %dma_start3A_594 = arith.constant 0 : i32
      %dma_start3A_595 = tpu.memref_slice %arg5[%squeeze3A_584, %dma_start3A_594] : memref<1000000x64xf32, #tpu.memory_space<hbm>> -> memref<1x64xf32, #tpu.memory_space<hbm>>
      %dma_start3A_596 = tpu.memref_squeeze %dma_start3A_595 : memref<1x64xf32, #tpu.memory_space<hbm>> -> memref<64xf32, #tpu.memory_space<hbm>>
      tpu.enqueue_dma source(%dma_start3A_596 : memref<64xf32, #tpu.memory_space<hbm>>) target(%dma_start3A_593 : memref<64xf32, #tpu.memory_space<vmem>>) target_semaphore(%arg16 : memref<!tpu.dma_semaphore, #tpu.memory_space<semaphore_mem>>)
      %slice3A_597 = vector.extract_strided_slice %get3A_72 {offsets = [11], sizes = [1], strides = [1]} : vector<16xi32> to vector<1xi32>
      %squeeze3A_598 = vector.extract %slice3A_597[0] : i32 from vector<1xi32>
      %dma_start3A_599 = arith.constant 0 : i32
      %dma_start3A_600 = tpu.memref_slice %arg15[%add3A_582, %dma_start3A_599] : memref<256x64xf32, #tpu.memory_space<vmem>> -> memref<1x64xf32, #tpu.memory_space<vmem>>
      %dma_start3A_601 = tpu.memref_squeeze %dma_start3A_600 : memref<1x64xf32, #tpu.memory_space<vmem>> -> memref<64xf32, #tpu.memory_space<vmem>>
      %dma_start3A_602 = arith.constant 0 : i32
      %dma_start3A_603 = tpu.memref_slice %arg5[%squeeze3A_598, %dma_start3A_602] : memref<1000000x64xf32, #tpu.memory_space<hbm>> -> memref<1x64xf32, #tpu.memory_space<hbm>>
      %dma_start3A_604 = tpu.memref_squeeze %dma_start3A_603 : memref<1x64xf32, #tpu.memory_space<hbm>> -> memref<64xf32, #tpu.memory_space<hbm>>
      %dma_start3A_605 = arith.constant 0 : i32
      %dma_start3A_606 = tpu.memref_slice %arg15[%add3A_582, %dma_start3A_605] : memref<256x64xf32, #tpu.memory_space<vmem>> -> memref<1x64xf32, #tpu.memory_space<vmem>>
      %dma_start3A_607 = tpu.memref_squeeze %dma_start3A_606 : memref<1x64xf32, #tpu.memory_space<vmem>> -> memref<64xf32, #tpu.memory_space<vmem>>
      %dma_start3A_608 = arith.constant 0 : i32
      %dma_start3A_609 = tpu.memref_slice %arg5[%squeeze3A_598, %dma_start3A_608] : memref<1000000x64xf32, #tpu.memory_space<hbm>> -> memref<1x64xf32, #tpu.memory_space<hbm>>
      %dma_start3A_610 = tpu.memref_squeeze %dma_start3A_609 : memref<1x64xf32, #tpu.memory_space<hbm>> -> memref<64xf32, #tpu.memory_space<hbm>>
      tpu.enqueue_dma source(%dma_start3A_610 : memref<64xf32, #tpu.memory_space<hbm>>) target(%dma_start3A_607 : memref<64xf32, #tpu.memory_space<vmem>>) target_semaphore(%arg18 : memref<!tpu.dma_semaphore, #tpu.memory_space<semaphore_mem>>)
      %slice3A_611 = vector.extract_strided_slice %get3A_75 {offsets = [11], sizes = [1], strides = [1]} : vector<16xi32> to vector<1xi32>
      %squeeze3A_612 = vector.extract %slice3A_611[0] : i32 from vector<1xi32>
      %dma_start3A_613 = arith.constant 0 : i32
      %dma_start3A_614 = tpu.memref_slice %arg14[%add3A_582, %dma_start3A_613] : memref<256x64xf32, #tpu.memory_space<vmem>> -> memref<1x64xf32, #tpu.memory_space<vmem>>
      %dma_start3A_615 = tpu.memref_squeeze %dma_start3A_614 : memref<1x64xf32, #tpu.memory_space<vmem>> -> memref<64xf32, #tpu.memory_space<vmem>>
      %dma_start3A_616 = arith.constant 0 : i32
      %dma_start3A_617 = tpu.memref_slice %arg6[%squeeze3A_612, %dma_start3A_616] : memref<1000x64xf32, #tpu.memory_space<hbm>> -> memref<1x64xf32, #tpu.memory_space<hbm>>
      %dma_start3A_618 = tpu.memref_squeeze %dma_start3A_617 : memref<1x64xf32, #tpu.memory_space<hbm>> -> memref<64xf32, #tpu.memory_space<hbm>>
      %dma_start3A_619 = arith.constant 0 : i32
      %dma_start3A_620 = tpu.memref_slice %arg14[%add3A_582, %dma_start3A_619] : memref<256x64xf32, #tpu.memory_space<vmem>> -> memref<1x64xf32, #tpu.memory_space<vmem>>
      %dma_start3A_621 = tpu.memref_squeeze %dma_start3A_620 : memref<1x64xf32, #tpu.memory_space<vmem>> -> memref<64xf32, #tpu.memory_space<vmem>>
      %dma_start3A_622 = arith.constant 0 : i32
      %dma_start3A_623 = tpu.memref_slice %arg6[%squeeze3A_612, %dma_start3A_622] : memref<1000x64xf32, #tpu.memory_space<hbm>> -> memref<1x64xf32, #tpu.memory_space<hbm>>
      %dma_start3A_624 = tpu.memref_squeeze %dma_start3A_623 : memref<1x64xf32, #tpu.memory_space<hbm>> -> memref<64xf32, #tpu.memory_space<hbm>>
      tpu.enqueue_dma source(%dma_start3A_624 : memref<64xf32, #tpu.memory_space<hbm>>) target(%dma_start3A_621 : memref<64xf32, #tpu.memory_space<vmem>>) target_semaphore(%arg17 : memref<!tpu.dma_semaphore, #tpu.memory_space<semaphore_mem>>)
      %mul3A_625 = arith.constant 16 : i32
      %mul3A_626 = arith.muli %add3A_63, %mul3A_625 : i32
      %add3A_627 = arith.constant 12 : i32
      %add3A_628 = arith.addi %mul3A_626, %add3A_627 : i32
      %slice3A_629 = vector.extract_strided_slice %get3A_69 {offsets = [12], sizes = [1], strides = [1]} : vector<16xi32> to vector<1xi32>
      %squeeze3A_630 = vector.extract %slice3A_629[0] : i32 from vector<1xi32>
      %dma_start3A_631 = arith.constant 0 : i32
      %dma_start3A_632 = tpu.memref_slice %arg13[%add3A_628, %dma_start3A_631] : memref<256x64xf32, #tpu.memory_space<vmem>> -> memref<1x64xf32, #tpu.memory_space<vmem>>
      %dma_start3A_633 = tpu.memref_squeeze %dma_start3A_632 : memref<1x64xf32, #tpu.memory_space<vmem>> -> memref<64xf32, #tpu.memory_space<vmem>>
      %dma_start3A_634 = arith.constant 0 : i32
      %dma_start3A_635 = tpu.memref_slice %arg5[%squeeze3A_630, %dma_start3A_634] : memref<1000000x64xf32, #tpu.memory_space<hbm>> -> memref<1x64xf32, #tpu.memory_space<hbm>>
      %dma_start3A_636 = tpu.memref_squeeze %dma_start3A_635 : memref<1x64xf32, #tpu.memory_space<hbm>> -> memref<64xf32, #tpu.memory_space<hbm>>
      %dma_start3A_637 = arith.constant 0 : i32
      %dma_start3A_638 = tpu.memref_slice %arg13[%add3A_628, %dma_start3A_637] : memref<256x64xf32, #tpu.memory_space<vmem>> -> memref<1x64xf32, #tpu.memory_space<vmem>>
      %dma_start3A_639 = tpu.memref_squeeze %dma_start3A_638 : memref<1x64xf32, #tpu.memory_space<vmem>> -> memref<64xf32, #tpu.memory_space<vmem>>
      %dma_start3A_640 = arith.constant 0 : i32
      %dma_start3A_641 = tpu.memref_slice %arg5[%squeeze3A_630, %dma_start3A_640] : memref<1000000x64xf32, #tpu.memory_space<hbm>> -> memref<1x64xf32, #tpu.memory_space<hbm>>
      %dma_start3A_642 = tpu.memref_squeeze %dma_start3A_641 : memref<1x64xf32, #tpu.memory_space<hbm>> -> memref<64xf32, #tpu.memory_space<hbm>>
      tpu.enqueue_dma source(%dma_start3A_642 : memref<64xf32, #tpu.memory_space<hbm>>) target(%dma_start3A_639 : memref<64xf32, #tpu.memory_space<vmem>>) target_semaphore(%arg16 : memref<!tpu.dma_semaphore, #tpu.memory_space<semaphore_mem>>)
      %slice3A_643 = vector.extract_strided_slice %get3A_72 {offsets = [12], sizes = [1], strides = [1]} : vector<16xi32> to vector<1xi32>
      %squeeze3A_644 = vector.extract %slice3A_643[0] : i32 from vector<1xi32>
      %dma_start3A_645 = arith.constant 0 : i32
      %dma_start3A_646 = tpu.memref_slice %arg15[%add3A_628, %dma_start3A_645] : memref<256x64xf32, #tpu.memory_space<vmem>> -> memref<1x64xf32, #tpu.memory_space<vmem>>
      %dma_start3A_647 = tpu.memref_squeeze %dma_start3A_646 : memref<1x64xf32, #tpu.memory_space<vmem>> -> memref<64xf32, #tpu.memory_space<vmem>>
      %dma_start3A_648 = arith.constant 0 : i32
      %dma_start3A_649 = tpu.memref_slice %arg5[%squeeze3A_644, %dma_start3A_648] : memref<1000000x64xf32, #tpu.memory_space<hbm>> -> memref<1x64xf32, #tpu.memory_space<hbm>>
      %dma_start3A_650 = tpu.memref_squeeze %dma_start3A_649 : memref<1x64xf32, #tpu.memory_space<hbm>> -> memref<64xf32, #tpu.memory_space<hbm>>
      %dma_start3A_651 = arith.constant 0 : i32
      %dma_start3A_652 = tpu.memref_slice %arg15[%add3A_628, %dma_start3A_651] : memref<256x64xf32, #tpu.memory_space<vmem>> -> memref<1x64xf32, #tpu.memory_space<vmem>>
      %dma_start3A_653 = tpu.memref_squeeze %dma_start3A_652 : memref<1x64xf32, #tpu.memory_space<vmem>> -> memref<64xf32, #tpu.memory_space<vmem>>
      %dma_start3A_654 = arith.constant 0 : i32
      %dma_start3A_655 = tpu.memref_slice %arg5[%squeeze3A_644, %dma_start3A_654] : memref<1000000x64xf32, #tpu.memory_space<hbm>> -> memref<1x64xf32, #tpu.memory_space<hbm>>
      %dma_start3A_656 = tpu.memref_squeeze %dma_start3A_655 : memref<1x64xf32, #tpu.memory_space<hbm>> -> memref<64xf32, #tpu.memory_space<hbm>>
      tpu.enqueue_dma source(%dma_start3A_656 : memref<64xf32, #tpu.memory_space<hbm>>) target(%dma_start3A_653 : memref<64xf32, #tpu.memory_space<vmem>>) target_semaphore(%arg18 : memref<!tpu.dma_semaphore, #tpu.memory_space<semaphore_mem>>)
      %slice3A_657 = vector.extract_strided_slice %get3A_75 {offsets = [12], sizes = [1], strides = [1]} : vector<16xi32> to vector<1xi32>
      %squeeze3A_658 = vector.extract %slice3A_657[0] : i32 from vector<1xi32>
      %dma_start3A_659 = arith.constant 0 : i32
      %dma_start3A_660 = tpu.memref_slice %arg14[%add3A_628, %dma_start3A_659] : memref<256x64xf32, #tpu.memory_space<vmem>> -> memref<1x64xf32, #tpu.memory_space<vmem>>
      %dma_start3A_661 = tpu.memref_squeeze %dma_start3A_660 : memref<1x64xf32, #tpu.memory_space<vmem>> -> memref<64xf32, #tpu.memory_space<vmem>>
      %dma_start3A_662 = arith.constant 0 : i32
      %dma_start3A_663 = tpu.memref_slice %arg6[%squeeze3A_658, %dma_start3A_662] : memref<1000x64xf32, #tpu.memory_space<hbm>> -> memref<1x64xf32, #tpu.memory_space<hbm>>
      %dma_start3A_664 = tpu.memref_squeeze %dma_start3A_663 : memref<1x64xf32, #tpu.memory_space<hbm>> -> memref<64xf32, #tpu.memory_space<hbm>>
      %dma_start3A_665 = arith.constant 0 : i32
      %dma_start3A_666 = tpu.memref_slice %arg14[%add3A_628, %dma_start3A_665] : memref<256x64xf32, #tpu.memory_space<vmem>> -> memref<1x64xf32, #tpu.memory_space<vmem>>
      %dma_start3A_667 = tpu.memref_squeeze %dma_start3A_666 : memref<1x64xf32, #tpu.memory_space<vmem>> -> memref<64xf32, #tpu.memory_space<vmem>>
      %dma_start3A_668 = arith.constant 0 : i32
      %dma_start3A_669 = tpu.memref_slice %arg6[%squeeze3A_658, %dma_start3A_668] : memref<1000x64xf32, #tpu.memory_space<hbm>> -> memref<1x64xf32, #tpu.memory_space<hbm>>
      %dma_start3A_670 = tpu.memref_squeeze %dma_start3A_669 : memref<1x64xf32, #tpu.memory_space<hbm>> -> memref<64xf32, #tpu.memory_space<hbm>>
      tpu.enqueue_dma source(%dma_start3A_670 : memref<64xf32, #tpu.memory_space<hbm>>) target(%dma_start3A_667 : memref<64xf32, #tpu.memory_space<vmem>>) target_semaphore(%arg17 : memref<!tpu.dma_semaphore, #tpu.memory_space<semaphore_mem>>)
      %mul3A_671 = arith.constant 16 : i32
      %mul3A_672 = arith.muli %add3A_63, %mul3A_671 : i32
      %add3A_673 = arith.constant 13 : i32
      %add3A_674 = arith.addi %mul3A_672, %add3A_673 : i32
      %slice3A_675 = vector.extract_strided_slice %get3A_69 {offsets = [13], sizes = [1], strides = [1]} : vector<16xi32> to vector<1xi32>
      %squeeze3A_676 = vector.extract %slice3A_675[0] : i32 from vector<1xi32>
      %dma_start3A_677 = arith.constant 0 : i32
      %dma_start3A_678 = tpu.memref_slice %arg13[%add3A_674, %dma_start3A_677] : memref<256x64xf32, #tpu.memory_space<vmem>> -> memref<1x64xf32, #tpu.memory_space<vmem>>
      %dma_start3A_679 = tpu.memref_squeeze %dma_start3A_678 : memref<1x64xf32, #tpu.memory_space<vmem>> -> memref<64xf32, #tpu.memory_space<vmem>>
      %dma_start3A_680 = arith.constant 0 : i32
      %dma_start3A_681 = tpu.memref_slice %arg5[%squeeze3A_676, %dma_start3A_680] : memref<1000000x64xf32, #tpu.memory_space<hbm>> -> memref<1x64xf32, #tpu.memory_space<hbm>>
      %dma_start3A_682 = tpu.memref_squeeze %dma_start3A_681 : memref<1x64xf32, #tpu.memory_space<hbm>> -> memref<64xf32, #tpu.memory_space<hbm>>
      %dma_start3A_683 = arith.constant 0 : i32
      %dma_start3A_684 = tpu.memref_slice %arg13[%add3A_674, %dma_start3A_683] : memref<256x64xf32, #tpu.memory_space<vmem>> -> memref<1x64xf32, #tpu.memory_space<vmem>>
      %dma_start3A_685 = tpu.memref_squeeze %dma_start3A_684 : memref<1x64xf32, #tpu.memory_space<vmem>> -> memref<64xf32, #tpu.memory_space<vmem>>
      %dma_start3A_686 = arith.constant 0 : i32
      %dma_start3A_687 = tpu.memref_slice %arg5[%squeeze3A_676, %dma_start3A_686] : memref<1000000x64xf32, #tpu.memory_space<hbm>> -> memref<1x64xf32, #tpu.memory_space<hbm>>
      %dma_start3A_688 = tpu.memref_squeeze %dma_start3A_687 : memref<1x64xf32, #tpu.memory_space<hbm>> -> memref<64xf32, #tpu.memory_space<hbm>>
      tpu.enqueue_dma source(%dma_start3A_688 : memref<64xf32, #tpu.memory_space<hbm>>) target(%dma_start3A_685 : memref<64xf32, #tpu.memory_space<vmem>>) target_semaphore(%arg16 : memref<!tpu.dma_semaphore, #tpu.memory_space<semaphore_mem>>)
      %slice3A_689 = vector.extract_strided_slice %get3A_72 {offsets = [13], sizes = [1], strides = [1]} : vector<16xi32> to vector<1xi32>
      %squeeze3A_690 = vector.extract %slice3A_689[0] : i32 from vector<1xi32>
      %dma_start3A_691 = arith.constant 0 : i32
      %dma_start3A_692 = tpu.memref_slice %arg15[%add3A_674, %dma_start3A_691] : memref<256x64xf32, #tpu.memory_space<vmem>> -> memref<1x64xf32, #tpu.memory_space<vmem>>
      %dma_start3A_693 = tpu.memref_squeeze %dma_start3A_692 : memref<1x64xf32, #tpu.memory_space<vmem>> -> memref<64xf32, #tpu.memory_space<vmem>>
      %dma_start3A_694 = arith.constant 0 : i32
      %dma_start3A_695 = tpu.memref_slice %arg5[%squeeze3A_690, %dma_start3A_694] : memref<1000000x64xf32, #tpu.memory_space<hbm>> -> memref<1x64xf32, #tpu.memory_space<hbm>>
      %dma_start3A_696 = tpu.memref_squeeze %dma_start3A_695 : memref<1x64xf32, #tpu.memory_space<hbm>> -> memref<64xf32, #tpu.memory_space<hbm>>
      %dma_start3A_697 = arith.constant 0 : i32
      %dma_start3A_698 = tpu.memref_slice %arg15[%add3A_674, %dma_start3A_697] : memref<256x64xf32, #tpu.memory_space<vmem>> -> memref<1x64xf32, #tpu.memory_space<vmem>>
      %dma_start3A_699 = tpu.memref_squeeze %dma_start3A_698 : memref<1x64xf32, #tpu.memory_space<vmem>> -> memref<64xf32, #tpu.memory_space<vmem>>
      %dma_start3A_700 = arith.constant 0 : i32
      %dma_start3A_701 = tpu.memref_slice %arg5[%squeeze3A_690, %dma_start3A_700] : memref<1000000x64xf32, #tpu.memory_space<hbm>> -> memref<1x64xf32, #tpu.memory_space<hbm>>
      %dma_start3A_702 = tpu.memref_squeeze %dma_start3A_701 : memref<1x64xf32, #tpu.memory_space<hbm>> -> memref<64xf32, #tpu.memory_space<hbm>>
      tpu.enqueue_dma source(%dma_start3A_702 : memref<64xf32, #tpu.memory_space<hbm>>) target(%dma_start3A_699 : memref<64xf32, #tpu.memory_space<vmem>>) target_semaphore(%arg18 : memref<!tpu.dma_semaphore, #tpu.memory_space<semaphore_mem>>)
      %slice3A_703 = vector.extract_strided_slice %get3A_75 {offsets = [13], sizes = [1], strides = [1]} : vector<16xi32> to vector<1xi32>
      %squeeze3A_704 = vector.extract %slice3A_703[0] : i32 from vector<1xi32>
      %dma_start3A_705 = arith.constant 0 : i32
      %dma_start3A_706 = tpu.memref_slice %arg14[%add3A_674, %dma_start3A_705] : memref<256x64xf32, #tpu.memory_space<vmem>> -> memref<1x64xf32, #tpu.memory_space<vmem>>
      %dma_start3A_707 = tpu.memref_squeeze %dma_start3A_706 : memref<1x64xf32, #tpu.memory_space<vmem>> -> memref<64xf32, #tpu.memory_space<vmem>>
      %dma_start3A_708 = arith.constant 0 : i32
      %dma_start3A_709 = tpu.memref_slice %arg6[%squeeze3A_704, %dma_start3A_708] : memref<1000x64xf32, #tpu.memory_space<hbm>> -> memref<1x64xf32, #tpu.memory_space<hbm>>
      %dma_start3A_710 = tpu.memref_squeeze %dma_start3A_709 : memref<1x64xf32, #tpu.memory_space<hbm>> -> memref<64xf32, #tpu.memory_space<hbm>>
      %dma_start3A_711 = arith.constant 0 : i32
      %dma_start3A_712 = tpu.memref_slice %arg14[%add3A_674, %dma_start3A_711] : memref<256x64xf32, #tpu.memory_space<vmem>> -> memref<1x64xf32, #tpu.memory_space<vmem>>
      %dma_start3A_713 = tpu.memref_squeeze %dma_start3A_712 : memref<1x64xf32, #tpu.memory_space<vmem>> -> memref<64xf32, #tpu.memory_space<vmem>>
      %dma_start3A_714 = arith.constant 0 : i32
      %dma_start3A_715 = tpu.memref_slice %arg6[%squeeze3A_704, %dma_start3A_714] : memref<1000x64xf32, #tpu.memory_space<hbm>> -> memref<1x64xf32, #tpu.memory_space<hbm>>
      %dma_start3A_716 = tpu.memref_squeeze %dma_start3A_715 : memref<1x64xf32, #tpu.memory_space<hbm>> -> memref<64xf32, #tpu.memory_space<hbm>>
      tpu.enqueue_dma source(%dma_start3A_716 : memref<64xf32, #tpu.memory_space<hbm>>) target(%dma_start3A_713 : memref<64xf32, #tpu.memory_space<vmem>>) target_semaphore(%arg17 : memref<!tpu.dma_semaphore, #tpu.memory_space<semaphore_mem>>)
      %mul3A_717 = arith.constant 16 : i32
      %mul3A_718 = arith.muli %add3A_63, %mul3A_717 : i32
      %add3A_719 = arith.constant 14 : i32
      %add3A_720 = arith.addi %mul3A_718, %add3A_719 : i32
      %slice3A_721 = vector.extract_strided_slice %get3A_69 {offsets = [14], sizes = [1], strides = [1]} : vector<16xi32> to vector<1xi32>
      %squeeze3A_722 = vector.extract %slice3A_721[0] : i32 from vector<1xi32>
      %dma_start3A_723 = arith.constant 0 : i32
      %dma_start3A_724 = tpu.memref_slice %arg13[%add3A_720, %dma_start3A_723] : memref<256x64xf32, #tpu.memory_space<vmem>> -> memref<1x64xf32, #tpu.memory_space<vmem>>
      %dma_start3A_725 = tpu.memref_squeeze %dma_start3A_724 : memref<1x64xf32, #tpu.memory_space<vmem>> -> memref<64xf32, #tpu.memory_space<vmem>>
      %dma_start3A_726 = arith.constant 0 : i32
      %dma_start3A_727 = tpu.memref_slice %arg5[%squeeze3A_722, %dma_start3A_726] : memref<1000000x64xf32, #tpu.memory_space<hbm>> -> memref<1x64xf32, #tpu.memory_space<hbm>>
      %dma_start3A_728 = tpu.memref_squeeze %dma_start3A_727 : memref<1x64xf32, #tpu.memory_space<hbm>> -> memref<64xf32, #tpu.memory_space<hbm>>
      %dma_start3A_729 = arith.constant 0 : i32
      %dma_start3A_730 = tpu.memref_slice %arg13[%add3A_720, %dma_start3A_729] : memref<256x64xf32, #tpu.memory_space<vmem>> -> memref<1x64xf32, #tpu.memory_space<vmem>>
      %dma_start3A_731 = tpu.memref_squeeze %dma_start3A_730 : memref<1x64xf32, #tpu.memory_space<vmem>> -> memref<64xf32, #tpu.memory_space<vmem>>
      %dma_start3A_732 = arith.constant 0 : i32
      %dma_start3A_733 = tpu.memref_slice %arg5[%squeeze3A_722, %dma_start3A_732] : memref<1000000x64xf32, #tpu.memory_space<hbm>> -> memref<1x64xf32, #tpu.memory_space<hbm>>
      %dma_start3A_734 = tpu.memref_squeeze %dma_start3A_733 : memref<1x64xf32, #tpu.memory_space<hbm>> -> memref<64xf32, #tpu.memory_space<hbm>>
      tpu.enqueue_dma source(%dma_start3A_734 : memref<64xf32, #tpu.memory_space<hbm>>) target(%dma_start3A_731 : memref<64xf32, #tpu.memory_space<vmem>>) target_semaphore(%arg16 : memref<!tpu.dma_semaphore, #tpu.memory_space<semaphore_mem>>)
      %slice3A_735 = vector.extract_strided_slice %get3A_72 {offsets = [14], sizes = [1], strides = [1]} : vector<16xi32> to vector<1xi32>
      %squeeze3A_736 = vector.extract %slice3A_735[0] : i32 from vector<1xi32>
      %dma_start3A_737 = arith.constant 0 : i32
      %dma_start3A_738 = tpu.memref_slice %arg15[%add3A_720, %dma_start3A_737] : memref<256x64xf32, #tpu.memory_space<vmem>> -> memref<1x64xf32, #tpu.memory_space<vmem>>
      %dma_start3A_739 = tpu.memref_squeeze %dma_start3A_738 : memref<1x64xf32, #tpu.memory_space<vmem>> -> memref<64xf32, #tpu.memory_space<vmem>>
      %dma_start3A_740 = arith.constant 0 : i32
      %dma_start3A_741 = tpu.memref_slice %arg5[%squeeze3A_736, %dma_start3A_740] : memref<1000000x64xf32, #tpu.memory_space<hbm>> -> memref<1x64xf32, #tpu.memory_space<hbm>>
      %dma_start3A_742 = tpu.memref_squeeze %dma_start3A_741 : memref<1x64xf32, #tpu.memory_space<hbm>> -> memref<64xf32, #tpu.memory_space<hbm>>
      %dma_start3A_743 = arith.constant 0 : i32
      %dma_start3A_744 = tpu.memref_slice %arg15[%add3A_720, %dma_start3A_743] : memref<256x64xf32, #tpu.memory_space<vmem>> -> memref<1x64xf32, #tpu.memory_space<vmem>>
      %dma_start3A_745 = tpu.memref_squeeze %dma_start3A_744 : memref<1x64xf32, #tpu.memory_space<vmem>> -> memref<64xf32, #tpu.memory_space<vmem>>
      %dma_start3A_746 = arith.constant 0 : i32
      %dma_start3A_747 = tpu.memref_slice %arg5[%squeeze3A_736, %dma_start3A_746] : memref<1000000x64xf32, #tpu.memory_space<hbm>> -> memref<1x64xf32, #tpu.memory_space<hbm>>
      %dma_start3A_748 = tpu.memref_squeeze %dma_start3A_747 : memref<1x64xf32, #tpu.memory_space<hbm>> -> memref<64xf32, #tpu.memory_space<hbm>>
      tpu.enqueue_dma source(%dma_start3A_748 : memref<64xf32, #tpu.memory_space<hbm>>) target(%dma_start3A_745 : memref<64xf32, #tpu.memory_space<vmem>>) target_semaphore(%arg18 : memref<!tpu.dma_semaphore, #tpu.memory_space<semaphore_mem>>)
      %slice3A_749 = vector.extract_strided_slice %get3A_75 {offsets = [14], sizes = [1], strides = [1]} : vector<16xi32> to vector<1xi32>
      %squeeze3A_750 = vector.extract %slice3A_749[0] : i32 from vector<1xi32>
      %dma_start3A_751 = arith.constant 0 : i32
      %dma_start3A_752 = tpu.memref_slice %arg14[%add3A_720, %dma_start3A_751] : memref<256x64xf32, #tpu.memory_space<vmem>> -> memref<1x64xf32, #tpu.memory_space<vmem>>
      %dma_start3A_753 = tpu.memref_squeeze %dma_start3A_752 : memref<1x64xf32, #tpu.memory_space<vmem>> -> memref<64xf32, #tpu.memory_space<vmem>>
      %dma_start3A_754 = arith.constant 0 : i32
      %dma_start3A_755 = tpu.memref_slice %arg6[%squeeze3A_750, %dma_start3A_754] : memref<1000x64xf32, #tpu.memory_space<hbm>> -> memref<1x64xf32, #tpu.memory_space<hbm>>
      %dma_start3A_756 = tpu.memref_squeeze %dma_start3A_755 : memref<1x64xf32, #tpu.memory_space<hbm>> -> memref<64xf32, #tpu.memory_space<hbm>>
      %dma_start3A_757 = arith.constant 0 : i32
      %dma_start3A_758 = tpu.memref_slice %arg14[%add3A_720, %dma_start3A_757] : memref<256x64xf32, #tpu.memory_space<vmem>> -> memref<1x64xf32, #tpu.memory_space<vmem>>
      %dma_start3A_759 = tpu.memref_squeeze %dma_start3A_758 : memref<1x64xf32, #tpu.memory_space<vmem>> -> memref<64xf32, #tpu.memory_space<vmem>>
      %dma_start3A_760 = arith.constant 0 : i32
      %dma_start3A_761 = tpu.memref_slice %arg6[%squeeze3A_750, %dma_start3A_760] : memref<1000x64xf32, #tpu.memory_space<hbm>> -> memref<1x64xf32, #tpu.memory_space<hbm>>
      %dma_start3A_762 = tpu.memref_squeeze %dma_start3A_761 : memref<1x64xf32, #tpu.memory_space<hbm>> -> memref<64xf32, #tpu.memory_space<hbm>>
      tpu.enqueue_dma source(%dma_start3A_762 : memref<64xf32, #tpu.memory_space<hbm>>) target(%dma_start3A_759 : memref<64xf32, #tpu.memory_space<vmem>>) target_semaphore(%arg17 : memref<!tpu.dma_semaphore, #tpu.memory_space<semaphore_mem>>)
      %mul3A_763 = arith.constant 16 : i32
      %mul3A_764 = arith.muli %add3A_63, %mul3A_763 : i32
      %add3A_765 = arith.constant 15 : i32
      %add3A_766 = arith.addi %mul3A_764, %add3A_765 : i32
      %slice3A_767 = vector.extract_strided_slice %get3A_69 {offsets = [15], sizes = [1], strides = [1]} : vector<16xi32> to vector<1xi32>
      %squeeze3A_768 = vector.extract %slice3A_767[0] : i32 from vector<1xi32>
      %dma_start3A_769 = arith.constant 0 : i32
      %dma_start3A_770 = tpu.memref_slice %arg13[%add3A_766, %dma_start3A_769] : memref<256x64xf32, #tpu.memory_space<vmem>> -> memref<1x64xf32, #tpu.memory_space<vmem>>
      %dma_start3A_771 = tpu.memref_squeeze %dma_start3A_770 : memref<1x64xf32, #tpu.memory_space<vmem>> -> memref<64xf32, #tpu.memory_space<vmem>>
      %dma_start3A_772 = arith.constant 0 : i32
      %dma_start3A_773 = tpu.memref_slice %arg5[%squeeze3A_768, %dma_start3A_772] : memref<1000000x64xf32, #tpu.memory_space<hbm>> -> memref<1x64xf32, #tpu.memory_space<hbm>>
      %dma_start3A_774 = tpu.memref_squeeze %dma_start3A_773 : memref<1x64xf32, #tpu.memory_space<hbm>> -> memref<64xf32, #tpu.memory_space<hbm>>
      %dma_start3A_775 = arith.constant 0 : i32
      %dma_start3A_776 = tpu.memref_slice %arg13[%add3A_766, %dma_start3A_775] : memref<256x64xf32, #tpu.memory_space<vmem>> -> memref<1x64xf32, #tpu.memory_space<vmem>>
      %dma_start3A_777 = tpu.memref_squeeze %dma_start3A_776 : memref<1x64xf32, #tpu.memory_space<vmem>> -> memref<64xf32, #tpu.memory_space<vmem>>
      %dma_start3A_778 = arith.constant 0 : i32
      %dma_start3A_779 = tpu.memref_slice %arg5[%squeeze3A_768, %dma_start3A_778] : memref<1000000x64xf32, #tpu.memory_space<hbm>> -> memref<1x64xf32, #tpu.memory_space<hbm>>
      %dma_start3A_780 = tpu.memref_squeeze %dma_start3A_779 : memref<1x64xf32, #tpu.memory_space<hbm>> -> memref<64xf32, #tpu.memory_space<hbm>>
      tpu.enqueue_dma source(%dma_start3A_780 : memref<64xf32, #tpu.memory_space<hbm>>) target(%dma_start3A_777 : memref<64xf32, #tpu.memory_space<vmem>>) target_semaphore(%arg16 : memref<!tpu.dma_semaphore, #tpu.memory_space<semaphore_mem>>)
      %slice3A_781 = vector.extract_strided_slice %get3A_72 {offsets = [15], sizes = [1], strides = [1]} : vector<16xi32> to vector<1xi32>
      %squeeze3A_782 = vector.extract %slice3A_781[0] : i32 from vector<1xi32>
      %dma_start3A_783 = arith.constant 0 : i32
      %dma_start3A_784 = tpu.memref_slice %arg15[%add3A_766, %dma_start3A_783] : memref<256x64xf32, #tpu.memory_space<vmem>> -> memref<1x64xf32, #tpu.memory_space<vmem>>
      %dma_start3A_785 = tpu.memref_squeeze %dma_start3A_784 : memref<1x64xf32, #tpu.memory_space<vmem>> -> memref<64xf32, #tpu.memory_space<vmem>>
      %dma_start3A_786 = arith.constant 0 : i32
      %dma_start3A_787 = tpu.memref_slice %arg5[%squeeze3A_782, %dma_start3A_786] : memref<1000000x64xf32, #tpu.memory_space<hbm>> -> memref<1x64xf32, #tpu.memory_space<hbm>>
      %dma_start3A_788 = tpu.memref_squeeze %dma_start3A_787 : memref<1x64xf32, #tpu.memory_space<hbm>> -> memref<64xf32, #tpu.memory_space<hbm>>
      %dma_start3A_789 = arith.constant 0 : i32
      %dma_start3A_790 = tpu.memref_slice %arg15[%add3A_766, %dma_start3A_789] : memref<256x64xf32, #tpu.memory_space<vmem>> -> memref<1x64xf32, #tpu.memory_space<vmem>>
      %dma_start3A_791 = tpu.memref_squeeze %dma_start3A_790 : memref<1x64xf32, #tpu.memory_space<vmem>> -> memref<64xf32, #tpu.memory_space<vmem>>
      %dma_start3A_792 = arith.constant 0 : i32
      %dma_start3A_793 = tpu.memref_slice %arg5[%squeeze3A_782, %dma_start3A_792] : memref<1000000x64xf32, #tpu.memory_space<hbm>> -> memref<1x64xf32, #tpu.memory_space<hbm>>
      %dma_start3A_794 = tpu.memref_squeeze %dma_start3A_793 : memref<1x64xf32, #tpu.memory_space<hbm>> -> memref<64xf32, #tpu.memory_space<hbm>>
      tpu.enqueue_dma source(%dma_start3A_794 : memref<64xf32, #tpu.memory_space<hbm>>) target(%dma_start3A_791 : memref<64xf32, #tpu.memory_space<vmem>>) target_semaphore(%arg18 : memref<!tpu.dma_semaphore, #tpu.memory_space<semaphore_mem>>)
      %slice3A_795 = vector.extract_strided_slice %get3A_75 {offsets = [15], sizes = [1], strides = [1]} : vector<16xi32> to vector<1xi32>
      %squeeze3A_796 = vector.extract %slice3A_795[0] : i32 from vector<1xi32>
      %dma_start3A_797 = arith.constant 0 : i32
      %dma_start3A_798 = tpu.memref_slice %arg14[%add3A_766, %dma_start3A_797] : memref<256x64xf32, #tpu.memory_space<vmem>> -> memref<1x64xf32, #tpu.memory_space<vmem>>
      %dma_start3A_799 = tpu.memref_squeeze %dma_start3A_798 : memref<1x64xf32, #tpu.memory_space<vmem>> -> memref<64xf32, #tpu.memory_space<vmem>>
      %dma_start3A_800 = arith.constant 0 : i32
      %dma_start3A_801 = tpu.memref_slice %arg6[%squeeze3A_796, %dma_start3A_800] : memref<1000x64xf32, #tpu.memory_space<hbm>> -> memref<1x64xf32, #tpu.memory_space<hbm>>
      %dma_start3A_802 = tpu.memref_squeeze %dma_start3A_801 : memref<1x64xf32, #tpu.memory_space<hbm>> -> memref<64xf32, #tpu.memory_space<hbm>>
      %dma_start3A_803 = arith.constant 0 : i32
      %dma_start3A_804 = tpu.memref_slice %arg14[%add3A_766, %dma_start3A_803] : memref<256x64xf32, #tpu.memory_space<vmem>> -> memref<1x64xf32, #tpu.memory_space<vmem>>
      %dma_start3A_805 = tpu.memref_squeeze %dma_start3A_804 : memref<1x64xf32, #tpu.memory_space<vmem>> -> memref<64xf32, #tpu.memory_space<vmem>>
      %dma_start3A_806 = arith.constant 0 : i32
      %dma_start3A_807 = tpu.memref_slice %arg6[%squeeze3A_796, %dma_start3A_806] : memref<1000x64xf32, #tpu.memory_space<hbm>> -> memref<1x64xf32, #tpu.memory_space<hbm>>
      %dma_start3A_808 = tpu.memref_squeeze %dma_start3A_807 : memref<1x64xf32, #tpu.memory_space<hbm>> -> memref<64xf32, #tpu.memory_space<hbm>>
      tpu.enqueue_dma source(%dma_start3A_808 : memref<64xf32, #tpu.memory_space<hbm>>) target(%dma_start3A_805 : memref<64xf32, #tpu.memory_space<vmem>>) target_semaphore(%arg17 : memref<!tpu.dma_semaphore, #tpu.memory_space<semaphore_mem>>)
    }
    %scan3A_6 = arith.constant 16 : i32
    %dma_wait3A = arith.constant 0 : i32
    %dma_wait3A_7 = arith.constant 0 : i32
    %dma_wait3A_8 = tpu.memref_slice %arg7[%dma_wait3A, %dma_wait3A_7] : memref<16384x64xf32, #tpu.memory_space<hbm>> -> memref<256x64xf32, #tpu.memory_space<hbm>>
    %dma_wait3A_9 = arith.constant 0 : i32
    %dma_wait3A_10 = arith.constant 0 : i32
    %dma_wait3A_11 = tpu.memref_slice %arg7[%dma_wait3A_9, %dma_wait3A_10] : memref<16384x64xf32, #tpu.memory_space<hbm>> -> memref<256x64xf32, #tpu.memory_space<hbm>>
    tpu.wait_dma2 semaphore(%arg16 : memref<!tpu.dma_semaphore, #tpu.memory_space<semaphore_mem>>) src(%dma_wait3A_11 : memref<256x64xf32, #tpu.memory_space<hbm>>) dst(%arg13 : memref<256x64xf32, #tpu.memory_space<vmem>>)
    %dma_wait3A_12 = arith.constant 0 : i32
    %dma_wait3A_13 = arith.constant 0 : i32
    %dma_wait3A_14 = tpu.memref_slice %arg9[%dma_wait3A_12, %dma_wait3A_13] : memref<16384x64xf32, #tpu.memory_space<hbm>> -> memref<256x64xf32, #tpu.memory_space<hbm>>
    %dma_wait3A_15 = arith.constant 0 : i32
    %dma_wait3A_16 = arith.constant 0 : i32
    %dma_wait3A_17 = tpu.memref_slice %arg9[%dma_wait3A_15, %dma_wait3A_16] : memref<16384x64xf32, #tpu.memory_space<hbm>> -> memref<256x64xf32, #tpu.memory_space<hbm>>
    tpu.wait_dma2 semaphore(%arg18 : memref<!tpu.dma_semaphore, #tpu.memory_space<semaphore_mem>>) src(%dma_wait3A_17 : memref<256x64xf32, #tpu.memory_space<hbm>>) dst(%arg15 : memref<256x64xf32, #tpu.memory_space<vmem>>)
    %dma_wait3A_18 = arith.constant 0 : i32
    %dma_wait3A_19 = arith.constant 0 : i32
    %dma_wait3A_20 = tpu.memref_slice %arg8[%dma_wait3A_18, %dma_wait3A_19] : memref<16384x64xf32, #tpu.memory_space<hbm>> -> memref<256x64xf32, #tpu.memory_space<hbm>>
    %dma_wait3A_21 = arith.constant 0 : i32
    %dma_wait3A_22 = arith.constant 0 : i32
    %dma_wait3A_23 = tpu.memref_slice %arg8[%dma_wait3A_21, %dma_wait3A_22] : memref<16384x64xf32, #tpu.memory_space<hbm>> -> memref<256x64xf32, #tpu.memory_space<hbm>>
    tpu.wait_dma2 semaphore(%arg17 : memref<!tpu.dma_semaphore, #tpu.memory_space<semaphore_mem>>) src(%dma_wait3A_23 : memref<256x64xf32, #tpu.memory_space<hbm>>) dst(%arg14 : memref<256x64xf32, #tpu.memory_space<vmem>>)
    %add3A_24 = arith.constant 0 : i32
    %add3A_25 = arith.addi %mul3A_2, %add3A_24 : i32
    "tpu.region"() ({
      %run_scoped3A = tpu.sem_alloc : memref<!tpu.dma_semaphore, #tpu.memory_space<semaphore_mem>>
      %dma_start3A = arith.constant 0 : i32
      %dma_start3A_59 = tpu.memref_slice %arg7[%add3A_25, %dma_start3A] : memref<16384x64xf32, #tpu.memory_space<hbm>> -> memref<256x64xf32, #tpu.memory_space<hbm>>
      %dma_start3A_60 = arith.constant 0 : i32
      %dma_start3A_61 = tpu.memref_slice %arg7[%add3A_25, %dma_start3A_60] : memref<16384x64xf32, #tpu.memory_space<hbm>> -> memref<256x64xf32, #tpu.memory_space<hbm>>
      tpu.enqueue_dma source(%arg13 : memref<256x64xf32, #tpu.memory_space<vmem>>) target(%dma_start3A_61 : memref<256x64xf32, #tpu.memory_space<hbm>>) target_semaphore(%run_scoped3A : memref<!tpu.dma_semaphore, #tpu.memory_space<semaphore_mem>>)
      %dma_wait3A_62 = arith.constant 0 : i32
      %dma_wait3A_63 = tpu.memref_slice %arg7[%add3A_25, %dma_wait3A_62] : memref<16384x64xf32, #tpu.memory_space<hbm>> -> memref<256x64xf32, #tpu.memory_space<hbm>>
      %dma_wait3A_64 = arith.constant 0 : i32
      %dma_wait3A_65 = tpu.memref_slice %arg7[%add3A_25, %dma_wait3A_64] : memref<16384x64xf32, #tpu.memory_space<hbm>> -> memref<256x64xf32, #tpu.memory_space<hbm>>
      tpu.wait_dma2 semaphore(%run_scoped3A : memref<!tpu.dma_semaphore, #tpu.memory_space<semaphore_mem>>) src(%arg13 : memref<256x64xf32, #tpu.memory_space<vmem>>) dst(%dma_wait3A_65 : memref<256x64xf32, #tpu.memory_space<hbm>>)
      tpu.yield
    }) : () -> ()
    %add3A_26 = arith.constant 0 : i32
    %add3A_27 = arith.addi %mul3A_2, %add3A_26 : i32
    "tpu.region"() ({
      %run_scoped3A = tpu.sem_alloc : memref<!tpu.dma_semaphore, #tpu.memory_space<semaphore_mem>>
      %dma_start3A = arith.constant 0 : i32
      %dma_start3A_59 = tpu.memref_slice %arg9[%add3A_27, %dma_start3A] : memref<16384x64xf32, #tpu.memory_space<hbm>> -> memref<256x64xf32, #tpu.memory_space<hbm>>
      %dma_start3A_60 = arith.constant 0 : i32
      %dma_start3A_61 = tpu.memref_slice %arg9[%add3A_27, %dma_start3A_60] : memref<16384x64xf32, #tpu.memory_space<hbm>> -> memref<256x64xf32, #tpu.memory_space<hbm>>
      tpu.enqueue_dma source(%arg15 : memref<256x64xf32, #tpu.memory_space<vmem>>) target(%dma_start3A_61 : memref<256x64xf32, #tpu.memory_space<hbm>>) target_semaphore(%run_scoped3A : memref<!tpu.dma_semaphore, #tpu.memory_space<semaphore_mem>>)
      %dma_wait3A_62 = arith.constant 0 : i32
      %dma_wait3A_63 = tpu.memref_slice %arg9[%add3A_27, %dma_wait3A_62] : memref<16384x64xf32, #tpu.memory_space<hbm>> -> memref<256x64xf32, #tpu.memory_space<hbm>>
      %dma_wait3A_64 = arith.constant 0 : i32
      %dma_wait3A_65 = tpu.memref_slice %arg9[%add3A_27, %dma_wait3A_64] : memref<16384x64xf32, #tpu.memory_space<hbm>> -> memref<256x64xf32, #tpu.memory_space<hbm>>
      tpu.wait_dma2 semaphore(%run_scoped3A : memref<!tpu.dma_semaphore, #tpu.memory_space<semaphore_mem>>) src(%arg15 : memref<256x64xf32, #tpu.memory_space<vmem>>) dst(%dma_wait3A_65 : memref<256x64xf32, #tpu.memory_space<hbm>>)
      tpu.yield
    }) : () -> ()
    %add3A_28 = arith.constant 0 : i32
    %add3A_29 = arith.addi %mul3A_2, %add3A_28 : i32
    "tpu.region"() ({
      %run_scoped3A = tpu.sem_alloc : memref<!tpu.dma_semaphore, #tpu.memory_space<semaphore_mem>>
      %dma_start3A = arith.constant 0 : i32
      %dma_start3A_59 = tpu.memref_slice %arg8[%add3A_29, %dma_start3A] : memref<16384x64xf32, #tpu.memory_space<hbm>> -> memref<256x64xf32, #tpu.memory_space<hbm>>
      %dma_start3A_60 = arith.constant 0 : i32
      %dma_start3A_61 = tpu.memref_slice %arg8[%add3A_29, %dma_start3A_60] : memref<16384x64xf32, #tpu.memory_space<hbm>> -> memref<256x64xf32, #tpu.memory_space<hbm>>
      tpu.enqueue_dma source(%arg14 : memref<256x64xf32, #tpu.memory_space<vmem>>) target(%dma_start3A_61 : memref<256x64xf32, #tpu.memory_space<hbm>>) target_semaphore(%run_scoped3A : memref<!tpu.dma_semaphore, #tpu.memory_space<semaphore_mem>>)
      %dma_wait3A_62 = arith.constant 0 : i32
      %dma_wait3A_63 = tpu.memref_slice %arg8[%add3A_29, %dma_wait3A_62] : memref<16384x64xf32, #tpu.memory_space<hbm>> -> memref<256x64xf32, #tpu.memory_space<hbm>>
      %dma_wait3A_64 = arith.constant 0 : i32
      %dma_wait3A_65 = tpu.memref_slice %arg8[%add3A_29, %dma_wait3A_64] : memref<16384x64xf32, #tpu.memory_space<hbm>> -> memref<256x64xf32, #tpu.memory_space<hbm>>
      tpu.wait_dma2 semaphore(%run_scoped3A : memref<!tpu.dma_semaphore, #tpu.memory_space<semaphore_mem>>) src(%arg14 : memref<256x64xf32, #tpu.memory_space<vmem>>) dst(%dma_wait3A_65 : memref<256x64xf32, #tpu.memory_space<hbm>>)
      tpu.yield
    }) : () -> ()
    %scan3A_30 = arith.constant 0 : i32
    %scan3A_31 = arith.constant 16 : i32
    %scan3A_32 = arith.addi %scan3A_30, %scan3A_31 : i32
    %scan3A_33 = arith.constant 1 : i32
    scf.for %scan3A_59 = %scan3A_30 to %scan3A_32 step %scan3A_33  : i32 {
      %mul3A_60 = arith.constant 1 : i32
      %mul3A_61 = arith.muli %scan3A_59, %mul3A_60 : i32
      %add3A_62 = arith.constant 0 : i32
      %add3A_63 = arith.addi %add3A_62, %mul3A_61 : i32
      %mul3A_64 = arith.constant 16 : i32
      %mul3A_65 = arith.muli %add3A_63, %mul3A_64 : i32
      %add3A_66 = arith.constant 256 : i32
      %add3A_67 = arith.addi %add3A_66, %mul3A_65 : i32
      %get3A = arith.index_cast %add3A_67 : i32 to index
      %get3A_68 = tpu.vector_load %arg10[%get3A] {strides = array<i32>} : memref<512xi32, #tpu.memory_space<vmem>>, vector<16xi32>,
      %get3A_69 = vector.shape_cast %get3A_68 : vector<16xi32> to vector<16xi32>
      %get3A_70 = arith.index_cast %add3A_67 : i32 to index
      %get3A_71 = tpu.vector_load %arg12[%get3A_70] {strides = array<i32>} : memref<512xi32, #tpu.memory_space<vmem>>, vector<16xi32>,
      %get3A_72 = vector.shape_cast %get3A_71 : vector<16xi32> to vector<16xi32>
      %get3A_73 = arith.index_cast %add3A_67 : i32 to index
      %get3A_74 = tpu.vector_load %arg11[%get3A_73] {strides = array<i32>} : memref<512xi32, #tpu.memory_space<vmem>>, vector<16xi32>,
      %get3A_75 = vector.shape_cast %get3A_74 : vector<16xi32> to vector<16xi32>
      %mul3A_76 = arith.constant 16 : i32
      %mul3A_77 = arith.muli %add3A_63, %mul3A_76 : i32
      %add3A_78 = arith.constant 0 : i32
      %add3A_79 = arith.addi %mul3A_77, %add3A_78 : i32
      %slice3A = vector.extract_strided_slice %get3A_69 {offsets = [0], sizes = [1], strides = [1]} : vector<16xi32> to vector<1xi32>
      %squeeze3A = vector.extract %slice3A[0] : i32 from vector<1xi32>
      %dma_start3A = arith.constant 0 : i32
      %dma_start3A_80 = tpu.memref_slice %arg13[%add3A_79, %dma_start3A] : memref<256x64xf32, #tpu.memory_space<vmem>> -> memref<1x64xf32, #tpu.memory_space<vmem>>
      %dma_start3A_81 = tpu.memref_squeeze %dma_start3A_80 : memref<1x64xf32, #tpu.memory_space<vmem>> -> memref<64xf32, #tpu.memory_space<vmem>>
      %dma_start3A_82 = arith.constant 0 : i32
      %dma_start3A_83 = tpu.memref_slice %arg5[%squeeze3A, %dma_start3A_82] : memref<1000000x64xf32, #tpu.memory_space<hbm>> -> memref<1x64xf32, #tpu.memory_space<hbm>>
      %dma_start3A_84 = tpu.memref_squeeze %dma_start3A_83 : memref<1x64xf32, #tpu.memory_space<hbm>> -> memref<64xf32, #tpu.memory_space<hbm>>
      %dma_start3A_85 = arith.constant 0 : i32
      %dma_start3A_86 = tpu.memref_slice %arg13[%add3A_79, %dma_start3A_85] : memref<256x64xf32, #tpu.memory_space<vmem>> -> memref<1x64xf32, #tpu.memory_space<vmem>>
      %dma_start3A_87 = tpu.memref_squeeze %dma_start3A_86 : memref<1x64xf32, #tpu.memory_space<vmem>> -> memref<64xf32, #tpu.memory_space<vmem>>
      %dma_start3A_88 = arith.constant 0 : i32
      %dma_start3A_89 = tpu.memref_slice %arg5[%squeeze3A, %dma_start3A_88] : memref<1000000x64xf32, #tpu.memory_space<hbm>> -> memref<1x64xf32, #tpu.memory_space<hbm>>
      %dma_start3A_90 = tpu.memref_squeeze %dma_start3A_89 : memref<1x64xf32, #tpu.memory_space<hbm>> -> memref<64xf32, #tpu.memory_space<hbm>>
      tpu.enqueue_dma source(%dma_start3A_90 : memref<64xf32, #tpu.memory_space<hbm>>) target(%dma_start3A_87 : memref<64xf32, #tpu.memory_space<vmem>>) target_semaphore(%arg16 : memref<!tpu.dma_semaphore, #tpu.memory_space<semaphore_mem>>)
      %slice3A_91 = vector.extract_strided_slice %get3A_72 {offsets = [0], sizes = [1], strides = [1]} : vector<16xi32> to vector<1xi32>
      %squeeze3A_92 = vector.extract %slice3A_91[0] : i32 from vector<1xi32>
      %dma_start3A_93 = arith.constant 0 : i32
      %dma_start3A_94 = tpu.memref_slice %arg15[%add3A_79, %dma_start3A_93] : memref<256x64xf32, #tpu.memory_space<vmem>> -> memref<1x64xf32, #tpu.memory_space<vmem>>
      %dma_start3A_95 = tpu.memref_squeeze %dma_start3A_94 : memref<1x64xf32, #tpu.memory_space<vmem>> -> memref<64xf32, #tpu.memory_space<vmem>>
      %dma_start3A_96 = arith.constant 0 : i32
      %dma_start3A_97 = tpu.memref_slice %arg5[%squeeze3A_92, %dma_start3A_96] : memref<1000000x64xf32, #tpu.memory_space<hbm>> -> memref<1x64xf32, #tpu.memory_space<hbm>>
      %dma_start3A_98 = tpu.memref_squeeze %dma_start3A_97 : memref<1x64xf32, #tpu.memory_space<hbm>> -> memref<64xf32, #tpu.memory_space<hbm>>
      %dma_start3A_99 = arith.constant 0 : i32
      %dma_start3A_100 = tpu.memref_slice %arg15[%add3A_79, %dma_start3A_99] : memref<256x64xf32, #tpu.memory_space<vmem>> -> memref<1x64xf32, #tpu.memory_space<vmem>>
      %dma_start3A_101 = tpu.memref_squeeze %dma_start3A_100 : memref<1x64xf32, #tpu.memory_space<vmem>> -> memref<64xf32, #tpu.memory_space<vmem>>
      %dma_start3A_102 = arith.constant 0 : i32
      %dma_start3A_103 = tpu.memref_slice %arg5[%squeeze3A_92, %dma_start3A_102] : memref<1000000x64xf32, #tpu.memory_space<hbm>> -> memref<1x64xf32, #tpu.memory_space<hbm>>
      %dma_start3A_104 = tpu.memref_squeeze %dma_start3A_103 : memref<1x64xf32, #tpu.memory_space<hbm>> -> memref<64xf32, #tpu.memory_space<hbm>>
      tpu.enqueue_dma source(%dma_start3A_104 : memref<64xf32, #tpu.memory_space<hbm>>) target(%dma_start3A_101 : memref<64xf32, #tpu.memory_space<vmem>>) target_semaphore(%arg18 : memref<!tpu.dma_semaphore, #tpu.memory_space<semaphore_mem>>)
      %slice3A_105 = vector.extract_strided_slice %get3A_75 {offsets = [0], sizes = [1], strides = [1]} : vector<16xi32> to vector<1xi32>
      %squeeze3A_106 = vector.extract %slice3A_105[0] : i32 from vector<1xi32>
      %dma_start3A_107 = arith.constant 0 : i32
      %dma_start3A_108 = tpu.memref_slice %arg14[%add3A_79, %dma_start3A_107] : memref<256x64xf32, #tpu.memory_space<vmem>> -> memref<1x64xf32, #tpu.memory_space<vmem>>
      %dma_start3A_109 = tpu.memref_squeeze %dma_start3A_108 : memref<1x64xf32, #tpu.memory_space<vmem>> -> memref<64xf32, #tpu.memory_space<vmem>>
      %dma_start3A_110 = arith.constant 0 : i32
      %dma_start3A_111 = tpu.memref_slice %arg6[%squeeze3A_106, %dma_start3A_110] : memref<1000x64xf32, #tpu.memory_space<hbm>> -> memref<1x64xf32, #tpu.memory_space<hbm>>
      %dma_start3A_112 = tpu.memref_squeeze %dma_start3A_111 : memref<1x64xf32, #tpu.memory_space<hbm>> -> memref<64xf32, #tpu.memory_space<hbm>>
      %dma_start3A_113 = arith.constant 0 : i32
      %dma_start3A_114 = tpu.memref_slice %arg14[%add3A_79, %dma_start3A_113] : memref<256x64xf32, #tpu.memory_space<vmem>> -> memref<1x64xf32, #tpu.memory_space<vmem>>
      %dma_start3A_115 = tpu.memref_squeeze %dma_start3A_114 : memref<1x64xf32, #tpu.memory_space<vmem>> -> memref<64xf32, #tpu.memory_space<vmem>>
      %dma_start3A_116 = arith.constant 0 : i32
      %dma_start3A_117 = tpu.memref_slice %arg6[%squeeze3A_106, %dma_start3A_116] : memref<1000x64xf32, #tpu.memory_space<hbm>> -> memref<1x64xf32, #tpu.memory_space<hbm>>
      %dma_start3A_118 = tpu.memref_squeeze %dma_start3A_117 : memref<1x64xf32, #tpu.memory_space<hbm>> -> memref<64xf32, #tpu.memory_space<hbm>>
      tpu.enqueue_dma source(%dma_start3A_118 : memref<64xf32, #tpu.memory_space<hbm>>) target(%dma_start3A_115 : memref<64xf32, #tpu.memory_space<vmem>>) target_semaphore(%arg17 : memref<!tpu.dma_semaphore, #tpu.memory_space<semaphore_mem>>)
      %mul3A_119 = arith.constant 16 : i32
      %mul3A_120 = arith.muli %add3A_63, %mul3A_119 : i32
      %add3A_121 = arith.constant 1 : i32
      %add3A_122 = arith.addi %mul3A_120, %add3A_121 : i32
      %slice3A_123 = vector.extract_strided_slice %get3A_69 {offsets = [1], sizes = [1], strides = [1]} : vector<16xi32> to vector<1xi32>
      %squeeze3A_124 = vector.extract %slice3A_123[0] : i32 from vector<1xi32>
      %dma_start3A_125 = arith.constant 0 : i32
      %dma_start3A_126 = tpu.memref_slice %arg13[%add3A_122, %dma_start3A_125] : memref<256x64xf32, #tpu.memory_space<vmem>> -> memref<1x64xf32, #tpu.memory_space<vmem>>
      %dma_start3A_127 = tpu.memref_squeeze %dma_start3A_126 : memref<1x64xf32, #tpu.memory_space<vmem>> -> memref<64xf32, #tpu.memory_space<vmem>>
      %dma_start3A_128 = arith.constant 0 : i32
      %dma_start3A_129 = tpu.memref_slice %arg5[%squeeze3A_124, %dma_start3A_128] : memref<1000000x64xf32, #tpu.memory_space<hbm>> -> memref<1x64xf32, #tpu.memory_space<hbm>>
      %dma_start3A_130 = tpu.memref_squeeze %dma_start3A_129 : memref<1x64xf32, #tpu.memory_space<hbm>> -> memref<64xf32, #tpu.memory_space<hbm>>
      %dma_start3A_131 = arith.constant 0 : i32
      %dma_start3A_132 = tpu.memref_slice %arg13[%add3A_122, %dma_start3A_131] : memref<256x64xf32, #tpu.memory_space<vmem>> -> memref<1x64xf32, #tpu.memory_space<vmem>>
      %dma_start3A_133 = tpu.memref_squeeze %dma_start3A_132 : memref<1x64xf32, #tpu.memory_space<vmem>> -> memref<64xf32, #tpu.memory_space<vmem>>
      %dma_start3A_134 = arith.constant 0 : i32
      %dma_start3A_135 = tpu.memref_slice %arg5[%squeeze3A_124, %dma_start3A_134] : memref<1000000x64xf32, #tpu.memory_space<hbm>> -> memref<1x64xf32, #tpu.memory_space<hbm>>
      %dma_start3A_136 = tpu.memref_squeeze %dma_start3A_135 : memref<1x64xf32, #tpu.memory_space<hbm>> -> memref<64xf32, #tpu.memory_space<hbm>>
      tpu.enqueue_dma source(%dma_start3A_136 : memref<64xf32, #tpu.memory_space<hbm>>) target(%dma_start3A_133 : memref<64xf32, #tpu.memory_space<vmem>>) target_semaphore(%arg16 : memref<!tpu.dma_semaphore, #tpu.memory_space<semaphore_mem>>)
      %slice3A_137 = vector.extract_strided_slice %get3A_72 {offsets = [1], sizes = [1], strides = [1]} : vector<16xi32> to vector<1xi32>
      %squeeze3A_138 = vector.extract %slice3A_137[0] : i32 from vector<1xi32>
      %dma_start3A_139 = arith.constant 0 : i32
      %dma_start3A_140 = tpu.memref_slice %arg15[%add3A_122, %dma_start3A_139] : memref<256x64xf32, #tpu.memory_space<vmem>> -> memref<1x64xf32, #tpu.memory_space<vmem>>
      %dma_start3A_141 = tpu.memref_squeeze %dma_start3A_140 : memref<1x64xf32, #tpu.memory_space<vmem>> -> memref<64xf32, #tpu.memory_space<vmem>>
      %dma_start3A_142 = arith.constant 0 : i32
      %dma_start3A_143 = tpu.memref_slice %arg5[%squeeze3A_138, %dma_start3A_142] : memref<1000000x64xf32, #tpu.memory_space<hbm>> -> memref<1x64xf32, #tpu.memory_space<hbm>>
      %dma_start3A_144 = tpu.memref_squeeze %dma_start3A_143 : memref<1x64xf32, #tpu.memory_space<hbm>> -> memref<64xf32, #tpu.memory_space<hbm>>
      %dma_start3A_145 = arith.constant 0 : i32
      %dma_start3A_146 = tpu.memref_slice %arg15[%add3A_122, %dma_start3A_145] : memref<256x64xf32, #tpu.memory_space<vmem>> -> memref<1x64xf32, #tpu.memory_space<vmem>>
      %dma_start3A_147 = tpu.memref_squeeze %dma_start3A_146 : memref<1x64xf32, #tpu.memory_space<vmem>> -> memref<64xf32, #tpu.memory_space<vmem>>
      %dma_start3A_148 = arith.constant 0 : i32
      %dma_start3A_149 = tpu.memref_slice %arg5[%squeeze3A_138, %dma_start3A_148] : memref<1000000x64xf32, #tpu.memory_space<hbm>> -> memref<1x64xf32, #tpu.memory_space<hbm>>
      %dma_start3A_150 = tpu.memref_squeeze %dma_start3A_149 : memref<1x64xf32, #tpu.memory_space<hbm>> -> memref<64xf32, #tpu.memory_space<hbm>>
      tpu.enqueue_dma source(%dma_start3A_150 : memref<64xf32, #tpu.memory_space<hbm>>) target(%dma_start3A_147 : memref<64xf32, #tpu.memory_space<vmem>>) target_semaphore(%arg18 : memref<!tpu.dma_semaphore, #tpu.memory_space<semaphore_mem>>)
      %slice3A_151 = vector.extract_strided_slice %get3A_75 {offsets = [1], sizes = [1], strides = [1]} : vector<16xi32> to vector<1xi32>
      %squeeze3A_152 = vector.extract %slice3A_151[0] : i32 from vector<1xi32>
      %dma_start3A_153 = arith.constant 0 : i32
      %dma_start3A_154 = tpu.memref_slice %arg14[%add3A_122, %dma_start3A_153] : memref<256x64xf32, #tpu.memory_space<vmem>> -> memref<1x64xf32, #tpu.memory_space<vmem>>
      %dma_start3A_155 = tpu.memref_squeeze %dma_start3A_154 : memref<1x64xf32, #tpu.memory_space<vmem>> -> memref<64xf32, #tpu.memory_space<vmem>>
      %dma_start3A_156 = arith.constant 0 : i32
      %dma_start3A_157 = tpu.memref_slice %arg6[%squeeze3A_152, %dma_start3A_156] : memref<1000x64xf32, #tpu.memory_space<hbm>> -> memref<1x64xf32, #tpu.memory_space<hbm>>
      %dma_start3A_158 = tpu.memref_squeeze %dma_start3A_157 : memref<1x64xf32, #tpu.memory_space<hbm>> -> memref<64xf32, #tpu.memory_space<hbm>>
      %dma_start3A_159 = arith.constant 0 : i32
      %dma_start3A_160 = tpu.memref_slice %arg14[%add3A_122, %dma_start3A_159] : memref<256x64xf32, #tpu.memory_space<vmem>> -> memref<1x64xf32, #tpu.memory_space<vmem>>
      %dma_start3A_161 = tpu.memref_squeeze %dma_start3A_160 : memref<1x64xf32, #tpu.memory_space<vmem>> -> memref<64xf32, #tpu.memory_space<vmem>>
      %dma_start3A_162 = arith.constant 0 : i32
      %dma_start3A_163 = tpu.memref_slice %arg6[%squeeze3A_152, %dma_start3A_162] : memref<1000x64xf32, #tpu.memory_space<hbm>> -> memref<1x64xf32, #tpu.memory_space<hbm>>
      %dma_start3A_164 = tpu.memref_squeeze %dma_start3A_163 : memref<1x64xf32, #tpu.memory_space<hbm>> -> memref<64xf32, #tpu.memory_space<hbm>>
      tpu.enqueue_dma source(%dma_start3A_164 : memref<64xf32, #tpu.memory_space<hbm>>) target(%dma_start3A_161 : memref<64xf32, #tpu.memory_space<vmem>>) target_semaphore(%arg17 : memref<!tpu.dma_semaphore, #tpu.memory_space<semaphore_mem>>)
      %mul3A_165 = arith.constant 16 : i32
      %mul3A_166 = arith.muli %add3A_63, %mul3A_165 : i32
      %add3A_167 = arith.constant 2 : i32
      %add3A_168 = arith.addi %mul3A_166, %add3A_167 : i32
      %slice3A_169 = vector.extract_strided_slice %get3A_69 {offsets = [2], sizes = [1], strides = [1]} : vector<16xi32> to vector<1xi32>
      %squeeze3A_170 = vector.extract %slice3A_169[0] : i32 from vector<1xi32>
      %dma_start3A_171 = arith.constant 0 : i32
      %dma_start3A_172 = tpu.memref_slice %arg13[%add3A_168, %dma_start3A_171] : memref<256x64xf32, #tpu.memory_space<vmem>> -> memref<1x64xf32, #tpu.memory_space<vmem>>
      %dma_start3A_173 = tpu.memref_squeeze %dma_start3A_172 : memref<1x64xf32, #tpu.memory_space<vmem>> -> memref<64xf32, #tpu.memory_space<vmem>>
      %dma_start3A_174 = arith.constant 0 : i32
      %dma_start3A_175 = tpu.memref_slice %arg5[%squeeze3A_170, %dma_start3A_174] : memref<1000000x64xf32, #tpu.memory_space<hbm>> -> memref<1x64xf32, #tpu.memory_space<hbm>>
      %dma_start3A_176 = tpu.memref_squeeze %dma_start3A_175 : memref<1x64xf32, #tpu.memory_space<hbm>> -> memref<64xf32, #tpu.memory_space<hbm>>
      %dma_start3A_177 = arith.constant 0 : i32
      %dma_start3A_178 = tpu.memref_slice %arg13[%add3A_168, %dma_start3A_177] : memref<256x64xf32, #tpu.memory_space<vmem>> -> memref<1x64xf32, #tpu.memory_space<vmem>>
      %dma_start3A_179 = tpu.memref_squeeze %dma_start3A_178 : memref<1x64xf32, #tpu.memory_space<vmem>> -> memref<64xf32, #tpu.memory_space<vmem>>
      %dma_start3A_180 = arith.constant 0 : i32
      %dma_start3A_181 = tpu.memref_slice %arg5[%squeeze3A_170, %dma_start3A_180] : memref<1000000x64xf32, #tpu.memory_space<hbm>> -> memref<1x64xf32, #tpu.memory_space<hbm>>
      %dma_start3A_182 = tpu.memref_squeeze %dma_start3A_181 : memref<1x64xf32, #tpu.memory_space<hbm>> -> memref<64xf32, #tpu.memory_space<hbm>>
      tpu.enqueue_dma source(%dma_start3A_182 : memref<64xf32, #tpu.memory_space<hbm>>) target(%dma_start3A_179 : memref<64xf32, #tpu.memory_space<vmem>>) target_semaphore(%arg16 : memref<!tpu.dma_semaphore, #tpu.memory_space<semaphore_mem>>)
      %slice3A_183 = vector.extract_strided_slice %get3A_72 {offsets = [2], sizes = [1], strides = [1]} : vector<16xi32> to vector<1xi32>
      %squeeze3A_184 = vector.extract %slice3A_183[0] : i32 from vector<1xi32>
      %dma_start3A_185 = arith.constant 0 : i32
      %dma_start3A_186 = tpu.memref_slice %arg15[%add3A_168, %dma_start3A_185] : memref<256x64xf32, #tpu.memory_space<vmem>> -> memref<1x64xf32, #tpu.memory_space<vmem>>
      %dma_start3A_187 = tpu.memref_squeeze %dma_start3A_186 : memref<1x64xf32, #tpu.memory_space<vmem>> -> memref<64xf32, #tpu.memory_space<vmem>>
      %dma_start3A_188 = arith.constant 0 : i32
      %dma_start3A_189 = tpu.memref_slice %arg5[%squeeze3A_184, %dma_start3A_188] : memref<1000000x64xf32, #tpu.memory_space<hbm>> -> memref<1x64xf32, #tpu.memory_space<hbm>>
      %dma_start3A_190 = tpu.memref_squeeze %dma_start3A_189 : memref<1x64xf32, #tpu.memory_space<hbm>> -> memref<64xf32, #tpu.memory_space<hbm>>
      %dma_start3A_191 = arith.constant 0 : i32
      %dma_start3A_192 = tpu.memref_slice %arg15[%add3A_168, %dma_start3A_191] : memref<256x64xf32, #tpu.memory_space<vmem>> -> memref<1x64xf32, #tpu.memory_space<vmem>>
      %dma_start3A_193 = tpu.memref_squeeze %dma_start3A_192 : memref<1x64xf32, #tpu.memory_space<vmem>> -> memref<64xf32, #tpu.memory_space<vmem>>
      %dma_start3A_194 = arith.constant 0 : i32
      %dma_start3A_195 = tpu.memref_slice %arg5[%squeeze3A_184, %dma_start3A_194] : memref<1000000x64xf32, #tpu.memory_space<hbm>> -> memref<1x64xf32, #tpu.memory_space<hbm>>
      %dma_start3A_196 = tpu.memref_squeeze %dma_start3A_195 : memref<1x64xf32, #tpu.memory_space<hbm>> -> memref<64xf32, #tpu.memory_space<hbm>>
      tpu.enqueue_dma source(%dma_start3A_196 : memref<64xf32, #tpu.memory_space<hbm>>) target(%dma_start3A_193 : memref<64xf32, #tpu.memory_space<vmem>>) target_semaphore(%arg18 : memref<!tpu.dma_semaphore, #tpu.memory_space<semaphore_mem>>)
      %slice3A_197 = vector.extract_strided_slice %get3A_75 {offsets = [2], sizes = [1], strides = [1]} : vector<16xi32> to vector<1xi32>
      %squeeze3A_198 = vector.extract %slice3A_197[0] : i32 from vector<1xi32>
      %dma_start3A_199 = arith.constant 0 : i32
      %dma_start3A_200 = tpu.memref_slice %arg14[%add3A_168, %dma_start3A_199] : memref<256x64xf32, #tpu.memory_space<vmem>> -> memref<1x64xf32, #tpu.memory_space<vmem>>
      %dma_start3A_201 = tpu.memref_squeeze %dma_start3A_200 : memref<1x64xf32, #tpu.memory_space<vmem>> -> memref<64xf32, #tpu.memory_space<vmem>>
      %dma_start3A_202 = arith.constant 0 : i32
      %dma_start3A_203 = tpu.memref_slice %arg6[%squeeze3A_198, %dma_start3A_202] : memref<1000x64xf32, #tpu.memory_space<hbm>> -> memref<1x64xf32, #tpu.memory_space<hbm>>
      %dma_start3A_204 = tpu.memref_squeeze %dma_start3A_203 : memref<1x64xf32, #tpu.memory_space<hbm>> -> memref<64xf32, #tpu.memory_space<hbm>>
      %dma_start3A_205 = arith.constant 0 : i32
      %dma_start3A_206 = tpu.memref_slice %arg14[%add3A_168, %dma_start3A_205] : memref<256x64xf32, #tpu.memory_space<vmem>> -> memref<1x64xf32, #tpu.memory_space<vmem>>
      %dma_start3A_207 = tpu.memref_squeeze %dma_start3A_206 : memref<1x64xf32, #tpu.memory_space<vmem>> -> memref<64xf32, #tpu.memory_space<vmem>>
      %dma_start3A_208 = arith.constant 0 : i32
      %dma_start3A_209 = tpu.memref_slice %arg6[%squeeze3A_198, %dma_start3A_208] : memref<1000x64xf32, #tpu.memory_space<hbm>> -> memref<1x64xf32, #tpu.memory_space<hbm>>
      %dma_start3A_210 = tpu.memref_squeeze %dma_start3A_209 : memref<1x64xf32, #tpu.memory_space<hbm>> -> memref<64xf32, #tpu.memory_space<hbm>>
      tpu.enqueue_dma source(%dma_start3A_210 : memref<64xf32, #tpu.memory_space<hbm>>) target(%dma_start3A_207 : memref<64xf32, #tpu.memory_space<vmem>>) target_semaphore(%arg17 : memref<!tpu.dma_semaphore, #tpu.memory_space<semaphore_mem>>)
      %mul3A_211 = arith.constant 16 : i32
      %mul3A_212 = arith.muli %add3A_63, %mul3A_211 : i32
      %add3A_213 = arith.constant 3 : i32
      %add3A_214 = arith.addi %mul3A_212, %add3A_213 : i32
      %slice3A_215 = vector.extract_strided_slice %get3A_69 {offsets = [3], sizes = [1], strides = [1]} : vector<16xi32> to vector<1xi32>
      %squeeze3A_216 = vector.extract %slice3A_215[0] : i32 from vector<1xi32>
      %dma_start3A_217 = arith.constant 0 : i32
      %dma_start3A_218 = tpu.memref_slice %arg13[%add3A_214, %dma_start3A_217] : memref<256x64xf32, #tpu.memory_space<vmem>> -> memref<1x64xf32, #tpu.memory_space<vmem>>
      %dma_start3A_219 = tpu.memref_squeeze %dma_start3A_218 : memref<1x64xf32, #tpu.memory_space<vmem>> -> memref<64xf32, #tpu.memory_space<vmem>>
      %dma_start3A_220 = arith.constant 0 : i32
      %dma_start3A_221 = tpu.memref_slice %arg5[%squeeze3A_216, %dma_start3A_220] : memref<1000000x64xf32, #tpu.memory_space<hbm>> -> memref<1x64xf32, #tpu.memory_space<hbm>>
      %dma_start3A_222 = tpu.memref_squeeze %dma_start3A_221 : memref<1x64xf32, #tpu.memory_space<hbm>> -> memref<64xf32, #tpu.memory_space<hbm>>
      %dma_start3A_223 = arith.constant 0 : i32
      %dma_start3A_224 = tpu.memref_slice %arg13[%add3A_214, %dma_start3A_223] : memref<256x64xf32, #tpu.memory_space<vmem>> -> memref<1x64xf32, #tpu.memory_space<vmem>>
      %dma_start3A_225 = tpu.memref_squeeze %dma_start3A_224 : memref<1x64xf32, #tpu.memory_space<vmem>> -> memref<64xf32, #tpu.memory_space<vmem>>
      %dma_start3A_226 = arith.constant 0 : i32
      %dma_start3A_227 = tpu.memref_slice %arg5[%squeeze3A_216, %dma_start3A_226] : memref<1000000x64xf32, #tpu.memory_space<hbm>> -> memref<1x64xf32, #tpu.memory_space<hbm>>
      %dma_start3A_228 = tpu.memref_squeeze %dma_start3A_227 : memref<1x64xf32, #tpu.memory_space<hbm>> -> memref<64xf32, #tpu.memory_space<hbm>>
      tpu.enqueue_dma source(%dma_start3A_228 : memref<64xf32, #tpu.memory_space<hbm>>) target(%dma_start3A_225 : memref<64xf32, #tpu.memory_space<vmem>>) target_semaphore(%arg16 : memref<!tpu.dma_semaphore, #tpu.memory_space<semaphore_mem>>)
      %slice3A_229 = vector.extract_strided_slice %get3A_72 {offsets = [3], sizes = [1], strides = [1]} : vector<16xi32> to vector<1xi32>
      %squeeze3A_230 = vector.extract %slice3A_229[0] : i32 from vector<1xi32>
      %dma_start3A_231 = arith.constant 0 : i32
      %dma_start3A_232 = tpu.memref_slice %arg15[%add3A_214, %dma_start3A_231] : memref<256x64xf32, #tpu.memory_space<vmem>> -> memref<1x64xf32, #tpu.memory_space<vmem>>
      %dma_start3A_233 = tpu.memref_squeeze %dma_start3A_232 : memref<1x64xf32, #tpu.memory_space<vmem>> -> memref<64xf32, #tpu.memory_space<vmem>>
      %dma_start3A_234 = arith.constant 0 : i32
      %dma_start3A_235 = tpu.memref_slice %arg5[%squeeze3A_230, %dma_start3A_234] : memref<1000000x64xf32, #tpu.memory_space<hbm>> -> memref<1x64xf32, #tpu.memory_space<hbm>>
      %dma_start3A_236 = tpu.memref_squeeze %dma_start3A_235 : memref<1x64xf32, #tpu.memory_space<hbm>> -> memref<64xf32, #tpu.memory_space<hbm>>
      %dma_start3A_237 = arith.constant 0 : i32
      %dma_start3A_238 = tpu.memref_slice %arg15[%add3A_214, %dma_start3A_237] : memref<256x64xf32, #tpu.memory_space<vmem>> -> memref<1x64xf32, #tpu.memory_space<vmem>>
      %dma_start3A_239 = tpu.memref_squeeze %dma_start3A_238 : memref<1x64xf32, #tpu.memory_space<vmem>> -> memref<64xf32, #tpu.memory_space<vmem>>
      %dma_start3A_240 = arith.constant 0 : i32
      %dma_start3A_241 = tpu.memref_slice %arg5[%squeeze3A_230, %dma_start3A_240] : memref<1000000x64xf32, #tpu.memory_space<hbm>> -> memref<1x64xf32, #tpu.memory_space<hbm>>
      %dma_start3A_242 = tpu.memref_squeeze %dma_start3A_241 : memref<1x64xf32, #tpu.memory_space<hbm>> -> memref<64xf32, #tpu.memory_space<hbm>>
      tpu.enqueue_dma source(%dma_start3A_242 : memref<64xf32, #tpu.memory_space<hbm>>) target(%dma_start3A_239 : memref<64xf32, #tpu.memory_space<vmem>>) target_semaphore(%arg18 : memref<!tpu.dma_semaphore, #tpu.memory_space<semaphore_mem>>)
      %slice3A_243 = vector.extract_strided_slice %get3A_75 {offsets = [3], sizes = [1], strides = [1]} : vector<16xi32> to vector<1xi32>
      %squeeze3A_244 = vector.extract %slice3A_243[0] : i32 from vector<1xi32>
      %dma_start3A_245 = arith.constant 0 : i32
      %dma_start3A_246 = tpu.memref_slice %arg14[%add3A_214, %dma_start3A_245] : memref<256x64xf32, #tpu.memory_space<vmem>> -> memref<1x64xf32, #tpu.memory_space<vmem>>
      %dma_start3A_247 = tpu.memref_squeeze %dma_start3A_246 : memref<1x64xf32, #tpu.memory_space<vmem>> -> memref<64xf32, #tpu.memory_space<vmem>>
      %dma_start3A_248 = arith.constant 0 : i32
      %dma_start3A_249 = tpu.memref_slice %arg6[%squeeze3A_244, %dma_start3A_248] : memref<1000x64xf32, #tpu.memory_space<hbm>> -> memref<1x64xf32, #tpu.memory_space<hbm>>
      %dma_start3A_250 = tpu.memref_squeeze %dma_start3A_249 : memref<1x64xf32, #tpu.memory_space<hbm>> -> memref<64xf32, #tpu.memory_space<hbm>>
      %dma_start3A_251 = arith.constant 0 : i32
      %dma_start3A_252 = tpu.memref_slice %arg14[%add3A_214, %dma_start3A_251] : memref<256x64xf32, #tpu.memory_space<vmem>> -> memref<1x64xf32, #tpu.memory_space<vmem>>
      %dma_start3A_253 = tpu.memref_squeeze %dma_start3A_252 : memref<1x64xf32, #tpu.memory_space<vmem>> -> memref<64xf32, #tpu.memory_space<vmem>>
      %dma_start3A_254 = arith.constant 0 : i32
      %dma_start3A_255 = tpu.memref_slice %arg6[%squeeze3A_244, %dma_start3A_254] : memref<1000x64xf32, #tpu.memory_space<hbm>> -> memref<1x64xf32, #tpu.memory_space<hbm>>
      %dma_start3A_256 = tpu.memref_squeeze %dma_start3A_255 : memref<1x64xf32, #tpu.memory_space<hbm>> -> memref<64xf32, #tpu.memory_space<hbm>>
      tpu.enqueue_dma source(%dma_start3A_256 : memref<64xf32, #tpu.memory_space<hbm>>) target(%dma_start3A_253 : memref<64xf32, #tpu.memory_space<vmem>>) target_semaphore(%arg17 : memref<!tpu.dma_semaphore, #tpu.memory_space<semaphore_mem>>)
      %mul3A_257 = arith.constant 16 : i32
      %mul3A_258 = arith.muli %add3A_63, %mul3A_257 : i32
      %add3A_259 = arith.constant 4 : i32
      %add3A_260 = arith.addi %mul3A_258, %add3A_259 : i32
      %slice3A_261 = vector.extract_strided_slice %get3A_69 {offsets = [4], sizes = [1], strides = [1]} : vector<16xi32> to vector<1xi32>
      %squeeze3A_262 = vector.extract %slice3A_261[0] : i32 from vector<1xi32>
      %dma_start3A_263 = arith.constant 0 : i32
      %dma_start3A_264 = tpu.memref_slice %arg13[%add3A_260, %dma_start3A_263] : memref<256x64xf32, #tpu.memory_space<vmem>> -> memref<1x64xf32, #tpu.memory_space<vmem>>
      %dma_start3A_265 = tpu.memref_squeeze %dma_start3A_264 : memref<1x64xf32, #tpu.memory_space<vmem>> -> memref<64xf32, #tpu.memory_space<vmem>>
      %dma_start3A_266 = arith.constant 0 : i32
      %dma_start3A_267 = tpu.memref_slice %arg5[%squeeze3A_262, %dma_start3A_266] : memref<1000000x64xf32, #tpu.memory_space<hbm>> -> memref<1x64xf32, #tpu.memory_space<hbm>>
      %dma_start3A_268 = tpu.memref_squeeze %dma_start3A_267 : memref<1x64xf32, #tpu.memory_space<hbm>> -> memref<64xf32, #tpu.memory_space<hbm>>
      %dma_start3A_269 = arith.constant 0 : i32
      %dma_start3A_270 = tpu.memref_slice %arg13[%add3A_260, %dma_start3A_269] : memref<256x64xf32, #tpu.memory_space<vmem>> -> memref<1x64xf32, #tpu.memory_space<vmem>>
      %dma_start3A_271 = tpu.memref_squeeze %dma_start3A_270 : memref<1x64xf32, #tpu.memory_space<vmem>> -> memref<64xf32, #tpu.memory_space<vmem>>
      %dma_start3A_272 = arith.constant 0 : i32
      %dma_start3A_273 = tpu.memref_slice %arg5[%squeeze3A_262, %dma_start3A_272] : memref<1000000x64xf32, #tpu.memory_space<hbm>> -> memref<1x64xf32, #tpu.memory_space<hbm>>
      %dma_start3A_274 = tpu.memref_squeeze %dma_start3A_273 : memref<1x64xf32, #tpu.memory_space<hbm>> -> memref<64xf32, #tpu.memory_space<hbm>>
      tpu.enqueue_dma source(%dma_start3A_274 : memref<64xf32, #tpu.memory_space<hbm>>) target(%dma_start3A_271 : memref<64xf32, #tpu.memory_space<vmem>>) target_semaphore(%arg16 : memref<!tpu.dma_semaphore, #tpu.memory_space<semaphore_mem>>)
      %slice3A_275 = vector.extract_strided_slice %get3A_72 {offsets = [4], sizes = [1], strides = [1]} : vector<16xi32> to vector<1xi32>
      %squeeze3A_276 = vector.extract %slice3A_275[0] : i32 from vector<1xi32>
      %dma_start3A_277 = arith.constant 0 : i32
      %dma_start3A_278 = tpu.memref_slice %arg15[%add3A_260, %dma_start3A_277] : memref<256x64xf32, #tpu.memory_space<vmem>> -> memref<1x64xf32, #tpu.memory_space<vmem>>
      %dma_start3A_279 = tpu.memref_squeeze %dma_start3A_278 : memref<1x64xf32, #tpu.memory_space<vmem>> -> memref<64xf32, #tpu.memory_space<vmem>>
      %dma_start3A_280 = arith.constant 0 : i32
      %dma_start3A_281 = tpu.memref_slice %arg5[%squeeze3A_276, %dma_start3A_280] : memref<1000000x64xf32, #tpu.memory_space<hbm>> -> memref<1x64xf32, #tpu.memory_space<hbm>>
      %dma_start3A_282 = tpu.memref_squeeze %dma_start3A_281 : memref<1x64xf32, #tpu.memory_space<hbm>> -> memref<64xf32, #tpu.memory_space<hbm>>
      %dma_start3A_283 = arith.constant 0 : i32
      %dma_start3A_284 = tpu.memref_slice %arg15[%add3A_260, %dma_start3A_283] : memref<256x64xf32, #tpu.memory_space<vmem>> -> memref<1x64xf32, #tpu.memory_space<vmem>>
      %dma_start3A_285 = tpu.memref_squeeze %dma_start3A_284 : memref<1x64xf32, #tpu.memory_space<vmem>> -> memref<64xf32, #tpu.memory_space<vmem>>
      %dma_start3A_286 = arith.constant 0 : i32
      %dma_start3A_287 = tpu.memref_slice %arg5[%squeeze3A_276, %dma_start3A_286] : memref<1000000x64xf32, #tpu.memory_space<hbm>> -> memref<1x64xf32, #tpu.memory_space<hbm>>
      %dma_start3A_288 = tpu.memref_squeeze %dma_start3A_287 : memref<1x64xf32, #tpu.memory_space<hbm>> -> memref<64xf32, #tpu.memory_space<hbm>>
      tpu.enqueue_dma source(%dma_start3A_288 : memref<64xf32, #tpu.memory_space<hbm>>) target(%dma_start3A_285 : memref<64xf32, #tpu.memory_space<vmem>>) target_semaphore(%arg18 : memref<!tpu.dma_semaphore, #tpu.memory_space<semaphore_mem>>)
      %slice3A_289 = vector.extract_strided_slice %get3A_75 {offsets = [4], sizes = [1], strides = [1]} : vector<16xi32> to vector<1xi32>
      %squeeze3A_290 = vector.extract %slice3A_289[0] : i32 from vector<1xi32>
      %dma_start3A_291 = arith.constant 0 : i32
      %dma_start3A_292 = tpu.memref_slice %arg14[%add3A_260, %dma_start3A_291] : memref<256x64xf32, #tpu.memory_space<vmem>> -> memref<1x64xf32, #tpu.memory_space<vmem>>
      %dma_start3A_293 = tpu.memref_squeeze %dma_start3A_292 : memref<1x64xf32, #tpu.memory_space<vmem>> -> memref<64xf32, #tpu.memory_space<vmem>>
      %dma_start3A_294 = arith.constant 0 : i32
      %dma_start3A_295 = tpu.memref_slice %arg6[%squeeze3A_290, %dma_start3A_294] : memref<1000x64xf32, #tpu.memory_space<hbm>> -> memref<1x64xf32, #tpu.memory_space<hbm>>
      %dma_start3A_296 = tpu.memref_squeeze %dma_start3A_295 : memref<1x64xf32, #tpu.memory_space<hbm>> -> memref<64xf32, #tpu.memory_space<hbm>>
      %dma_start3A_297 = arith.constant 0 : i32
      %dma_start3A_298 = tpu.memref_slice %arg14[%add3A_260, %dma_start3A_297] : memref<256x64xf32, #tpu.memory_space<vmem>> -> memref<1x64xf32, #tpu.memory_space<vmem>>
      %dma_start3A_299 = tpu.memref_squeeze %dma_start3A_298 : memref<1x64xf32, #tpu.memory_space<vmem>> -> memref<64xf32, #tpu.memory_space<vmem>>
      %dma_start3A_300 = arith.constant 0 : i32
      %dma_start3A_301 = tpu.memref_slice %arg6[%squeeze3A_290, %dma_start3A_300] : memref<1000x64xf32, #tpu.memory_space<hbm>> -> memref<1x64xf32, #tpu.memory_space<hbm>>
      %dma_start3A_302 = tpu.memref_squeeze %dma_start3A_301 : memref<1x64xf32, #tpu.memory_space<hbm>> -> memref<64xf32, #tpu.memory_space<hbm>>
      tpu.enqueue_dma source(%dma_start3A_302 : memref<64xf32, #tpu.memory_space<hbm>>) target(%dma_start3A_299 : memref<64xf32, #tpu.memory_space<vmem>>) target_semaphore(%arg17 : memref<!tpu.dma_semaphore, #tpu.memory_space<semaphore_mem>>)
      %mul3A_303 = arith.constant 16 : i32
      %mul3A_304 = arith.muli %add3A_63, %mul3A_303 : i32
      %add3A_305 = arith.constant 5 : i32
      %add3A_306 = arith.addi %mul3A_304, %add3A_305 : i32
      %slice3A_307 = vector.extract_strided_slice %get3A_69 {offsets = [5], sizes = [1], strides = [1]} : vector<16xi32> to vector<1xi32>
      %squeeze3A_308 = vector.extract %slice3A_307[0] : i32 from vector<1xi32>
      %dma_start3A_309 = arith.constant 0 : i32
      %dma_start3A_310 = tpu.memref_slice %arg13[%add3A_306, %dma_start3A_309] : memref<256x64xf32, #tpu.memory_space<vmem>> -> memref<1x64xf32, #tpu.memory_space<vmem>>
      %dma_start3A_311 = tpu.memref_squeeze %dma_start3A_310 : memref<1x64xf32, #tpu.memory_space<vmem>> -> memref<64xf32, #tpu.memory_space<vmem>>
      %dma_start3A_312 = arith.constant 0 : i32
      %dma_start3A_313 = tpu.memref_slice %arg5[%squeeze3A_308, %dma_start3A_312] : memref<1000000x64xf32, #tpu.memory_space<hbm>> -> memref<1x64xf32, #tpu.memory_space<hbm>>
      %dma_start3A_314 = tpu.memref_squeeze %dma_start3A_313 : memref<1x64xf32, #tpu.memory_space<hbm>> -> memref<64xf32, #tpu.memory_space<hbm>>
      %dma_start3A_315 = arith.constant 0 : i32
      %dma_start3A_316 = tpu.memref_slice %arg13[%add3A_306, %dma_start3A_315] : memref<256x64xf32, #tpu.memory_space<vmem>> -> memref<1x64xf32, #tpu.memory_space<vmem>>
      %dma_start3A_317 = tpu.memref_squeeze %dma_start3A_316 : memref<1x64xf32, #tpu.memory_space<vmem>> -> memref<64xf32, #tpu.memory_space<vmem>>
      %dma_start3A_318 = arith.constant 0 : i32
      %dma_start3A_319 = tpu.memref_slice %arg5[%squeeze3A_308, %dma_start3A_318] : memref<1000000x64xf32, #tpu.memory_space<hbm>> -> memref<1x64xf32, #tpu.memory_space<hbm>>
      %dma_start3A_320 = tpu.memref_squeeze %dma_start3A_319 : memref<1x64xf32, #tpu.memory_space<hbm>> -> memref<64xf32, #tpu.memory_space<hbm>>
      tpu.enqueue_dma source(%dma_start3A_320 : memref<64xf32, #tpu.memory_space<hbm>>) target(%dma_start3A_317 : memref<64xf32, #tpu.memory_space<vmem>>) target_semaphore(%arg16 : memref<!tpu.dma_semaphore, #tpu.memory_space<semaphore_mem>>)
      %slice3A_321 = vector.extract_strided_slice %get3A_72 {offsets = [5], sizes = [1], strides = [1]} : vector<16xi32> to vector<1xi32>
      %squeeze3A_322 = vector.extract %slice3A_321[0] : i32 from vector<1xi32>
      %dma_start3A_323 = arith.constant 0 : i32
      %dma_start3A_324 = tpu.memref_slice %arg15[%add3A_306, %dma_start3A_323] : memref<256x64xf32, #tpu.memory_space<vmem>> -> memref<1x64xf32, #tpu.memory_space<vmem>>
      %dma_start3A_325 = tpu.memref_squeeze %dma_start3A_324 : memref<1x64xf32, #tpu.memory_space<vmem>> -> memref<64xf32, #tpu.memory_space<vmem>>
      %dma_start3A_326 = arith.constant 0 : i32
      %dma_start3A_327 = tpu.memref_slice %arg5[%squeeze3A_322, %dma_start3A_326] : memref<1000000x64xf32, #tpu.memory_space<hbm>> -> memref<1x64xf32, #tpu.memory_space<hbm>>
      %dma_start3A_328 = tpu.memref_squeeze %dma_start3A_327 : memref<1x64xf32, #tpu.memory_space<hbm>> -> memref<64xf32, #tpu.memory_space<hbm>>
      %dma_start3A_329 = arith.constant 0 : i32
      %dma_start3A_330 = tpu.memref_slice %arg15[%add3A_306, %dma_start3A_329] : memref<256x64xf32, #tpu.memory_space<vmem>> -> memref<1x64xf32, #tpu.memory_space<vmem>>
      %dma_start3A_331 = tpu.memref_squeeze %dma_start3A_330 : memref<1x64xf32, #tpu.memory_space<vmem>> -> memref<64xf32, #tpu.memory_space<vmem>>
      %dma_start3A_332 = arith.constant 0 : i32
      %dma_start3A_333 = tpu.memref_slice %arg5[%squeeze3A_322, %dma_start3A_332] : memref<1000000x64xf32, #tpu.memory_space<hbm>> -> memref<1x64xf32, #tpu.memory_space<hbm>>
      %dma_start3A_334 = tpu.memref_squeeze %dma_start3A_333 : memref<1x64xf32, #tpu.memory_space<hbm>> -> memref<64xf32, #tpu.memory_space<hbm>>
      tpu.enqueue_dma source(%dma_start3A_334 : memref<64xf32, #tpu.memory_space<hbm>>) target(%dma_start3A_331 : memref<64xf32, #tpu.memory_space<vmem>>) target_semaphore(%arg18 : memref<!tpu.dma_semaphore, #tpu.memory_space<semaphore_mem>>)
      %slice3A_335 = vector.extract_strided_slice %get3A_75 {offsets = [5], sizes = [1], strides = [1]} : vector<16xi32> to vector<1xi32>
      %squeeze3A_336 = vector.extract %slice3A_335[0] : i32 from vector<1xi32>
      %dma_start3A_337 = arith.constant 0 : i32
      %dma_start3A_338 = tpu.memref_slice %arg14[%add3A_306, %dma_start3A_337] : memref<256x64xf32, #tpu.memory_space<vmem>> -> memref<1x64xf32, #tpu.memory_space<vmem>>
      %dma_start3A_339 = tpu.memref_squeeze %dma_start3A_338 : memref<1x64xf32, #tpu.memory_space<vmem>> -> memref<64xf32, #tpu.memory_space<vmem>>
      %dma_start3A_340 = arith.constant 0 : i32
      %dma_start3A_341 = tpu.memref_slice %arg6[%squeeze3A_336, %dma_start3A_340] : memref<1000x64xf32, #tpu.memory_space<hbm>> -> memref<1x64xf32, #tpu.memory_space<hbm>>
      %dma_start3A_342 = tpu.memref_squeeze %dma_start3A_341 : memref<1x64xf32, #tpu.memory_space<hbm>> -> memref<64xf32, #tpu.memory_space<hbm>>
      %dma_start3A_343 = arith.constant 0 : i32
      %dma_start3A_344 = tpu.memref_slice %arg14[%add3A_306, %dma_start3A_343] : memref<256x64xf32, #tpu.memory_space<vmem>> -> memref<1x64xf32, #tpu.memory_space<vmem>>
      %dma_start3A_345 = tpu.memref_squeeze %dma_start3A_344 : memref<1x64xf32, #tpu.memory_space<vmem>> -> memref<64xf32, #tpu.memory_space<vmem>>
      %dma_start3A_346 = arith.constant 0 : i32
      %dma_start3A_347 = tpu.memref_slice %arg6[%squeeze3A_336, %dma_start3A_346] : memref<1000x64xf32, #tpu.memory_space<hbm>> -> memref<1x64xf32, #tpu.memory_space<hbm>>
      %dma_start3A_348 = tpu.memref_squeeze %dma_start3A_347 : memref<1x64xf32, #tpu.memory_space<hbm>> -> memref<64xf32, #tpu.memory_space<hbm>>
      tpu.enqueue_dma source(%dma_start3A_348 : memref<64xf32, #tpu.memory_space<hbm>>) target(%dma_start3A_345 : memref<64xf32, #tpu.memory_space<vmem>>) target_semaphore(%arg17 : memref<!tpu.dma_semaphore, #tpu.memory_space<semaphore_mem>>)
      %mul3A_349 = arith.constant 16 : i32
      %mul3A_350 = arith.muli %add3A_63, %mul3A_349 : i32
      %add3A_351 = arith.constant 6 : i32
      %add3A_352 = arith.addi %mul3A_350, %add3A_351 : i32
      %slice3A_353 = vector.extract_strided_slice %get3A_69 {offsets = [6], sizes = [1], strides = [1]} : vector<16xi32> to vector<1xi32>
      %squeeze3A_354 = vector.extract %slice3A_353[0] : i32 from vector<1xi32>
      %dma_start3A_355 = arith.constant 0 : i32
      %dma_start3A_356 = tpu.memref_slice %arg13[%add3A_352, %dma_start3A_355] : memref<256x64xf32, #tpu.memory_space<vmem>> -> memref<1x64xf32, #tpu.memory_space<vmem>>
      %dma_start3A_357 = tpu.memref_squeeze %dma_start3A_356 : memref<1x64xf32, #tpu.memory_space<vmem>> -> memref<64xf32, #tpu.memory_space<vmem>>
      %dma_start3A_358 = arith.constant 0 : i32
      %dma_start3A_359 = tpu.memref_slice %arg5[%squeeze3A_354, %dma_start3A_358] : memref<1000000x64xf32, #tpu.memory_space<hbm>> -> memref<1x64xf32, #tpu.memory_space<hbm>>
      %dma_start3A_360 = tpu.memref_squeeze %dma_start3A_359 : memref<1x64xf32, #tpu.memory_space<hbm>> -> memref<64xf32, #tpu.memory_space<hbm>>
      %dma_start3A_361 = arith.constant 0 : i32
      %dma_start3A_362 = tpu.memref_slice %arg13[%add3A_352, %dma_start3A_361] : memref<256x64xf32, #tpu.memory_space<vmem>> -> memref<1x64xf32, #tpu.memory_space<vmem>>
      %dma_start3A_363 = tpu.memref_squeeze %dma_start3A_362 : memref<1x64xf32, #tpu.memory_space<vmem>> -> memref<64xf32, #tpu.memory_space<vmem>>
      %dma_start3A_364 = arith.constant 0 : i32
      %dma_start3A_365 = tpu.memref_slice %arg5[%squeeze3A_354, %dma_start3A_364] : memref<1000000x64xf32, #tpu.memory_space<hbm>> -> memref<1x64xf32, #tpu.memory_space<hbm>>
      %dma_start3A_366 = tpu.memref_squeeze %dma_start3A_365 : memref<1x64xf32, #tpu.memory_space<hbm>> -> memref<64xf32, #tpu.memory_space<hbm>>
      tpu.enqueue_dma source(%dma_start3A_366 : memref<64xf32, #tpu.memory_space<hbm>>) target(%dma_start3A_363 : memref<64xf32, #tpu.memory_space<vmem>>) target_semaphore(%arg16 : memref<!tpu.dma_semaphore, #tpu.memory_space<semaphore_mem>>)
      %slice3A_367 = vector.extract_strided_slice %get3A_72 {offsets = [6], sizes = [1], strides = [1]} : vector<16xi32> to vector<1xi32>
      %squeeze3A_368 = vector.extract %slice3A_367[0] : i32 from vector<1xi32>
      %dma_start3A_369 = arith.constant 0 : i32
      %dma_start3A_370 = tpu.memref_slice %arg15[%add3A_352, %dma_start3A_369] : memref<256x64xf32, #tpu.memory_space<vmem>> -> memref<1x64xf32, #tpu.memory_space<vmem>>
      %dma_start3A_371 = tpu.memref_squeeze %dma_start3A_370 : memref<1x64xf32, #tpu.memory_space<vmem>> -> memref<64xf32, #tpu.memory_space<vmem>>
      %dma_start3A_372 = arith.constant 0 : i32
      %dma_start3A_373 = tpu.memref_slice %arg5[%squeeze3A_368, %dma_start3A_372] : memref<1000000x64xf32, #tpu.memory_space<hbm>> -> memref<1x64xf32, #tpu.memory_space<hbm>>
      %dma_start3A_374 = tpu.memref_squeeze %dma_start3A_373 : memref<1x64xf32, #tpu.memory_space<hbm>> -> memref<64xf32, #tpu.memory_space<hbm>>
      %dma_start3A_375 = arith.constant 0 : i32
      %dma_start3A_376 = tpu.memref_slice %arg15[%add3A_352, %dma_start3A_375] : memref<256x64xf32, #tpu.memory_space<vmem>> -> memref<1x64xf32, #tpu.memory_space<vmem>>
      %dma_start3A_377 = tpu.memref_squeeze %dma_start3A_376 : memref<1x64xf32, #tpu.memory_space<vmem>> -> memref<64xf32, #tpu.memory_space<vmem>>
      %dma_start3A_378 = arith.constant 0 : i32
      %dma_start3A_379 = tpu.memref_slice %arg5[%squeeze3A_368, %dma_start3A_378] : memref<1000000x64xf32, #tpu.memory_space<hbm>> -> memref<1x64xf32, #tpu.memory_space<hbm>>
      %dma_start3A_380 = tpu.memref_squeeze %dma_start3A_379 : memref<1x64xf32, #tpu.memory_space<hbm>> -> memref<64xf32, #tpu.memory_space<hbm>>
      tpu.enqueue_dma source(%dma_start3A_380 : memref<64xf32, #tpu.memory_space<hbm>>) target(%dma_start3A_377 : memref<64xf32, #tpu.memory_space<vmem>>) target_semaphore(%arg18 : memref<!tpu.dma_semaphore, #tpu.memory_space<semaphore_mem>>)
      %slice3A_381 = vector.extract_strided_slice %get3A_75 {offsets = [6], sizes = [1], strides = [1]} : vector<16xi32> to vector<1xi32>
      %squeeze3A_382 = vector.extract %slice3A_381[0] : i32 from vector<1xi32>
      %dma_start3A_383 = arith.constant 0 : i32
      %dma_start3A_384 = tpu.memref_slice %arg14[%add3A_352, %dma_start3A_383] : memref<256x64xf32, #tpu.memory_space<vmem>> -> memref<1x64xf32, #tpu.memory_space<vmem>>
      %dma_start3A_385 = tpu.memref_squeeze %dma_start3A_384 : memref<1x64xf32, #tpu.memory_space<vmem>> -> memref<64xf32, #tpu.memory_space<vmem>>
      %dma_start3A_386 = arith.constant 0 : i32
      %dma_start3A_387 = tpu.memref_slice %arg6[%squeeze3A_382, %dma_start3A_386] : memref<1000x64xf32, #tpu.memory_space<hbm>> -> memref<1x64xf32, #tpu.memory_space<hbm>>
      %dma_start3A_388 = tpu.memref_squeeze %dma_start3A_387 : memref<1x64xf32, #tpu.memory_space<hbm>> -> memref<64xf32, #tpu.memory_space<hbm>>
      %dma_start3A_389 = arith.constant 0 : i32
      %dma_start3A_390 = tpu.memref_slice %arg14[%add3A_352, %dma_start3A_389] : memref<256x64xf32, #tpu.memory_space<vmem>> -> memref<1x64xf32, #tpu.memory_space<vmem>>
      %dma_start3A_391 = tpu.memref_squeeze %dma_start3A_390 : memref<1x64xf32, #tpu.memory_space<vmem>> -> memref<64xf32, #tpu.memory_space<vmem>>
      %dma_start3A_392 = arith.constant 0 : i32
      %dma_start3A_393 = tpu.memref_slice %arg6[%squeeze3A_382, %dma_start3A_392] : memref<1000x64xf32, #tpu.memory_space<hbm>> -> memref<1x64xf32, #tpu.memory_space<hbm>>
      %dma_start3A_394 = tpu.memref_squeeze %dma_start3A_393 : memref<1x64xf32, #tpu.memory_space<hbm>> -> memref<64xf32, #tpu.memory_space<hbm>>
      tpu.enqueue_dma source(%dma_start3A_394 : memref<64xf32, #tpu.memory_space<hbm>>) target(%dma_start3A_391 : memref<64xf32, #tpu.memory_space<vmem>>) target_semaphore(%arg17 : memref<!tpu.dma_semaphore, #tpu.memory_space<semaphore_mem>>)
      %mul3A_395 = arith.constant 16 : i32
      %mul3A_396 = arith.muli %add3A_63, %mul3A_395 : i32
      %add3A_397 = arith.constant 7 : i32
      %add3A_398 = arith.addi %mul3A_396, %add3A_397 : i32
      %slice3A_399 = vector.extract_strided_slice %get3A_69 {offsets = [7], sizes = [1], strides = [1]} : vector<16xi32> to vector<1xi32>
      %squeeze3A_400 = vector.extract %slice3A_399[0] : i32 from vector<1xi32>
      %dma_start3A_401 = arith.constant 0 : i32
      %dma_start3A_402 = tpu.memref_slice %arg13[%add3A_398, %dma_start3A_401] : memref<256x64xf32, #tpu.memory_space<vmem>> -> memref<1x64xf32, #tpu.memory_space<vmem>>
      %dma_start3A_403 = tpu.memref_squeeze %dma_start3A_402 : memref<1x64xf32, #tpu.memory_space<vmem>> -> memref<64xf32, #tpu.memory_space<vmem>>
      %dma_start3A_404 = arith.constant 0 : i32
      %dma_start3A_405 = tpu.memref_slice %arg5[%squeeze3A_400, %dma_start3A_404] : memref<1000000x64xf32, #tpu.memory_space<hbm>> -> memref<1x64xf32, #tpu.memory_space<hbm>>
      %dma_start3A_406 = tpu.memref_squeeze %dma_start3A_405 : memref<1x64xf32, #tpu.memory_space<hbm>> -> memref<64xf32, #tpu.memory_space<hbm>>
      %dma_start3A_407 = arith.constant 0 : i32
      %dma_start3A_408 = tpu.memref_slice %arg13[%add3A_398, %dma_start3A_407] : memref<256x64xf32, #tpu.memory_space<vmem>> -> memref<1x64xf32, #tpu.memory_space<vmem>>
      %dma_start3A_409 = tpu.memref_squeeze %dma_start3A_408 : memref<1x64xf32, #tpu.memory_space<vmem>> -> memref<64xf32, #tpu.memory_space<vmem>>
      %dma_start3A_410 = arith.constant 0 : i32
      %dma_start3A_411 = tpu.memref_slice %arg5[%squeeze3A_400, %dma_start3A_410] : memref<1000000x64xf32, #tpu.memory_space<hbm>> -> memref<1x64xf32, #tpu.memory_space<hbm>>
      %dma_start3A_412 = tpu.memref_squeeze %dma_start3A_411 : memref<1x64xf32, #tpu.memory_space<hbm>> -> memref<64xf32, #tpu.memory_space<hbm>>
      tpu.enqueue_dma source(%dma_start3A_412 : memref<64xf32, #tpu.memory_space<hbm>>) target(%dma_start3A_409 : memref<64xf32, #tpu.memory_space<vmem>>) target_semaphore(%arg16 : memref<!tpu.dma_semaphore, #tpu.memory_space<semaphore_mem>>)
      %slice3A_413 = vector.extract_strided_slice %get3A_72 {offsets = [7], sizes = [1], strides = [1]} : vector<16xi32> to vector<1xi32>
      %squeeze3A_414 = vector.extract %slice3A_413[0] : i32 from vector<1xi32>
      %dma_start3A_415 = arith.constant 0 : i32
      %dma_start3A_416 = tpu.memref_slice %arg15[%add3A_398, %dma_start3A_415] : memref<256x64xf32, #tpu.memory_space<vmem>> -> memref<1x64xf32, #tpu.memory_space<vmem>>
      %dma_start3A_417 = tpu.memref_squeeze %dma_start3A_416 : memref<1x64xf32, #tpu.memory_space<vmem>> -> memref<64xf32, #tpu.memory_space<vmem>>
      %dma_start3A_418 = arith.constant 0 : i32
      %dma_start3A_419 = tpu.memref_slice %arg5[%squeeze3A_414, %dma_start3A_418] : memref<1000000x64xf32, #tpu.memory_space<hbm>> -> memref<1x64xf32, #tpu.memory_space<hbm>>
      %dma_start3A_420 = tpu.memref_squeeze %dma_start3A_419 : memref<1x64xf32, #tpu.memory_space<hbm>> -> memref<64xf32, #tpu.memory_space<hbm>>
      %dma_start3A_421 = arith.constant 0 : i32
      %dma_start3A_422 = tpu.memref_slice %arg15[%add3A_398, %dma_start3A_421] : memref<256x64xf32, #tpu.memory_space<vmem>> -> memref<1x64xf32, #tpu.memory_space<vmem>>
      %dma_start3A_423 = tpu.memref_squeeze %dma_start3A_422 : memref<1x64xf32, #tpu.memory_space<vmem>> -> memref<64xf32, #tpu.memory_space<vmem>>
      %dma_start3A_424 = arith.constant 0 : i32
      %dma_start3A_425 = tpu.memref_slice %arg5[%squeeze3A_414, %dma_start3A_424] : memref<1000000x64xf32, #tpu.memory_space<hbm>> -> memref<1x64xf32, #tpu.memory_space<hbm>>
      %dma_start3A_426 = tpu.memref_squeeze %dma_start3A_425 : memref<1x64xf32, #tpu.memory_space<hbm>> -> memref<64xf32, #tpu.memory_space<hbm>>
      tpu.enqueue_dma source(%dma_start3A_426 : memref<64xf32, #tpu.memory_space<hbm>>) target(%dma_start3A_423 : memref<64xf32, #tpu.memory_space<vmem>>) target_semaphore(%arg18 : memref<!tpu.dma_semaphore, #tpu.memory_space<semaphore_mem>>)
      %slice3A_427 = vector.extract_strided_slice %get3A_75 {offsets = [7], sizes = [1], strides = [1]} : vector<16xi32> to vector<1xi32>
      %squeeze3A_428 = vector.extract %slice3A_427[0] : i32 from vector<1xi32>
      %dma_start3A_429 = arith.constant 0 : i32
      %dma_start3A_430 = tpu.memref_slice %arg14[%add3A_398, %dma_start3A_429] : memref<256x64xf32, #tpu.memory_space<vmem>> -> memref<1x64xf32, #tpu.memory_space<vmem>>
      %dma_start3A_431 = tpu.memref_squeeze %dma_start3A_430 : memref<1x64xf32, #tpu.memory_space<vmem>> -> memref<64xf32, #tpu.memory_space<vmem>>
      %dma_start3A_432 = arith.constant 0 : i32
      %dma_start3A_433 = tpu.memref_slice %arg6[%squeeze3A_428, %dma_start3A_432] : memref<1000x64xf32, #tpu.memory_space<hbm>> -> memref<1x64xf32, #tpu.memory_space<hbm>>
      %dma_start3A_434 = tpu.memref_squeeze %dma_start3A_433 : memref<1x64xf32, #tpu.memory_space<hbm>> -> memref<64xf32, #tpu.memory_space<hbm>>
      %dma_start3A_435 = arith.constant 0 : i32
      %dma_start3A_436 = tpu.memref_slice %arg14[%add3A_398, %dma_start3A_435] : memref<256x64xf32, #tpu.memory_space<vmem>> -> memref<1x64xf32, #tpu.memory_space<vmem>>
      %dma_start3A_437 = tpu.memref_squeeze %dma_start3A_436 : memref<1x64xf32, #tpu.memory_space<vmem>> -> memref<64xf32, #tpu.memory_space<vmem>>
      %dma_start3A_438 = arith.constant 0 : i32
      %dma_start3A_439 = tpu.memref_slice %arg6[%squeeze3A_428, %dma_start3A_438] : memref<1000x64xf32, #tpu.memory_space<hbm>> -> memref<1x64xf32, #tpu.memory_space<hbm>>
      %dma_start3A_440 = tpu.memref_squeeze %dma_start3A_439 : memref<1x64xf32, #tpu.memory_space<hbm>> -> memref<64xf32, #tpu.memory_space<hbm>>
      tpu.enqueue_dma source(%dma_start3A_440 : memref<64xf32, #tpu.memory_space<hbm>>) target(%dma_start3A_437 : memref<64xf32, #tpu.memory_space<vmem>>) target_semaphore(%arg17 : memref<!tpu.dma_semaphore, #tpu.memory_space<semaphore_mem>>)
      %mul3A_441 = arith.constant 16 : i32
      %mul3A_442 = arith.muli %add3A_63, %mul3A_441 : i32
      %add3A_443 = arith.constant 8 : i32
      %add3A_444 = arith.addi %mul3A_442, %add3A_443 : i32
      %slice3A_445 = vector.extract_strided_slice %get3A_69 {offsets = [8], sizes = [1], strides = [1]} : vector<16xi32> to vector<1xi32>
      %squeeze3A_446 = vector.extract %slice3A_445[0] : i32 from vector<1xi32>
      %dma_start3A_447 = arith.constant 0 : i32
      %dma_start3A_448 = tpu.memref_slice %arg13[%add3A_444, %dma_start3A_447] : memref<256x64xf32, #tpu.memory_space<vmem>> -> memref<1x64xf32, #tpu.memory_space<vmem>>
      %dma_start3A_449 = tpu.memref_squeeze %dma_start3A_448 : memref<1x64xf32, #tpu.memory_space<vmem>> -> memref<64xf32, #tpu.memory_space<vmem>>
      %dma_start3A_450 = arith.constant 0 : i32
      %dma_start3A_451 = tpu.memref_slice %arg5[%squeeze3A_446, %dma_start3A_450] : memref<1000000x64xf32, #tpu.memory_space<hbm>> -> memref<1x64xf32, #tpu.memory_space<hbm>>
      %dma_start3A_452 = tpu.memref_squeeze %dma_start3A_451 : memref<1x64xf32, #tpu.memory_space<hbm>> -> memref<64xf32, #tpu.memory_space<hbm>>
      %dma_start3A_453 = arith.constant 0 : i32
      %dma_start3A_454 = tpu.memref_slice %arg13[%add3A_444, %dma_start3A_453] : memref<256x64xf32, #tpu.memory_space<vmem>> -> memref<1x64xf32, #tpu.memory_space<vmem>>
      %dma_start3A_455 = tpu.memref_squeeze %dma_start3A_454 : memref<1x64xf32, #tpu.memory_space<vmem>> -> memref<64xf32, #tpu.memory_space<vmem>>
      %dma_start3A_456 = arith.constant 0 : i32
      %dma_start3A_457 = tpu.memref_slice %arg5[%squeeze3A_446, %dma_start3A_456] : memref<1000000x64xf32, #tpu.memory_space<hbm>> -> memref<1x64xf32, #tpu.memory_space<hbm>>
      %dma_start3A_458 = tpu.memref_squeeze %dma_start3A_457 : memref<1x64xf32, #tpu.memory_space<hbm>> -> memref<64xf32, #tpu.memory_space<hbm>>
      tpu.enqueue_dma source(%dma_start3A_458 : memref<64xf32, #tpu.memory_space<hbm>>) target(%dma_start3A_455 : memref<64xf32, #tpu.memory_space<vmem>>) target_semaphore(%arg16 : memref<!tpu.dma_semaphore, #tpu.memory_space<semaphore_mem>>)
      %slice3A_459 = vector.extract_strided_slice %get3A_72 {offsets = [8], sizes = [1], strides = [1]} : vector<16xi32> to vector<1xi32>
      %squeeze3A_460 = vector.extract %slice3A_459[0] : i32 from vector<1xi32>
      %dma_start3A_461 = arith.constant 0 : i32
      %dma_start3A_462 = tpu.memref_slice %arg15[%add3A_444, %dma_start3A_461] : memref<256x64xf32, #tpu.memory_space<vmem>> -> memref<1x64xf32, #tpu.memory_space<vmem>>
      %dma_start3A_463 = tpu.memref_squeeze %dma_start3A_462 : memref<1x64xf32, #tpu.memory_space<vmem>> -> memref<64xf32, #tpu.memory_space<vmem>>
      %dma_start3A_464 = arith.constant 0 : i32
      %dma_start3A_465 = tpu.memref_slice %arg5[%squeeze3A_460, %dma_start3A_464] : memref<1000000x64xf32, #tpu.memory_space<hbm>> -> memref<1x64xf32, #tpu.memory_space<hbm>>
      %dma_start3A_466 = tpu.memref_squeeze %dma_start3A_465 : memref<1x64xf32, #tpu.memory_space<hbm>> -> memref<64xf32, #tpu.memory_space<hbm>>
      %dma_start3A_467 = arith.constant 0 : i32
      %dma_start3A_468 = tpu.memref_slice %arg15[%add3A_444, %dma_start3A_467] : memref<256x64xf32, #tpu.memory_space<vmem>> -> memref<1x64xf32, #tpu.memory_space<vmem>>
      %dma_start3A_469 = tpu.memref_squeeze %dma_start3A_468 : memref<1x64xf32, #tpu.memory_space<vmem>> -> memref<64xf32, #tpu.memory_space<vmem>>
      %dma_start3A_470 = arith.constant 0 : i32
      %dma_start3A_471 = tpu.memref_slice %arg5[%squeeze3A_460, %dma_start3A_470] : memref<1000000x64xf32, #tpu.memory_space<hbm>> -> memref<1x64xf32, #tpu.memory_space<hbm>>
      %dma_start3A_472 = tpu.memref_squeeze %dma_start3A_471 : memref<1x64xf32, #tpu.memory_space<hbm>> -> memref<64xf32, #tpu.memory_space<hbm>>
      tpu.enqueue_dma source(%dma_start3A_472 : memref<64xf32, #tpu.memory_space<hbm>>) target(%dma_start3A_469 : memref<64xf32, #tpu.memory_space<vmem>>) target_semaphore(%arg18 : memref<!tpu.dma_semaphore, #tpu.memory_space<semaphore_mem>>)
      %slice3A_473 = vector.extract_strided_slice %get3A_75 {offsets = [8], sizes = [1], strides = [1]} : vector<16xi32> to vector<1xi32>
      %squeeze3A_474 = vector.extract %slice3A_473[0] : i32 from vector<1xi32>
      %dma_start3A_475 = arith.constant 0 : i32
      %dma_start3A_476 = tpu.memref_slice %arg14[%add3A_444, %dma_start3A_475] : memref<256x64xf32, #tpu.memory_space<vmem>> -> memref<1x64xf32, #tpu.memory_space<vmem>>
      %dma_start3A_477 = tpu.memref_squeeze %dma_start3A_476 : memref<1x64xf32, #tpu.memory_space<vmem>> -> memref<64xf32, #tpu.memory_space<vmem>>
      %dma_start3A_478 = arith.constant 0 : i32
      %dma_start3A_479 = tpu.memref_slice %arg6[%squeeze3A_474, %dma_start3A_478] : memref<1000x64xf32, #tpu.memory_space<hbm>> -> memref<1x64xf32, #tpu.memory_space<hbm>>
      %dma_start3A_480 = tpu.memref_squeeze %dma_start3A_479 : memref<1x64xf32, #tpu.memory_space<hbm>> -> memref<64xf32, #tpu.memory_space<hbm>>
      %dma_start3A_481 = arith.constant 0 : i32
      %dma_start3A_482 = tpu.memref_slice %arg14[%add3A_444, %dma_start3A_481] : memref<256x64xf32, #tpu.memory_space<vmem>> -> memref<1x64xf32, #tpu.memory_space<vmem>>
      %dma_start3A_483 = tpu.memref_squeeze %dma_start3A_482 : memref<1x64xf32, #tpu.memory_space<vmem>> -> memref<64xf32, #tpu.memory_space<vmem>>
      %dma_start3A_484 = arith.constant 0 : i32
      %dma_start3A_485 = tpu.memref_slice %arg6[%squeeze3A_474, %dma_start3A_484] : memref<1000x64xf32, #tpu.memory_space<hbm>> -> memref<1x64xf32, #tpu.memory_space<hbm>>
      %dma_start3A_486 = tpu.memref_squeeze %dma_start3A_485 : memref<1x64xf32, #tpu.memory_space<hbm>> -> memref<64xf32, #tpu.memory_space<hbm>>
      tpu.enqueue_dma source(%dma_start3A_486 : memref<64xf32, #tpu.memory_space<hbm>>) target(%dma_start3A_483 : memref<64xf32, #tpu.memory_space<vmem>>) target_semaphore(%arg17 : memref<!tpu.dma_semaphore, #tpu.memory_space<semaphore_mem>>)
      %mul3A_487 = arith.constant 16 : i32
      %mul3A_488 = arith.muli %add3A_63, %mul3A_487 : i32
      %add3A_489 = arith.constant 9 : i32
      %add3A_490 = arith.addi %mul3A_488, %add3A_489 : i32
      %slice3A_491 = vector.extract_strided_slice %get3A_69 {offsets = [9], sizes = [1], strides = [1]} : vector<16xi32> to vector<1xi32>
      %squeeze3A_492 = vector.extract %slice3A_491[0] : i32 from vector<1xi32>
      %dma_start3A_493 = arith.constant 0 : i32
      %dma_start3A_494 = tpu.memref_slice %arg13[%add3A_490, %dma_start3A_493] : memref<256x64xf32, #tpu.memory_space<vmem>> -> memref<1x64xf32, #tpu.memory_space<vmem>>
      %dma_start3A_495 = tpu.memref_squeeze %dma_start3A_494 : memref<1x64xf32, #tpu.memory_space<vmem>> -> memref<64xf32, #tpu.memory_space<vmem>>
      %dma_start3A_496 = arith.constant 0 : i32
      %dma_start3A_497 = tpu.memref_slice %arg5[%squeeze3A_492, %dma_start3A_496] : memref<1000000x64xf32, #tpu.memory_space<hbm>> -> memref<1x64xf32, #tpu.memory_space<hbm>>
      %dma_start3A_498 = tpu.memref_squeeze %dma_start3A_497 : memref<1x64xf32, #tpu.memory_space<hbm>> -> memref<64xf32, #tpu.memory_space<hbm>>
      %dma_start3A_499 = arith.constant 0 : i32
      %dma_start3A_500 = tpu.memref_slice %arg13[%add3A_490, %dma_start3A_499] : memref<256x64xf32, #tpu.memory_space<vmem>> -> memref<1x64xf32, #tpu.memory_space<vmem>>
      %dma_start3A_501 = tpu.memref_squeeze %dma_start3A_500 : memref<1x64xf32, #tpu.memory_space<vmem>> -> memref<64xf32, #tpu.memory_space<vmem>>
      %dma_start3A_502 = arith.constant 0 : i32
      %dma_start3A_503 = tpu.memref_slice %arg5[%squeeze3A_492, %dma_start3A_502] : memref<1000000x64xf32, #tpu.memory_space<hbm>> -> memref<1x64xf32, #tpu.memory_space<hbm>>
      %dma_start3A_504 = tpu.memref_squeeze %dma_start3A_503 : memref<1x64xf32, #tpu.memory_space<hbm>> -> memref<64xf32, #tpu.memory_space<hbm>>
      tpu.enqueue_dma source(%dma_start3A_504 : memref<64xf32, #tpu.memory_space<hbm>>) target(%dma_start3A_501 : memref<64xf32, #tpu.memory_space<vmem>>) target_semaphore(%arg16 : memref<!tpu.dma_semaphore, #tpu.memory_space<semaphore_mem>>)
      %slice3A_505 = vector.extract_strided_slice %get3A_72 {offsets = [9], sizes = [1], strides = [1]} : vector<16xi32> to vector<1xi32>
      %squeeze3A_506 = vector.extract %slice3A_505[0] : i32 from vector<1xi32>
      %dma_start3A_507 = arith.constant 0 : i32
      %dma_start3A_508 = tpu.memref_slice %arg15[%add3A_490, %dma_start3A_507] : memref<256x64xf32, #tpu.memory_space<vmem>> -> memref<1x64xf32, #tpu.memory_space<vmem>>
      %dma_start3A_509 = tpu.memref_squeeze %dma_start3A_508 : memref<1x64xf32, #tpu.memory_space<vmem>> -> memref<64xf32, #tpu.memory_space<vmem>>
      %dma_start3A_510 = arith.constant 0 : i32
      %dma_start3A_511 = tpu.memref_slice %arg5[%squeeze3A_506, %dma_start3A_510] : memref<1000000x64xf32, #tpu.memory_space<hbm>> -> memref<1x64xf32, #tpu.memory_space<hbm>>
      %dma_start3A_512 = tpu.memref_squeeze %dma_start3A_511 : memref<1x64xf32, #tpu.memory_space<hbm>> -> memref<64xf32, #tpu.memory_space<hbm>>
      %dma_start3A_513 = arith.constant 0 : i32
      %dma_start3A_514 = tpu.memref_slice %arg15[%add3A_490, %dma_start3A_513] : memref<256x64xf32, #tpu.memory_space<vmem>> -> memref<1x64xf32, #tpu.memory_space<vmem>>
      %dma_start3A_515 = tpu.memref_squeeze %dma_start3A_514 : memref<1x64xf32, #tpu.memory_space<vmem>> -> memref<64xf32, #tpu.memory_space<vmem>>
      %dma_start3A_516 = arith.constant 0 : i32
      %dma_start3A_517 = tpu.memref_slice %arg5[%squeeze3A_506, %dma_start3A_516] : memref<1000000x64xf32, #tpu.memory_space<hbm>> -> memref<1x64xf32, #tpu.memory_space<hbm>>
      %dma_start3A_518 = tpu.memref_squeeze %dma_start3A_517 : memref<1x64xf32, #tpu.memory_space<hbm>> -> memref<64xf32, #tpu.memory_space<hbm>>
      tpu.enqueue_dma source(%dma_start3A_518 : memref<64xf32, #tpu.memory_space<hbm>>) target(%dma_start3A_515 : memref<64xf32, #tpu.memory_space<vmem>>) target_semaphore(%arg18 : memref<!tpu.dma_semaphore, #tpu.memory_space<semaphore_mem>>)
      %slice3A_519 = vector.extract_strided_slice %get3A_75 {offsets = [9], sizes = [1], strides = [1]} : vector<16xi32> to vector<1xi32>
      %squeeze3A_520 = vector.extract %slice3A_519[0] : i32 from vector<1xi32>
      %dma_start3A_521 = arith.constant 0 : i32
      %dma_start3A_522 = tpu.memref_slice %arg14[%add3A_490, %dma_start3A_521] : memref<256x64xf32, #tpu.memory_space<vmem>> -> memref<1x64xf32, #tpu.memory_space<vmem>>
      %dma_start3A_523 = tpu.memref_squeeze %dma_start3A_522 : memref<1x64xf32, #tpu.memory_space<vmem>> -> memref<64xf32, #tpu.memory_space<vmem>>
      %dma_start3A_524 = arith.constant 0 : i32
      %dma_start3A_525 = tpu.memref_slice %arg6[%squeeze3A_520, %dma_start3A_524] : memref<1000x64xf32, #tpu.memory_space<hbm>> -> memref<1x64xf32, #tpu.memory_space<hbm>>
      %dma_start3A_526 = tpu.memref_squeeze %dma_start3A_525 : memref<1x64xf32, #tpu.memory_space<hbm>> -> memref<64xf32, #tpu.memory_space<hbm>>
      %dma_start3A_527 = arith.constant 0 : i32
      %dma_start3A_528 = tpu.memref_slice %arg14[%add3A_490, %dma_start3A_527] : memref<256x64xf32, #tpu.memory_space<vmem>> -> memref<1x64xf32, #tpu.memory_space<vmem>>
      %dma_start3A_529 = tpu.memref_squeeze %dma_start3A_528 : memref<1x64xf32, #tpu.memory_space<vmem>> -> memref<64xf32, #tpu.memory_space<vmem>>
      %dma_start3A_530 = arith.constant 0 : i32
      %dma_start3A_531 = tpu.memref_slice %arg6[%squeeze3A_520, %dma_start3A_530] : memref<1000x64xf32, #tpu.memory_space<hbm>> -> memref<1x64xf32, #tpu.memory_space<hbm>>
      %dma_start3A_532 = tpu.memref_squeeze %dma_start3A_531 : memref<1x64xf32, #tpu.memory_space<hbm>> -> memref<64xf32, #tpu.memory_space<hbm>>
      tpu.enqueue_dma source(%dma_start3A_532 : memref<64xf32, #tpu.memory_space<hbm>>) target(%dma_start3A_529 : memref<64xf32, #tpu.memory_space<vmem>>) target_semaphore(%arg17 : memref<!tpu.dma_semaphore, #tpu.memory_space<semaphore_mem>>)
      %mul3A_533 = arith.constant 16 : i32
      %mul3A_534 = arith.muli %add3A_63, %mul3A_533 : i32
      %add3A_535 = arith.constant 10 : i32
      %add3A_536 = arith.addi %mul3A_534, %add3A_535 : i32
      %slice3A_537 = vector.extract_strided_slice %get3A_69 {offsets = [10], sizes = [1], strides = [1]} : vector<16xi32> to vector<1xi32>
      %squeeze3A_538 = vector.extract %slice3A_537[0] : i32 from vector<1xi32>
      %dma_start3A_539 = arith.constant 0 : i32
      %dma_start3A_540 = tpu.memref_slice %arg13[%add3A_536, %dma_start3A_539] : memref<256x64xf32, #tpu.memory_space<vmem>> -> memref<1x64xf32, #tpu.memory_space<vmem>>
      %dma_start3A_541 = tpu.memref_squeeze %dma_start3A_540 : memref<1x64xf32, #tpu.memory_space<vmem>> -> memref<64xf32, #tpu.memory_space<vmem>>
      %dma_start3A_542 = arith.constant 0 : i32
      %dma_start3A_543 = tpu.memref_slice %arg5[%squeeze3A_538, %dma_start3A_542] : memref<1000000x64xf32, #tpu.memory_space<hbm>> -> memref<1x64xf32, #tpu.memory_space<hbm>>
      %dma_start3A_544 = tpu.memref_squeeze %dma_start3A_543 : memref<1x64xf32, #tpu.memory_space<hbm>> -> memref<64xf32, #tpu.memory_space<hbm>>
      %dma_start3A_545 = arith.constant 0 : i32
      %dma_start3A_546 = tpu.memref_slice %arg13[%add3A_536, %dma_start3A_545] : memref<256x64xf32, #tpu.memory_space<vmem>> -> memref<1x64xf32, #tpu.memory_space<vmem>>
      %dma_start3A_547 = tpu.memref_squeeze %dma_start3A_546 : memref<1x64xf32, #tpu.memory_space<vmem>> -> memref<64xf32, #tpu.memory_space<vmem>>
      %dma_start3A_548 = arith.constant 0 : i32
      %dma_start3A_549 = tpu.memref_slice %arg5[%squeeze3A_538, %dma_start3A_548] : memref<1000000x64xf32, #tpu.memory_space<hbm>> -> memref<1x64xf32, #tpu.memory_space<hbm>>
      %dma_start3A_550 = tpu.memref_squeeze %dma_start3A_549 : memref<1x64xf32, #tpu.memory_space<hbm>> -> memref<64xf32, #tpu.memory_space<hbm>>
      tpu.enqueue_dma source(%dma_start3A_550 : memref<64xf32, #tpu.memory_space<hbm>>) target(%dma_start3A_547 : memref<64xf32, #tpu.memory_space<vmem>>) target_semaphore(%arg16 : memref<!tpu.dma_semaphore, #tpu.memory_space<semaphore_mem>>)
      %slice3A_551 = vector.extract_strided_slice %get3A_72 {offsets = [10], sizes = [1], strides = [1]} : vector<16xi32> to vector<1xi32>
      %squeeze3A_552 = vector.extract %slice3A_551[0] : i32 from vector<1xi32>
      %dma_start3A_553 = arith.constant 0 : i32
      %dma_start3A_554 = tpu.memref_slice %arg15[%add3A_536, %dma_start3A_553] : memref<256x64xf32, #tpu.memory_space<vmem>> -> memref<1x64xf32, #tpu.memory_space<vmem>>
      %dma_start3A_555 = tpu.memref_squeeze %dma_start3A_554 : memref<1x64xf32, #tpu.memory_space<vmem>> -> memref<64xf32, #tpu.memory_space<vmem>>
      %dma_start3A_556 = arith.constant 0 : i32
      %dma_start3A_557 = tpu.memref_slice %arg5[%squeeze3A_552, %dma_start3A_556] : memref<1000000x64xf32, #tpu.memory_space<hbm>> -> memref<1x64xf32, #tpu.memory_space<hbm>>
      %dma_start3A_558 = tpu.memref_squeeze %dma_start3A_557 : memref<1x64xf32, #tpu.memory_space<hbm>> -> memref<64xf32, #tpu.memory_space<hbm>>
      %dma_start3A_559 = arith.constant 0 : i32
      %dma_start3A_560 = tpu.memref_slice %arg15[%add3A_536, %dma_start3A_559] : memref<256x64xf32, #tpu.memory_space<vmem>> -> memref<1x64xf32, #tpu.memory_space<vmem>>
      %dma_start3A_561 = tpu.memref_squeeze %dma_start3A_560 : memref<1x64xf32, #tpu.memory_space<vmem>> -> memref<64xf32, #tpu.memory_space<vmem>>
      %dma_start3A_562 = arith.constant 0 : i32
      %dma_start3A_563 = tpu.memref_slice %arg5[%squeeze3A_552, %dma_start3A_562] : memref<1000000x64xf32, #tpu.memory_space<hbm>> -> memref<1x64xf32, #tpu.memory_space<hbm>>
      %dma_start3A_564 = tpu.memref_squeeze %dma_start3A_563 : memref<1x64xf32, #tpu.memory_space<hbm>> -> memref<64xf32, #tpu.memory_space<hbm>>
      tpu.enqueue_dma source(%dma_start3A_564 : memref<64xf32, #tpu.memory_space<hbm>>) target(%dma_start3A_561 : memref<64xf32, #tpu.memory_space<vmem>>) target_semaphore(%arg18 : memref<!tpu.dma_semaphore, #tpu.memory_space<semaphore_mem>>)
      %slice3A_565 = vector.extract_strided_slice %get3A_75 {offsets = [10], sizes = [1], strides = [1]} : vector<16xi32> to vector<1xi32>
      %squeeze3A_566 = vector.extract %slice3A_565[0] : i32 from vector<1xi32>
      %dma_start3A_567 = arith.constant 0 : i32
      %dma_start3A_568 = tpu.memref_slice %arg14[%add3A_536, %dma_start3A_567] : memref<256x64xf32, #tpu.memory_space<vmem>> -> memref<1x64xf32, #tpu.memory_space<vmem>>
      %dma_start3A_569 = tpu.memref_squeeze %dma_start3A_568 : memref<1x64xf32, #tpu.memory_space<vmem>> -> memref<64xf32, #tpu.memory_space<vmem>>
      %dma_start3A_570 = arith.constant 0 : i32
      %dma_start3A_571 = tpu.memref_slice %arg6[%squeeze3A_566, %dma_start3A_570] : memref<1000x64xf32, #tpu.memory_space<hbm>> -> memref<1x64xf32, #tpu.memory_space<hbm>>
      %dma_start3A_572 = tpu.memref_squeeze %dma_start3A_571 : memref<1x64xf32, #tpu.memory_space<hbm>> -> memref<64xf32, #tpu.memory_space<hbm>>
      %dma_start3A_573 = arith.constant 0 : i32
      %dma_start3A_574 = tpu.memref_slice %arg14[%add3A_536, %dma_start3A_573] : memref<256x64xf32, #tpu.memory_space<vmem>> -> memref<1x64xf32, #tpu.memory_space<vmem>>
      %dma_start3A_575 = tpu.memref_squeeze %dma_start3A_574 : memref<1x64xf32, #tpu.memory_space<vmem>> -> memref<64xf32, #tpu.memory_space<vmem>>
      %dma_start3A_576 = arith.constant 0 : i32
      %dma_start3A_577 = tpu.memref_slice %arg6[%squeeze3A_566, %dma_start3A_576] : memref<1000x64xf32, #tpu.memory_space<hbm>> -> memref<1x64xf32, #tpu.memory_space<hbm>>
      %dma_start3A_578 = tpu.memref_squeeze %dma_start3A_577 : memref<1x64xf32, #tpu.memory_space<hbm>> -> memref<64xf32, #tpu.memory_space<hbm>>
      tpu.enqueue_dma source(%dma_start3A_578 : memref<64xf32, #tpu.memory_space<hbm>>) target(%dma_start3A_575 : memref<64xf32, #tpu.memory_space<vmem>>) target_semaphore(%arg17 : memref<!tpu.dma_semaphore, #tpu.memory_space<semaphore_mem>>)
      %mul3A_579 = arith.constant 16 : i32
      %mul3A_580 = arith.muli %add3A_63, %mul3A_579 : i32
      %add3A_581 = arith.constant 11 : i32
      %add3A_582 = arith.addi %mul3A_580, %add3A_581 : i32
      %slice3A_583 = vector.extract_strided_slice %get3A_69 {offsets = [11], sizes = [1], strides = [1]} : vector<16xi32> to vector<1xi32>
      %squeeze3A_584 = vector.extract %slice3A_583[0] : i32 from vector<1xi32>
      %dma_start3A_585 = arith.constant 0 : i32
      %dma_start3A_586 = tpu.memref_slice %arg13[%add3A_582, %dma_start3A_585] : memref<256x64xf32, #tpu.memory_space<vmem>> -> memref<1x64xf32, #tpu.memory_space<vmem>>
      %dma_start3A_587 = tpu.memref_squeeze %dma_start3A_586 : memref<1x64xf32, #tpu.memory_space<vmem>> -> memref<64xf32, #tpu.memory_space<vmem>>
      %dma_start3A_588 = arith.constant 0 : i32
      %dma_start3A_589 = tpu.memref_slice %arg5[%squeeze3A_584, %dma_start3A_588] : memref<1000000x64xf32, #tpu.memory_space<hbm>> -> memref<1x64xf32, #tpu.memory_space<hbm>>
      %dma_start3A_590 = tpu.memref_squeeze %dma_start3A_589 : memref<1x64xf32, #tpu.memory_space<hbm>> -> memref<64xf32, #tpu.memory_space<hbm>>
      %dma_start3A_591 = arith.constant 0 : i32
      %dma_start3A_592 = tpu.memref_slice %arg13[%add3A_582, %dma_start3A_591] : memref<256x64xf32, #tpu.memory_space<vmem>> -> memref<1x64xf32, #tpu.memory_space<vmem>>
      %dma_start3A_593 = tpu.memref_squeeze %dma_start3A_592 : memref<1x64xf32, #tpu.memory_space<vmem>> -> memref<64xf32, #tpu.memory_space<vmem>>
      %dma_start3A_594 = arith.constant 0 : i32
      %dma_start3A_595 = tpu.memref_slice %arg5[%squeeze3A_584, %dma_start3A_594] : memref<1000000x64xf32, #tpu.memory_space<hbm>> -> memref<1x64xf32, #tpu.memory_space<hbm>>
      %dma_start3A_596 = tpu.memref_squeeze %dma_start3A_595 : memref<1x64xf32, #tpu.memory_space<hbm>> -> memref<64xf32, #tpu.memory_space<hbm>>
      tpu.enqueue_dma source(%dma_start3A_596 : memref<64xf32, #tpu.memory_space<hbm>>) target(%dma_start3A_593 : memref<64xf32, #tpu.memory_space<vmem>>) target_semaphore(%arg16 : memref<!tpu.dma_semaphore, #tpu.memory_space<semaphore_mem>>)
      %slice3A_597 = vector.extract_strided_slice %get3A_72 {offsets = [11], sizes = [1], strides = [1]} : vector<16xi32> to vector<1xi32>
      %squeeze3A_598 = vector.extract %slice3A_597[0] : i32 from vector<1xi32>
      %dma_start3A_599 = arith.constant 0 : i32
      %dma_start3A_600 = tpu.memref_slice %arg15[%add3A_582, %dma_start3A_599] : memref<256x64xf32, #tpu.memory_space<vmem>> -> memref<1x64xf32, #tpu.memory_space<vmem>>
      %dma_start3A_601 = tpu.memref_squeeze %dma_start3A_600 : memref<1x64xf32, #tpu.memory_space<vmem>> -> memref<64xf32, #tpu.memory_space<vmem>>
      %dma_start3A_602 = arith.constant 0 : i32
      %dma_start3A_603 = tpu.memref_slice %arg5[%squeeze3A_598, %dma_start3A_602] : memref<1000000x64xf32, #tpu.memory_space<hbm>> -> memref<1x64xf32, #tpu.memory_space<hbm>>
      %dma_start3A_604 = tpu.memref_squeeze %dma_start3A_603 : memref<1x64xf32, #tpu.memory_space<hbm>> -> memref<64xf32, #tpu.memory_space<hbm>>
      %dma_start3A_605 = arith.constant 0 : i32
      %dma_start3A_606 = tpu.memref_slice %arg15[%add3A_582, %dma_start3A_605] : memref<256x64xf32, #tpu.memory_space<vmem>> -> memref<1x64xf32, #tpu.memory_space<vmem>>
      %dma_start3A_607 = tpu.memref_squeeze %dma_start3A_606 : memref<1x64xf32, #tpu.memory_space<vmem>> -> memref<64xf32, #tpu.memory_space<vmem>>
      %dma_start3A_608 = arith.constant 0 : i32
      %dma_start3A_609 = tpu.memref_slice %arg5[%squeeze3A_598, %dma_start3A_608] : memref<1000000x64xf32, #tpu.memory_space<hbm>> -> memref<1x64xf32, #tpu.memory_space<hbm>>
      %dma_start3A_610 = tpu.memref_squeeze %dma_start3A_609 : memref<1x64xf32, #tpu.memory_space<hbm>> -> memref<64xf32, #tpu.memory_space<hbm>>
      tpu.enqueue_dma source(%dma_start3A_610 : memref<64xf32, #tpu.memory_space<hbm>>) target(%dma_start3A_607 : memref<64xf32, #tpu.memory_space<vmem>>) target_semaphore(%arg18 : memref<!tpu.dma_semaphore, #tpu.memory_space<semaphore_mem>>)
      %slice3A_611 = vector.extract_strided_slice %get3A_75 {offsets = [11], sizes = [1], strides = [1]} : vector<16xi32> to vector<1xi32>
      %squeeze3A_612 = vector.extract %slice3A_611[0] : i32 from vector<1xi32>
      %dma_start3A_613 = arith.constant 0 : i32
      %dma_start3A_614 = tpu.memref_slice %arg14[%add3A_582, %dma_start3A_613] : memref<256x64xf32, #tpu.memory_space<vmem>> -> memref<1x64xf32, #tpu.memory_space<vmem>>
      %dma_start3A_615 = tpu.memref_squeeze %dma_start3A_614 : memref<1x64xf32, #tpu.memory_space<vmem>> -> memref<64xf32, #tpu.memory_space<vmem>>
      %dma_start3A_616 = arith.constant 0 : i32
      %dma_start3A_617 = tpu.memref_slice %arg6[%squeeze3A_612, %dma_start3A_616] : memref<1000x64xf32, #tpu.memory_space<hbm>> -> memref<1x64xf32, #tpu.memory_space<hbm>>
      %dma_start3A_618 = tpu.memref_squeeze %dma_start3A_617 : memref<1x64xf32, #tpu.memory_space<hbm>> -> memref<64xf32, #tpu.memory_space<hbm>>
      %dma_start3A_619 = arith.constant 0 : i32
      %dma_start3A_620 = tpu.memref_slice %arg14[%add3A_582, %dma_start3A_619] : memref<256x64xf32, #tpu.memory_space<vmem>> -> memref<1x64xf32, #tpu.memory_space<vmem>>
      %dma_start3A_621 = tpu.memref_squeeze %dma_start3A_620 : memref<1x64xf32, #tpu.memory_space<vmem>> -> memref<64xf32, #tpu.memory_space<vmem>>
      %dma_start3A_622 = arith.constant 0 : i32
      %dma_start3A_623 = tpu.memref_slice %arg6[%squeeze3A_612, %dma_start3A_622] : memref<1000x64xf32, #tpu.memory_space<hbm>> -> memref<1x64xf32, #tpu.memory_space<hbm>>
      %dma_start3A_624 = tpu.memref_squeeze %dma_start3A_623 : memref<1x64xf32, #tpu.memory_space<hbm>> -> memref<64xf32, #tpu.memory_space<hbm>>
      tpu.enqueue_dma source(%dma_start3A_624 : memref<64xf32, #tpu.memory_space<hbm>>) target(%dma_start3A_621 : memref<64xf32, #tpu.memory_space<vmem>>) target_semaphore(%arg17 : memref<!tpu.dma_semaphore, #tpu.memory_space<semaphore_mem>>)
      %mul3A_625 = arith.constant 16 : i32
      %mul3A_626 = arith.muli %add3A_63, %mul3A_625 : i32
      %add3A_627 = arith.constant 12 : i32
      %add3A_628 = arith.addi %mul3A_626, %add3A_627 : i32
      %slice3A_629 = vector.extract_strided_slice %get3A_69 {offsets = [12], sizes = [1], strides = [1]} : vector<16xi32> to vector<1xi32>
      %squeeze3A_630 = vector.extract %slice3A_629[0] : i32 from vector<1xi32>
      %dma_start3A_631 = arith.constant 0 : i32
      %dma_start3A_632 = tpu.memref_slice %arg13[%add3A_628, %dma_start3A_631] : memref<256x64xf32, #tpu.memory_space<vmem>> -> memref<1x64xf32, #tpu.memory_space<vmem>>
      %dma_start3A_633 = tpu.memref_squeeze %dma_start3A_632 : memref<1x64xf32, #tpu.memory_space<vmem>> -> memref<64xf32, #tpu.memory_space<vmem>>
      %dma_start3A_634 = arith.constant 0 : i32
      %dma_start3A_635 = tpu.memref_slice %arg5[%squeeze3A_630, %dma_start3A_634] : memref<1000000x64xf32, #tpu.memory_space<hbm>> -> memref<1x64xf32, #tpu.memory_space<hbm>>
      %dma_start3A_636 = tpu.memref_squeeze %dma_start3A_635 : memref<1x64xf32, #tpu.memory_space<hbm>> -> memref<64xf32, #tpu.memory_space<hbm>>
      %dma_start3A_637 = arith.constant 0 : i32
      %dma_start3A_638 = tpu.memref_slice %arg13[%add3A_628, %dma_start3A_637] : memref<256x64xf32, #tpu.memory_space<vmem>> -> memref<1x64xf32, #tpu.memory_space<vmem>>
      %dma_start3A_639 = tpu.memref_squeeze %dma_start3A_638 : memref<1x64xf32, #tpu.memory_space<vmem>> -> memref<64xf32, #tpu.memory_space<vmem>>
      %dma_start3A_640 = arith.constant 0 : i32
      %dma_start3A_641 = tpu.memref_slice %arg5[%squeeze3A_630, %dma_start3A_640] : memref<1000000x64xf32, #tpu.memory_space<hbm>> -> memref<1x64xf32, #tpu.memory_space<hbm>>
      %dma_start3A_642 = tpu.memref_squeeze %dma_start3A_641 : memref<1x64xf32, #tpu.memory_space<hbm>> -> memref<64xf32, #tpu.memory_space<hbm>>
      tpu.enqueue_dma source(%dma_start3A_642 : memref<64xf32, #tpu.memory_space<hbm>>) target(%dma_start3A_639 : memref<64xf32, #tpu.memory_space<vmem>>) target_semaphore(%arg16 : memref<!tpu.dma_semaphore, #tpu.memory_space<semaphore_mem>>)
      %slice3A_643 = vector.extract_strided_slice %get3A_72 {offsets = [12], sizes = [1], strides = [1]} : vector<16xi32> to vector<1xi32>
      %squeeze3A_644 = vector.extract %slice3A_643[0] : i32 from vector<1xi32>
      %dma_start3A_645 = arith.constant 0 : i32
      %dma_start3A_646 = tpu.memref_slice %arg15[%add3A_628, %dma_start3A_645] : memref<256x64xf32, #tpu.memory_space<vmem>> -> memref<1x64xf32, #tpu.memory_space<vmem>>
      %dma_start3A_647 = tpu.memref_squeeze %dma_start3A_646 : memref<1x64xf32, #tpu.memory_space<vmem>> -> memref<64xf32, #tpu.memory_space<vmem>>
      %dma_start3A_648 = arith.constant 0 : i32
      %dma_start3A_649 = tpu.memref_slice %arg5[%squeeze3A_644, %dma_start3A_648] : memref<1000000x64xf32, #tpu.memory_space<hbm>> -> memref<1x64xf32, #tpu.memory_space<hbm>>
      %dma_start3A_650 = tpu.memref_squeeze %dma_start3A_649 : memref<1x64xf32, #tpu.memory_space<hbm>> -> memref<64xf32, #tpu.memory_space<hbm>>
      %dma_start3A_651 = arith.constant 0 : i32
      %dma_start3A_652 = tpu.memref_slice %arg15[%add3A_628, %dma_start3A_651] : memref<256x64xf32, #tpu.memory_space<vmem>> -> memref<1x64xf32, #tpu.memory_space<vmem>>
      %dma_start3A_653 = tpu.memref_squeeze %dma_start3A_652 : memref<1x64xf32, #tpu.memory_space<vmem>> -> memref<64xf32, #tpu.memory_space<vmem>>
      %dma_start3A_654 = arith.constant 0 : i32
      %dma_start3A_655 = tpu.memref_slice %arg5[%squeeze3A_644, %dma_start3A_654] : memref<1000000x64xf32, #tpu.memory_space<hbm>> -> memref<1x64xf32, #tpu.memory_space<hbm>>
      %dma_start3A_656 = tpu.memref_squeeze %dma_start3A_655 : memref<1x64xf32, #tpu.memory_space<hbm>> -> memref<64xf32, #tpu.memory_space<hbm>>
      tpu.enqueue_dma source(%dma_start3A_656 : memref<64xf32, #tpu.memory_space<hbm>>) target(%dma_start3A_653 : memref<64xf32, #tpu.memory_space<vmem>>) target_semaphore(%arg18 : memref<!tpu.dma_semaphore, #tpu.memory_space<semaphore_mem>>)
      %slice3A_657 = vector.extract_strided_slice %get3A_75 {offsets = [12], sizes = [1], strides = [1]} : vector<16xi32> to vector<1xi32>
      %squeeze3A_658 = vector.extract %slice3A_657[0] : i32 from vector<1xi32>
      %dma_start3A_659 = arith.constant 0 : i32
      %dma_start3A_660 = tpu.memref_slice %arg14[%add3A_628, %dma_start3A_659] : memref<256x64xf32, #tpu.memory_space<vmem>> -> memref<1x64xf32, #tpu.memory_space<vmem>>
      %dma_start3A_661 = tpu.memref_squeeze %dma_start3A_660 : memref<1x64xf32, #tpu.memory_space<vmem>> -> memref<64xf32, #tpu.memory_space<vmem>>
      %dma_start3A_662 = arith.constant 0 : i32
      %dma_start3A_663 = tpu.memref_slice %arg6[%squeeze3A_658, %dma_start3A_662] : memref<1000x64xf32, #tpu.memory_space<hbm>> -> memref<1x64xf32, #tpu.memory_space<hbm>>
      %dma_start3A_664 = tpu.memref_squeeze %dma_start3A_663 : memref<1x64xf32, #tpu.memory_space<hbm>> -> memref<64xf32, #tpu.memory_space<hbm>>
      %dma_start3A_665 = arith.constant 0 : i32
      %dma_start3A_666 = tpu.memref_slice %arg14[%add3A_628, %dma_start3A_665] : memref<256x64xf32, #tpu.memory_space<vmem>> -> memref<1x64xf32, #tpu.memory_space<vmem>>
      %dma_start3A_667 = tpu.memref_squeeze %dma_start3A_666 : memref<1x64xf32, #tpu.memory_space<vmem>> -> memref<64xf32, #tpu.memory_space<vmem>>
      %dma_start3A_668 = arith.constant 0 : i32
      %dma_start3A_669 = tpu.memref_slice %arg6[%squeeze3A_658, %dma_start3A_668] : memref<1000x64xf32, #tpu.memory_space<hbm>> -> memref<1x64xf32, #tpu.memory_space<hbm>>
      %dma_start3A_670 = tpu.memref_squeeze %dma_start3A_669 : memref<1x64xf32, #tpu.memory_space<hbm>> -> memref<64xf32, #tpu.memory_space<hbm>>
      tpu.enqueue_dma source(%dma_start3A_670 : memref<64xf32, #tpu.memory_space<hbm>>) target(%dma_start3A_667 : memref<64xf32, #tpu.memory_space<vmem>>) target_semaphore(%arg17 : memref<!tpu.dma_semaphore, #tpu.memory_space<semaphore_mem>>)
      %mul3A_671 = arith.constant 16 : i32
      %mul3A_672 = arith.muli %add3A_63, %mul3A_671 : i32
      %add3A_673 = arith.constant 13 : i32
      %add3A_674 = arith.addi %mul3A_672, %add3A_673 : i32
      %slice3A_675 = vector.extract_strided_slice %get3A_69 {offsets = [13], sizes = [1], strides = [1]} : vector<16xi32> to vector<1xi32>
      %squeeze3A_676 = vector.extract %slice3A_675[0] : i32 from vector<1xi32>
      %dma_start3A_677 = arith.constant 0 : i32
      %dma_start3A_678 = tpu.memref_slice %arg13[%add3A_674, %dma_start3A_677] : memref<256x64xf32, #tpu.memory_space<vmem>> -> memref<1x64xf32, #tpu.memory_space<vmem>>
      %dma_start3A_679 = tpu.memref_squeeze %dma_start3A_678 : memref<1x64xf32, #tpu.memory_space<vmem>> -> memref<64xf32, #tpu.memory_space<vmem>>
      %dma_start3A_680 = arith.constant 0 : i32
      %dma_start3A_681 = tpu.memref_slice %arg5[%squeeze3A_676, %dma_start3A_680] : memref<1000000x64xf32, #tpu.memory_space<hbm>> -> memref<1x64xf32, #tpu.memory_space<hbm>>
      %dma_start3A_682 = tpu.memref_squeeze %dma_start3A_681 : memref<1x64xf32, #tpu.memory_space<hbm>> -> memref<64xf32, #tpu.memory_space<hbm>>
      %dma_start3A_683 = arith.constant 0 : i32
      %dma_start3A_684 = tpu.memref_slice %arg13[%add3A_674, %dma_start3A_683] : memref<256x64xf32, #tpu.memory_space<vmem>> -> memref<1x64xf32, #tpu.memory_space<vmem>>
      %dma_start3A_685 = tpu.memref_squeeze %dma_start3A_684 : memref<1x64xf32, #tpu.memory_space<vmem>> -> memref<64xf32, #tpu.memory_space<vmem>>
      %dma_start3A_686 = arith.constant 0 : i32
      %dma_start3A_687 = tpu.memref_slice %arg5[%squeeze3A_676, %dma_start3A_686] : memref<1000000x64xf32, #tpu.memory_space<hbm>> -> memref<1x64xf32, #tpu.memory_space<hbm>>
      %dma_start3A_688 = tpu.memref_squeeze %dma_start3A_687 : memref<1x64xf32, #tpu.memory_space<hbm>> -> memref<64xf32, #tpu.memory_space<hbm>>
      tpu.enqueue_dma source(%dma_start3A_688 : memref<64xf32, #tpu.memory_space<hbm>>) target(%dma_start3A_685 : memref<64xf32, #tpu.memory_space<vmem>>) target_semaphore(%arg16 : memref<!tpu.dma_semaphore, #tpu.memory_space<semaphore_mem>>)
      %slice3A_689 = vector.extract_strided_slice %get3A_72 {offsets = [13], sizes = [1], strides = [1]} : vector<16xi32> to vector<1xi32>
      %squeeze3A_690 = vector.extract %slice3A_689[0] : i32 from vector<1xi32>
      %dma_start3A_691 = arith.constant 0 : i32
      %dma_start3A_692 = tpu.memref_slice %arg15[%add3A_674, %dma_start3A_691] : memref<256x64xf32, #tpu.memory_space<vmem>> -> memref<1x64xf32, #tpu.memory_space<vmem>>
      %dma_start3A_693 = tpu.memref_squeeze %dma_start3A_692 : memref<1x64xf32, #tpu.memory_space<vmem>> -> memref<64xf32, #tpu.memory_space<vmem>>
      %dma_start3A_694 = arith.constant 0 : i32
      %dma_start3A_695 = tpu.memref_slice %arg5[%squeeze3A_690, %dma_start3A_694] : memref<1000000x64xf32, #tpu.memory_space<hbm>> -> memref<1x64xf32, #tpu.memory_space<hbm>>
      %dma_start3A_696 = tpu.memref_squeeze %dma_start3A_695 : memref<1x64xf32, #tpu.memory_space<hbm>> -> memref<64xf32, #tpu.memory_space<hbm>>
      %dma_start3A_697 = arith.constant 0 : i32
      %dma_start3A_698 = tpu.memref_slice %arg15[%add3A_674, %dma_start3A_697] : memref<256x64xf32, #tpu.memory_space<vmem>> -> memref<1x64xf32, #tpu.memory_space<vmem>>
      %dma_start3A_699 = tpu.memref_squeeze %dma_start3A_698 : memref<1x64xf32, #tpu.memory_space<vmem>> -> memref<64xf32, #tpu.memory_space<vmem>>
      %dma_start3A_700 = arith.constant 0 : i32
      %dma_start3A_701 = tpu.memref_slice %arg5[%squeeze3A_690, %dma_start3A_700] : memref<1000000x64xf32, #tpu.memory_space<hbm>> -> memref<1x64xf32, #tpu.memory_space<hbm>>
      %dma_start3A_702 = tpu.memref_squeeze %dma_start3A_701 : memref<1x64xf32, #tpu.memory_space<hbm>> -> memref<64xf32, #tpu.memory_space<hbm>>
      tpu.enqueue_dma source(%dma_start3A_702 : memref<64xf32, #tpu.memory_space<hbm>>) target(%dma_start3A_699 : memref<64xf32, #tpu.memory_space<vmem>>) target_semaphore(%arg18 : memref<!tpu.dma_semaphore, #tpu.memory_space<semaphore_mem>>)
      %slice3A_703 = vector.extract_strided_slice %get3A_75 {offsets = [13], sizes = [1], strides = [1]} : vector<16xi32> to vector<1xi32>
      %squeeze3A_704 = vector.extract %slice3A_703[0] : i32 from vector<1xi32>
      %dma_start3A_705 = arith.constant 0 : i32
      %dma_start3A_706 = tpu.memref_slice %arg14[%add3A_674, %dma_start3A_705] : memref<256x64xf32, #tpu.memory_space<vmem>> -> memref<1x64xf32, #tpu.memory_space<vmem>>
      %dma_start3A_707 = tpu.memref_squeeze %dma_start3A_706 : memref<1x64xf32, #tpu.memory_space<vmem>> -> memref<64xf32, #tpu.memory_space<vmem>>
      %dma_start3A_708 = arith.constant 0 : i32
      %dma_start3A_709 = tpu.memref_slice %arg6[%squeeze3A_704, %dma_start3A_708] : memref<1000x64xf32, #tpu.memory_space<hbm>> -> memref<1x64xf32, #tpu.memory_space<hbm>>
      %dma_start3A_710 = tpu.memref_squeeze %dma_start3A_709 : memref<1x64xf32, #tpu.memory_space<hbm>> -> memref<64xf32, #tpu.memory_space<hbm>>
      %dma_start3A_711 = arith.constant 0 : i32
      %dma_start3A_712 = tpu.memref_slice %arg14[%add3A_674, %dma_start3A_711] : memref<256x64xf32, #tpu.memory_space<vmem>> -> memref<1x64xf32, #tpu.memory_space<vmem>>
      %dma_start3A_713 = tpu.memref_squeeze %dma_start3A_712 : memref<1x64xf32, #tpu.memory_space<vmem>> -> memref<64xf32, #tpu.memory_space<vmem>>
      %dma_start3A_714 = arith.constant 0 : i32
      %dma_start3A_715 = tpu.memref_slice %arg6[%squeeze3A_704, %dma_start3A_714] : memref<1000x64xf32, #tpu.memory_space<hbm>> -> memref<1x64xf32, #tpu.memory_space<hbm>>
      %dma_start3A_716 = tpu.memref_squeeze %dma_start3A_715 : memref<1x64xf32, #tpu.memory_space<hbm>> -> memref<64xf32, #tpu.memory_space<hbm>>
      tpu.enqueue_dma source(%dma_start3A_716 : memref<64xf32, #tpu.memory_space<hbm>>) target(%dma_start3A_713 : memref<64xf32, #tpu.memory_space<vmem>>) target_semaphore(%arg17 : memref<!tpu.dma_semaphore, #tpu.memory_space<semaphore_mem>>)
      %mul3A_717 = arith.constant 16 : i32
      %mul3A_718 = arith.muli %add3A_63, %mul3A_717 : i32
      %add3A_719 = arith.constant 14 : i32
      %add3A_720 = arith.addi %mul3A_718, %add3A_719 : i32
      %slice3A_721 = vector.extract_strided_slice %get3A_69 {offsets = [14], sizes = [1], strides = [1]} : vector<16xi32> to vector<1xi32>
      %squeeze3A_722 = vector.extract %slice3A_721[0] : i32 from vector<1xi32>
      %dma_start3A_723 = arith.constant 0 : i32
      %dma_start3A_724 = tpu.memref_slice %arg13[%add3A_720, %dma_start3A_723] : memref<256x64xf32, #tpu.memory_space<vmem>> -> memref<1x64xf32, #tpu.memory_space<vmem>>
      %dma_start3A_725 = tpu.memref_squeeze %dma_start3A_724 : memref<1x64xf32, #tpu.memory_space<vmem>> -> memref<64xf32, #tpu.memory_space<vmem>>
      %dma_start3A_726 = arith.constant 0 : i32
      %dma_start3A_727 = tpu.memref_slice %arg5[%squeeze3A_722, %dma_start3A_726] : memref<1000000x64xf32, #tpu.memory_space<hbm>> -> memref<1x64xf32, #tpu.memory_space<hbm>>
      %dma_start3A_728 = tpu.memref_squeeze %dma_start3A_727 : memref<1x64xf32, #tpu.memory_space<hbm>> -> memref<64xf32, #tpu.memory_space<hbm>>
      %dma_start3A_729 = arith.constant 0 : i32
      %dma_start3A_730 = tpu.memref_slice %arg13[%add3A_720, %dma_start3A_729] : memref<256x64xf32, #tpu.memory_space<vmem>> -> memref<1x64xf32, #tpu.memory_space<vmem>>
      %dma_start3A_731 = tpu.memref_squeeze %dma_start3A_730 : memref<1x64xf32, #tpu.memory_space<vmem>> -> memref<64xf32, #tpu.memory_space<vmem>>
      %dma_start3A_732 = arith.constant 0 : i32
      %dma_start3A_733 = tpu.memref_slice %arg5[%squeeze3A_722, %dma_start3A_732] : memref<1000000x64xf32, #tpu.memory_space<hbm>> -> memref<1x64xf32, #tpu.memory_space<hbm>>
      %dma_start3A_734 = tpu.memref_squeeze %dma_start3A_733 : memref<1x64xf32, #tpu.memory_space<hbm>> -> memref<64xf32, #tpu.memory_space<hbm>>
      tpu.enqueue_dma source(%dma_start3A_734 : memref<64xf32, #tpu.memory_space<hbm>>) target(%dma_start3A_731 : memref<64xf32, #tpu.memory_space<vmem>>) target_semaphore(%arg16 : memref<!tpu.dma_semaphore, #tpu.memory_space<semaphore_mem>>)
      %slice3A_735 = vector.extract_strided_slice %get3A_72 {offsets = [14], sizes = [1], strides = [1]} : vector<16xi32> to vector<1xi32>
      %squeeze3A_736 = vector.extract %slice3A_735[0] : i32 from vector<1xi32>
      %dma_start3A_737 = arith.constant 0 : i32
      %dma_start3A_738 = tpu.memref_slice %arg15[%add3A_720, %dma_start3A_737] : memref<256x64xf32, #tpu.memory_space<vmem>> -> memref<1x64xf32, #tpu.memory_space<vmem>>
      %dma_start3A_739 = tpu.memref_squeeze %dma_start3A_738 : memref<1x64xf32, #tpu.memory_space<vmem>> -> memref<64xf32, #tpu.memory_space<vmem>>
      %dma_start3A_740 = arith.constant 0 : i32
      %dma_start3A_741 = tpu.memref_slice %arg5[%squeeze3A_736, %dma_start3A_740] : memref<1000000x64xf32, #tpu.memory_space<hbm>> -> memref<1x64xf32, #tpu.memory_space<hbm>>
      %dma_start3A_742 = tpu.memref_squeeze %dma_start3A_741 : memref<1x64xf32, #tpu.memory_space<hbm>> -> memref<64xf32, #tpu.memory_space<hbm>>
      %dma_start3A_743 = arith.constant 0 : i32
      %dma_start3A_744 = tpu.memref_slice %arg15[%add3A_720, %dma_start3A_743] : memref<256x64xf32, #tpu.memory_space<vmem>> -> memref<1x64xf32, #tpu.memory_space<vmem>>
      %dma_start3A_745 = tpu.memref_squeeze %dma_start3A_744 : memref<1x64xf32, #tpu.memory_space<vmem>> -> memref<64xf32, #tpu.memory_space<vmem>>
      %dma_start3A_746 = arith.constant 0 : i32
      %dma_start3A_747 = tpu.memref_slice %arg5[%squeeze3A_736, %dma_start3A_746] : memref<1000000x64xf32, #tpu.memory_space<hbm>> -> memref<1x64xf32, #tpu.memory_space<hbm>>
      %dma_start3A_748 = tpu.memref_squeeze %dma_start3A_747 : memref<1x64xf32, #tpu.memory_space<hbm>> -> memref<64xf32, #tpu.memory_space<hbm>>
      tpu.enqueue_dma source(%dma_start3A_748 : memref<64xf32, #tpu.memory_space<hbm>>) target(%dma_start3A_745 : memref<64xf32, #tpu.memory_space<vmem>>) target_semaphore(%arg18 : memref<!tpu.dma_semaphore, #tpu.memory_space<semaphore_mem>>)
      %slice3A_749 = vector.extract_strided_slice %get3A_75 {offsets = [14], sizes = [1], strides = [1]} : vector<16xi32> to vector<1xi32>
      %squeeze3A_750 = vector.extract %slice3A_749[0] : i32 from vector<1xi32>
      %dma_start3A_751 = arith.constant 0 : i32
      %dma_start3A_752 = tpu.memref_slice %arg14[%add3A_720, %dma_start3A_751] : memref<256x64xf32, #tpu.memory_space<vmem>> -> memref<1x64xf32, #tpu.memory_space<vmem>>
      %dma_start3A_753 = tpu.memref_squeeze %dma_start3A_752 : memref<1x64xf32, #tpu.memory_space<vmem>> -> memref<64xf32, #tpu.memory_space<vmem>>
      %dma_start3A_754 = arith.constant 0 : i32
      %dma_start3A_755 = tpu.memref_slice %arg6[%squeeze3A_750, %dma_start3A_754] : memref<1000x64xf32, #tpu.memory_space<hbm>> -> memref<1x64xf32, #tpu.memory_space<hbm>>
      %dma_start3A_756 = tpu.memref_squeeze %dma_start3A_755 : memref<1x64xf32, #tpu.memory_space<hbm>> -> memref<64xf32, #tpu.memory_space<hbm>>
      %dma_start3A_757 = arith.constant 0 : i32
      %dma_start3A_758 = tpu.memref_slice %arg14[%add3A_720, %dma_start3A_757] : memref<256x64xf32, #tpu.memory_space<vmem>> -> memref<1x64xf32, #tpu.memory_space<vmem>>
      %dma_start3A_759 = tpu.memref_squeeze %dma_start3A_758 : memref<1x64xf32, #tpu.memory_space<vmem>> -> memref<64xf32, #tpu.memory_space<vmem>>
      %dma_start3A_760 = arith.constant 0 : i32
      %dma_start3A_761 = tpu.memref_slice %arg6[%squeeze3A_750, %dma_start3A_760] : memref<1000x64xf32, #tpu.memory_space<hbm>> -> memref<1x64xf32, #tpu.memory_space<hbm>>
      %dma_start3A_762 = tpu.memref_squeeze %dma_start3A_761 : memref<1x64xf32, #tpu.memory_space<hbm>> -> memref<64xf32, #tpu.memory_space<hbm>>
      tpu.enqueue_dma source(%dma_start3A_762 : memref<64xf32, #tpu.memory_space<hbm>>) target(%dma_start3A_759 : memref<64xf32, #tpu.memory_space<vmem>>) target_semaphore(%arg17 : memref<!tpu.dma_semaphore, #tpu.memory_space<semaphore_mem>>)
      %mul3A_763 = arith.constant 16 : i32
      %mul3A_764 = arith.muli %add3A_63, %mul3A_763 : i32
      %add3A_765 = arith.constant 15 : i32
      %add3A_766 = arith.addi %mul3A_764, %add3A_765 : i32
      %slice3A_767 = vector.extract_strided_slice %get3A_69 {offsets = [15], sizes = [1], strides = [1]} : vector<16xi32> to vector<1xi32>
      %squeeze3A_768 = vector.extract %slice3A_767[0] : i32 from vector<1xi32>
      %dma_start3A_769 = arith.constant 0 : i32
      %dma_start3A_770 = tpu.memref_slice %arg13[%add3A_766, %dma_start3A_769] : memref<256x64xf32, #tpu.memory_space<vmem>> -> memref<1x64xf32, #tpu.memory_space<vmem>>
      %dma_start3A_771 = tpu.memref_squeeze %dma_start3A_770 : memref<1x64xf32, #tpu.memory_space<vmem>> -> memref<64xf32, #tpu.memory_space<vmem>>
      %dma_start3A_772 = arith.constant 0 : i32
      %dma_start3A_773 = tpu.memref_slice %arg5[%squeeze3A_768, %dma_start3A_772] : memref<1000000x64xf32, #tpu.memory_space<hbm>> -> memref<1x64xf32, #tpu.memory_space<hbm>>
      %dma_start3A_774 = tpu.memref_squeeze %dma_start3A_773 : memref<1x64xf32, #tpu.memory_space<hbm>> -> memref<64xf32, #tpu.memory_space<hbm>>
      %dma_start3A_775 = arith.constant 0 : i32
      %dma_start3A_776 = tpu.memref_slice %arg13[%add3A_766, %dma_start3A_775] : memref<256x64xf32, #tpu.memory_space<vmem>> -> memref<1x64xf32, #tpu.memory_space<vmem>>
      %dma_start3A_777 = tpu.memref_squeeze %dma_start3A_776 : memref<1x64xf32, #tpu.memory_space<vmem>> -> memref<64xf32, #tpu.memory_space<vmem>>
      %dma_start3A_778 = arith.constant 0 : i32
      %dma_start3A_779 = tpu.memref_slice %arg5[%squeeze3A_768, %dma_start3A_778] : memref<1000000x64xf32, #tpu.memory_space<hbm>> -> memref<1x64xf32, #tpu.memory_space<hbm>>
      %dma_start3A_780 = tpu.memref_squeeze %dma_start3A_779 : memref<1x64xf32, #tpu.memory_space<hbm>> -> memref<64xf32, #tpu.memory_space<hbm>>
      tpu.enqueue_dma source(%dma_start3A_780 : memref<64xf32, #tpu.memory_space<hbm>>) target(%dma_start3A_777 : memref<64xf32, #tpu.memory_space<vmem>>) target_semaphore(%arg16 : memref<!tpu.dma_semaphore, #tpu.memory_space<semaphore_mem>>)
      %slice3A_781 = vector.extract_strided_slice %get3A_72 {offsets = [15], sizes = [1], strides = [1]} : vector<16xi32> to vector<1xi32>
      %squeeze3A_782 = vector.extract %slice3A_781[0] : i32 from vector<1xi32>
      %dma_start3A_783 = arith.constant 0 : i32
      %dma_start3A_784 = tpu.memref_slice %arg15[%add3A_766, %dma_start3A_783] : memref<256x64xf32, #tpu.memory_space<vmem>> -> memref<1x64xf32, #tpu.memory_space<vmem>>
      %dma_start3A_785 = tpu.memref_squeeze %dma_start3A_784 : memref<1x64xf32, #tpu.memory_space<vmem>> -> memref<64xf32, #tpu.memory_space<vmem>>
      %dma_start3A_786 = arith.constant 0 : i32
      %dma_start3A_787 = tpu.memref_slice %arg5[%squeeze3A_782, %dma_start3A_786] : memref<1000000x64xf32, #tpu.memory_space<hbm>> -> memref<1x64xf32, #tpu.memory_space<hbm>>
      %dma_start3A_788 = tpu.memref_squeeze %dma_start3A_787 : memref<1x64xf32, #tpu.memory_space<hbm>> -> memref<64xf32, #tpu.memory_space<hbm>>
      %dma_start3A_789 = arith.constant 0 : i32
      %dma_start3A_790 = tpu.memref_slice %arg15[%add3A_766, %dma_start3A_789] : memref<256x64xf32, #tpu.memory_space<vmem>> -> memref<1x64xf32, #tpu.memory_space<vmem>>
      %dma_start3A_791 = tpu.memref_squeeze %dma_start3A_790 : memref<1x64xf32, #tpu.memory_space<vmem>> -> memref<64xf32, #tpu.memory_space<vmem>>
      %dma_start3A_792 = arith.constant 0 : i32
      %dma_start3A_793 = tpu.memref_slice %arg5[%squeeze3A_782, %dma_start3A_792] : memref<1000000x64xf32, #tpu.memory_space<hbm>> -> memref<1x64xf32, #tpu.memory_space<hbm>>
      %dma_start3A_794 = tpu.memref_squeeze %dma_start3A_793 : memref<1x64xf32, #tpu.memory_space<hbm>> -> memref<64xf32, #tpu.memory_space<hbm>>
      tpu.enqueue_dma source(%dma_start3A_794 : memref<64xf32, #tpu.memory_space<hbm>>) target(%dma_start3A_791 : memref<64xf32, #tpu.memory_space<vmem>>) target_semaphore(%arg18 : memref<!tpu.dma_semaphore, #tpu.memory_space<semaphore_mem>>)
      %slice3A_795 = vector.extract_strided_slice %get3A_75 {offsets = [15], sizes = [1], strides = [1]} : vector<16xi32> to vector<1xi32>
      %squeeze3A_796 = vector.extract %slice3A_795[0] : i32 from vector<1xi32>
      %dma_start3A_797 = arith.constant 0 : i32
      %dma_start3A_798 = tpu.memref_slice %arg14[%add3A_766, %dma_start3A_797] : memref<256x64xf32, #tpu.memory_space<vmem>> -> memref<1x64xf32, #tpu.memory_space<vmem>>
      %dma_start3A_799 = tpu.memref_squeeze %dma_start3A_798 : memref<1x64xf32, #tpu.memory_space<vmem>> -> memref<64xf32, #tpu.memory_space<vmem>>
      %dma_start3A_800 = arith.constant 0 : i32
      %dma_start3A_801 = tpu.memref_slice %arg6[%squeeze3A_796, %dma_start3A_800] : memref<1000x64xf32, #tpu.memory_space<hbm>> -> memref<1x64xf32, #tpu.memory_space<hbm>>
      %dma_start3A_802 = tpu.memref_squeeze %dma_start3A_801 : memref<1x64xf32, #tpu.memory_space<hbm>> -> memref<64xf32, #tpu.memory_space<hbm>>
      %dma_start3A_803 = arith.constant 0 : i32
      %dma_start3A_804 = tpu.memref_slice %arg14[%add3A_766, %dma_start3A_803] : memref<256x64xf32, #tpu.memory_space<vmem>> -> memref<1x64xf32, #tpu.memory_space<vmem>>
      %dma_start3A_805 = tpu.memref_squeeze %dma_start3A_804 : memref<1x64xf32, #tpu.memory_space<vmem>> -> memref<64xf32, #tpu.memory_space<vmem>>
      %dma_start3A_806 = arith.constant 0 : i32
      %dma_start3A_807 = tpu.memref_slice %arg6[%squeeze3A_796, %dma_start3A_806] : memref<1000x64xf32, #tpu.memory_space<hbm>> -> memref<1x64xf32, #tpu.memory_space<hbm>>
      %dma_start3A_808 = tpu.memref_squeeze %dma_start3A_807 : memref<1x64xf32, #tpu.memory_space<hbm>> -> memref<64xf32, #tpu.memory_space<hbm>>
      tpu.enqueue_dma source(%dma_start3A_808 : memref<64xf32, #tpu.memory_space<hbm>>) target(%dma_start3A_805 : memref<64xf32, #tpu.memory_space<vmem>>) target_semaphore(%arg17 : memref<!tpu.dma_semaphore, #tpu.memory_space<semaphore_mem>>)
    }
    %scan3A_34 = arith.constant 16 : i32
    %dma_wait3A_35 = arith.constant 0 : i32
    %dma_wait3A_36 = arith.constant 0 : i32
    %dma_wait3A_37 = tpu.memref_slice %arg7[%dma_wait3A_35, %dma_wait3A_36] : memref<16384x64xf32, #tpu.memory_space<hbm>> -> memref<256x64xf32, #tpu.memory_space<hbm>>
    %dma_wait3A_38 = arith.constant 0 : i32
    %dma_wait3A_39 = arith.constant 0 : i32
    %dma_wait3A_40 = tpu.memref_slice %arg7[%dma_wait3A_38, %dma_wait3A_39] : memref<16384x64xf32, #tpu.memory_space<hbm>> -> memref<256x64xf32, #tpu.memory_space<hbm>>
    tpu.wait_dma2 semaphore(%arg16 : memref<!tpu.dma_semaphore, #tpu.memory_space<semaphore_mem>>) src(%dma_wait3A_40 : memref<256x64xf32, #tpu.memory_space<hbm>>) dst(%arg13 : memref<256x64xf32, #tpu.memory_space<vmem>>)
    %dma_wait3A_41 = arith.constant 0 : i32
    %dma_wait3A_42 = arith.constant 0 : i32
    %dma_wait3A_43 = tpu.memref_slice %arg9[%dma_wait3A_41, %dma_wait3A_42] : memref<16384x64xf32, #tpu.memory_space<hbm>> -> memref<256x64xf32, #tpu.memory_space<hbm>>
    %dma_wait3A_44 = arith.constant 0 : i32
    %dma_wait3A_45 = arith.constant 0 : i32
    %dma_wait3A_46 = tpu.memref_slice %arg9[%dma_wait3A_44, %dma_wait3A_45] : memref<16384x64xf32, #tpu.memory_space<hbm>> -> memref<256x64xf32, #tpu.memory_space<hbm>>
    tpu.wait_dma2 semaphore(%arg18 : memref<!tpu.dma_semaphore, #tpu.memory_space<semaphore_mem>>) src(%dma_wait3A_46 : memref<256x64xf32, #tpu.memory_space<hbm>>) dst(%arg15 : memref<256x64xf32, #tpu.memory_space<vmem>>)
    %dma_wait3A_47 = arith.constant 0 : i32
    %dma_wait3A_48 = arith.constant 0 : i32
    %dma_wait3A_49 = tpu.memref_slice %arg8[%dma_wait3A_47, %dma_wait3A_48] : memref<16384x64xf32, #tpu.memory_space<hbm>> -> memref<256x64xf32, #tpu.memory_space<hbm>>
    %dma_wait3A_50 = arith.constant 0 : i32
    %dma_wait3A_51 = arith.constant 0 : i32
    %dma_wait3A_52 = tpu.memref_slice %arg8[%dma_wait3A_50, %dma_wait3A_51] : memref<16384x64xf32, #tpu.memory_space<hbm>> -> memref<256x64xf32, #tpu.memory_space<hbm>>
    tpu.wait_dma2 semaphore(%arg17 : memref<!tpu.dma_semaphore, #tpu.memory_space<semaphore_mem>>) src(%dma_wait3A_52 : memref<256x64xf32, #tpu.memory_space<hbm>>) dst(%arg14 : memref<256x64xf32, #tpu.memory_space<vmem>>)
    %add3A_53 = arith.constant 256 : i32
    %add3A_54 = arith.addi %mul3A_2, %add3A_53 : i32
    "tpu.region"() ({
      %run_scoped3A = tpu.sem_alloc : memref<!tpu.dma_semaphore, #tpu.memory_space<semaphore_mem>>
      %dma_start3A = arith.constant 0 : i32
      %dma_start3A_59 = tpu.memref_slice %arg7[%add3A_54, %dma_start3A] : memref<16384x64xf32, #tpu.memory_space<hbm>> -> memref<256x64xf32, #tpu.memory_space<hbm>>
      %dma_start3A_60 = arith.constant 0 : i32
      %dma_start3A_61 = tpu.memref_slice %arg7[%add3A_54, %dma_start3A_60] : memref<16384x64xf32, #tpu.memory_space<hbm>> -> memref<256x64xf32, #tpu.memory_space<hbm>>
      tpu.enqueue_dma source(%arg13 : memref<256x64xf32, #tpu.memory_space<vmem>>) target(%dma_start3A_61 : memref<256x64xf32, #tpu.memory_space<hbm>>) target_semaphore(%run_scoped3A : memref<!tpu.dma_semaphore, #tpu.memory_space<semaphore_mem>>)
      %dma_wait3A_62 = arith.constant 0 : i32
      %dma_wait3A_63 = tpu.memref_slice %arg7[%add3A_54, %dma_wait3A_62] : memref<16384x64xf32, #tpu.memory_space<hbm>> -> memref<256x64xf32, #tpu.memory_space<hbm>>
      %dma_wait3A_64 = arith.constant 0 : i32
      %dma_wait3A_65 = tpu.memref_slice %arg7[%add3A_54, %dma_wait3A_64] : memref<16384x64xf32, #tpu.memory_space<hbm>> -> memref<256x64xf32, #tpu.memory_space<hbm>>
      tpu.wait_dma2 semaphore(%run_scoped3A : memref<!tpu.dma_semaphore, #tpu.memory_space<semaphore_mem>>) src(%arg13 : memref<256x64xf32, #tpu.memory_space<vmem>>) dst(%dma_wait3A_65 : memref<256x64xf32, #tpu.memory_space<hbm>>)
      tpu.yield
    }) : () -> ()
    %add3A_55 = arith.constant 256 : i32
    %add3A_56 = arith.addi %mul3A_2, %add3A_55 : i32
    "tpu.region"() ({
      %run_scoped3A = tpu.sem_alloc : memref<!tpu.dma_semaphore, #tpu.memory_space<semaphore_mem>>
      %dma_start3A = arith.constant 0 : i32
      %dma_start3A_59 = tpu.memref_slice %arg9[%add3A_56, %dma_start3A] : memref<16384x64xf32, #tpu.memory_space<hbm>> -> memref<256x64xf32, #tpu.memory_space<hbm>>
      %dma_start3A_60 = arith.constant 0 : i32
      %dma_start3A_61 = tpu.memref_slice %arg9[%add3A_56, %dma_start3A_60] : memref<16384x64xf32, #tpu.memory_space<hbm>> -> memref<256x64xf32, #tpu.memory_space<hbm>>
      tpu.enqueue_dma source(%arg15 : memref<256x64xf32, #tpu.memory_space<vmem>>) target(%dma_start3A_61 : memref<256x64xf32, #tpu.memory_space<hbm>>) target_semaphore(%run_scoped3A : memref<!tpu.dma_semaphore, #tpu.memory_space<semaphore_mem>>)
      %dma_wait3A_62 = arith.constant 0 : i32
      %dma_wait3A_63 = tpu.memref_slice %arg9[%add3A_56, %dma_wait3A_62] : memref<16384x64xf32, #tpu.memory_space<hbm>> -> memref<256x64xf32, #tpu.memory_space<hbm>>
      %dma_wait3A_64 = arith.constant 0 : i32
      %dma_wait3A_65 = tpu.memref_slice %arg9[%add3A_56, %dma_wait3A_64] : memref<16384x64xf32, #tpu.memory_space<hbm>> -> memref<256x64xf32, #tpu.memory_space<hbm>>
      tpu.wait_dma2 semaphore(%run_scoped3A : memref<!tpu.dma_semaphore, #tpu.memory_space<semaphore_mem>>) src(%arg15 : memref<256x64xf32, #tpu.memory_space<vmem>>) dst(%dma_wait3A_65 : memref<256x64xf32, #tpu.memory_space<hbm>>)
      tpu.yield
    }) : () -> ()
    %add3A_57 = arith.constant 256 : i32
    %add3A_58 = arith.addi %mul3A_2, %add3A_57 : i32
    "tpu.region"() ({
      %run_scoped3A = tpu.sem_alloc : memref<!tpu.dma_semaphore, #tpu.memory_space<semaphore_mem>>
      %dma_start3A = arith.constant 0 : i32
      %dma_start3A_59 = tpu.memref_slice %arg8[%add3A_58, %dma_start3A] : memref<16384x64xf32, #tpu.memory_space<hbm>> -> memref<256x64xf32, #tpu.memory_space<hbm>>
      %dma_start3A_60 = arith.constant 0 : i32
      %dma_start3A_61 = tpu.memref_slice %arg8[%add3A_58, %dma_start3A_60] : memref<16384x64xf32, #tpu.memory_space<hbm>> -> memref<256x64xf32, #tpu.memory_space<hbm>>
      tpu.enqueue_dma source(%arg14 : memref<256x64xf32, #tpu.memory_space<vmem>>) target(%dma_start3A_61 : memref<256x64xf32, #tpu.memory_space<hbm>>) target_semaphore(%run_scoped3A : memref<!tpu.dma_semaphore, #tpu.memory_space<semaphore_mem>>)
      %dma_wait3A_62 = arith.constant 0 : i32
      %dma_wait3A_63 = tpu.memref_slice %arg8[%add3A_58, %dma_wait3A_62] : memref<16384x64xf32, #tpu.memory_space<hbm>> -> memref<256x64xf32, #tpu.memory_space<hbm>>
      %dma_wait3A_64 = arith.constant 0 : i32
      %dma_wait3A_65 = tpu.memref_slice %arg8[%add3A_58, %dma_wait3A_64] : memref<16384x64xf32, #tpu.memory_space<hbm>> -> memref<256x64xf32, #tpu.memory_space<hbm>>
      tpu.wait_dma2 semaphore(%run_scoped3A : memref<!tpu.dma_semaphore, #tpu.memory_space<semaphore_mem>>) src(%arg14 : memref<256x64xf32, #tpu.memory_space<vmem>>) dst(%dma_wait3A_65 : memref<256x64xf32, #tpu.memory_space<hbm>>)
      tpu.yield
    }) : () -> ()
    return
  }
}

module attributes {stable_mosaic.version = 14 : i64} {
  func.func @body(%arg0: i32, %arg1: memref<2048x64xf32, #tpu.memory_space<vmem>>, %arg2: memref<2048x64xf32, #tpu.memory_space<vmem>>, %arg3: memref<2048x64xf32, #tpu.memory_space<vmem>>, %arg4: memref<2048xf32, #tpu.memory_space<vmem>>) attributes {dimension_semantics = [#tpu.dimension_semantics<arbitrary>], iteration_bounds = array<i64: 8>, scalar_prefetch = 0 : i64, scratch_operands = 0 : i64, tpu.core_type = #tpu.core_type<tc>, window_params = [{transform_indices = @transform_0, window_bounds = array<i64: 2048, 64>}, {transform_indices = @transform_1, window_bounds = array<i64: 2048, 64>}, {transform_indices = @transform_2, window_bounds = array<i64: 2048, 64>}, {transform_indices = @transform_3, window_bounds = array<i64: 2048>}]} {
    %get3A = arith.constant 0 : index
    %get3A_0 = arith.constant 0 : index
    %get3A_1 = vector.load %arg1[%get3A, %get3A_0] : memref<2048x64xf32, #tpu.memory_space<vmem>>, vector<2048x64xf32>
    %get3A_2 = arith.constant 0 : index
    %get3A_3 = arith.constant 0 : index
    %get3A_4 = vector.load %arg2[%get3A_2, %get3A_3] : memref<2048x64xf32, #tpu.memory_space<vmem>>, vector<2048x64xf32>
    %get3A_5 = arith.constant 0 : index
    %get3A_6 = arith.constant 0 : index
    %get3A_7 = vector.load %arg3[%get3A_5, %get3A_6] : memref<2048x64xf32, #tpu.memory_space<vmem>>, vector<2048x64xf32>
    %mul3A = arith.mulf %get3A_1, %get3A_1 : vector<2048x64xf32>
    %reduce_sum3A = arith.constant dense<0.000000e+00> : vector<2048xf32>
    %reduce_sum3A_8 = vector.multi_reduction <add>, %mul3A, %reduce_sum3A [1] : vector<2048x64xf32> to vector<2048xf32>
    %broadcast_in_dim3A = vector.shape_cast %reduce_sum3A_8 : vector<2048xf32> to vector<2048x1xf32>
    %sqrt3A = math.sqrt %broadcast_in_dim3A : vector<2048x1xf32>
    %gt3A = arith.constant 1.000000e+00 : f32
    %gt3A_9 = vector.broadcast %gt3A : f32 to vector<2048x1xf32>
    %gt3A_10 = arith.cmpf ogt, %sqrt3A, %gt3A_9 : vector<2048x1xf32>
    %add3A = arith.constant 1.000000e-07 : f32
    %add3A_11 = vector.broadcast %add3A : f32 to vector<2048x1xf32>
    %add3A_12 = arith.addf %sqrt3A, %add3A_11 : vector<2048x1xf32>
    %div3A = arith.constant 1.000000e+00 : f32
    %div3A_13 = vector.broadcast %div3A : f32 to vector<2048x1xf32>
    %div3A_14 = arith.divf %div3A_13, %add3A_12 : vector<2048x1xf32>
    %jit3A = arith.constant 1.000000e+00 : f32
    %broadcast_in_dim3A_15 = vector.broadcast %jit3A : f32 to vector<2048x1xf32>
    %select_n3A = arith.select %gt3A_10, %div3A_14, %broadcast_in_dim3A_15 : vector<2048x1xi1>, vector<2048x1xf32>
    %mul3A_16 = arith.mulf %get3A_7, %get3A_7 : vector<2048x64xf32>
    %reduce_sum3A_17 = arith.constant dense<0.000000e+00> : vector<2048xf32>
    %reduce_sum3A_18 = vector.multi_reduction <add>, %mul3A_16, %reduce_sum3A_17 [1] : vector<2048x64xf32> to vector<2048xf32>
    %broadcast_in_dim3A_19 = vector.shape_cast %reduce_sum3A_18 : vector<2048xf32> to vector<2048x1xf32>
    %sqrt3A_20 = math.sqrt %broadcast_in_dim3A_19 : vector<2048x1xf32>
    %gt3A_21 = arith.constant 1.000000e+00 : f32
    %gt3A_22 = vector.broadcast %gt3A_21 : f32 to vector<2048x1xf32>
    %gt3A_23 = arith.cmpf ogt, %sqrt3A_20, %gt3A_22 : vector<2048x1xf32>
    %add3A_24 = arith.constant 1.000000e-07 : f32
    %add3A_25 = vector.broadcast %add3A_24 : f32 to vector<2048x1xf32>
    %add3A_26 = arith.addf %sqrt3A_20, %add3A_25 : vector<2048x1xf32>
    %div3A_27 = arith.constant 1.000000e+00 : f32
    %div3A_28 = vector.broadcast %div3A_27 : f32 to vector<2048x1xf32>
    %div3A_29 = arith.divf %div3A_28, %add3A_26 : vector<2048x1xf32>
    %jit3A_30 = arith.constant 1.000000e+00 : f32
    %broadcast_in_dim3A_31 = vector.broadcast %jit3A_30 : f32 to vector<2048x1xf32>
    %select_n3A_32 = arith.select %gt3A_23, %div3A_29, %broadcast_in_dim3A_31 : vector<2048x1xi1>, vector<2048x1xf32>
    %mul3A_33 = vector.broadcast %select_n3A : vector<2048x1xf32> to vector<2048x64xf32>
    %mul3A_34 = arith.mulf %get3A_1, %mul3A_33 : vector<2048x64xf32>
    %add3A_35 = arith.addf %mul3A_34, %get3A_4 : vector<2048x64xf32>
    %mul3A_36 = vector.broadcast %select_n3A_32 : vector<2048x1xf32> to vector<2048x64xf32>
    %mul3A_37 = arith.mulf %get3A_7, %mul3A_36 : vector<2048x64xf32>
    %sub3A = arith.subf %add3A_35, %mul3A_37 : vector<2048x64xf32>
    %mul3A_38 = arith.mulf %sub3A, %sub3A : vector<2048x64xf32>
    %reduce_sum3A_39 = arith.constant dense<0.000000e+00> : vector<2048xf32>
    %reduce_sum3A_40 = vector.multi_reduction <add>, %mul3A_38, %reduce_sum3A_39 [1] : vector<2048x64xf32> to vector<2048xf32>
    %sqrt3A_41 = math.sqrt %reduce_sum3A_40 : vector<2048xf32>
    %neg3A = arith.constant 0.000000e+00 : f32
    %neg3A_42 = vector.broadcast %neg3A : f32 to vector<2048xf32>
    %neg3A_43 = arith.subf %neg3A_42, %sqrt3A_41 : vector<2048xf32>
    %swap3A = arith.constant 0 : index
    %swap3A_44 = vector.load %arg4[%swap3A] : memref<2048xf32, #tpu.memory_space<vmem>>, vector<2048xf32>
    tpu.vector_store %arg4[%swap3A], %neg3A_43 {strides = array<i32>} : memref<2048xf32, #tpu.memory_space<vmem>>, vector<2048xf32>,
    return
  }
  func.func @transform_0(%arg0: i32) -> (i32, i32) {
    %c0_i32 = arith.constant 0 : i32
    %c0_i32_0 = arith.constant 0 : i32
    return %arg0, %c0_i32 : i32, i32
  }
  func.func @transform_1(%arg0: i32) -> (i32, i32) {
    %c0_i32 = arith.constant 0 : i32
    %c0_i32_0 = arith.constant 0 : i32
    return %arg0, %c0_i32 : i32, i32
  }
  func.func @transform_2(%arg0: i32) -> (i32, i32) {
    %c0_i32 = arith.constant 0 : i32
    %c0_i32_0 = arith.constant 0 : i32
    return %arg0, %c0_i32 : i32, i32
  }
  func.func @transform_3(%arg0: i32) -> i32 {
    %c0_i32 = arith.constant 0 : i32
    return %arg0 : i32
  }
}

</mosaic_0001>

<sc_bundles>
// kernel: kernel.4.cloned.1.call-start
scs
__scs_entry_jumppad:
0x0: {  	(pc) =	sbr.rel $0x88, $3  }
0x1: {  	(tag) =	ssettag $0x0;
	lr =	simm.s32 $0x1  }
0x2: {  	[smem:$0x3F9C] =	sst lr;
	_ =	strace $0xD0000000  }
0x3: {  	_ = 	snop  }
0x4: {  	_ = 	snop  }
0x5: {  	_ = 	snop  }
0x6: {  	_ = 	snop  }
0x7: {  	_ = 	snop  }
__scs_overlays_trampoline_lowered:
0x8: {  	[smem:$0x3FAB] =	sst s0  }
0x9: {  	[smem:$0x3FAC] =	sst s1  }
0xa: {  	[smem:$0x3FAD] =	sst s2  }
0xb: {  	[smem:$0x3FAE] =	sst s3  }
0xc: {  	[smem:$0x3FAF] =	sst s4  }
0xd: {  	[smem:$0x3FB0] =	sst s5  }
0xe: {  	[smem:$0x3FB1] =	sst s6  }
0xf: {  	[smem:$0x3FB2] =	sst s7  }
0x10: {  	[smem:$0x3FB3] =	sst s8  }
0x11: {  	[smem:$0x3FB4] =	sst s9;
	s0 =	simm.s32 @!p0 $0x0  }
0x12: {  	s1 =	sld [smem:$0x3F9A];
	s0 =	simm.s32 @p0 $0x1  }
0x13: {  	[smem:$0x3FB5] =	sst s0;
	s0 =	simm.s32 @!p1 $0x0  }
0x14: {  	s2 =	sld [smem:$0x3F99];
	s0 =	simm.s32 @p1 $0x1  }
0x15: {  	[smem:$0x3FB6] =	sst s0;
	s0 =	simm.s32 @!p2 $0x0  }
0x16: {  	s3 =	sld [smem:$0x3FDB];
	s0 =	simm.s32 @p2 $0x1  }
0x17: {  	s4 =	simm.s32 $0x1BF5;
	[smem:$0x3FB8] =	sst s0  }
0x18: {  	s0 =	sld [smem:$0x3F9B];
	_ =	swait.ge [sflag:s4], $0x0  }
0x19: {  	s7 =	sld [smem:$0x3F9C]  }
0x1a: {  	s8 =	sadd.s32 $0xFFFFE003, lr  }
0x1b: {  	s9 =	sadd.s32 $0xFFFFFEF7, lr;
	s5 =	simm.s32 $0xFFFFFFFF;
	p2 =	slt.u32 s8, $0xFFFFF086  }
0x1c: {  	p1 =	slt.u32 s9, $0xF7A;
	s5 =	simm.s32 @!p2 $0x0  }
0x1d: {  	s5 =	simm.s32 @p1 $0x1;
	p0 =	seq.s32 s7, s2  }
0x1e: {  	s7 =	smul.u32 @!p0 $0xF7A, s2;
	p2 =	seq.s32 @!p0 s5, $0x0  }
0x1f: {  	s9 =	smul.u32 $0xF7A, s1;
	s8 =	simm.s32 @!p0 $0x1BF5;
	p2 =	por !p2, p0  }
0x20: {  	[sflag:s8] =	ssyncset.s32 @!p0 $0xFFFFF086;
	s6 =	sadd.s32 @!p0 s3, s7;
	s7 =	simm.s32 @!p0 $0x108  }
0x21: {  	s3 =	sadd.s32 s3, s9;
	s6 =	sadd.s32 @!p0 $0x88, s6;
	s7 =	simm.s32 @p2 $0x1082  }
0x22: {  	[simem:s7], [sflag:s8] =	dma.local @!p0 [hbm:s6], $0xF7A  }
0x23: {  	s9 =	sor.u32 $0xD0000000, s2;
	s6 =	simm.s32 $0x108;
	_ =	swait.ge @!p0 [sflag:s8], $0x0  }
0x24: {  	s3 =	sadd.s32 $0x88, s3;
	s6 =	simm.s32 @!p1 $0x1082;
	[sflag:s4] =	ssyncset.s32 $0xFFFFF086  }
0x25: {  	[simem:s6], [sflag:s4] =	dma.local [hbm:s3], $0xF7A  }
0x26: {  	[smem:$0x3F9C] =	sst s1;
	(tag) =	ssettag s2;
	_ =	strace s9  }
0x27: {  	s1 =	sld [smem:$0x3FAC]  }
0x28: {  	s2 =	sld [smem:$0x3FAD]  }
0x29: {  	s4 =	sld [smem:$0x3FAF]  }
0x2a: {  	p0 =	seq.s32 s5, $0x0;
	s5 =	sld [smem:$0x3FB0]  }
0x2b: {  	s6 =	sld [smem:$0x3FB1]  }
0x2c: {  	s7 =	sld [smem:$0x3FB2]  }
0x2d: {  	s3 =	simm.s32 $0x108;
	s8 =	sld [smem:$0x3FB3]  }
0x2e: {  	s3 =	simm.s32 @!p0 $0x1082;
	s9 =	sld [smem:$0x3FB4]  }
0x2f: {  	lr =	sadd.s32 s0, s3;
	s0 =	sld [smem:$0x3FAB]  }
0x30: {  	s3 =	sld [smem:$0x3FAE]  }
0x31: {  	[smem:$0x3FB7] =	sst s10  }
0x32: {  	s10 =	sld [smem:$0x3FB5];
	_ =	sdelay $0x3  }
0x33: {  	p0 =	seq.s32 s10, $0x1;
	s10 =	sld [smem:$0x3FB7];
	_ =	sdelay $0x3  }
0x34: {  	[smem:$0x3FB7] =	sst s10  }
0x35: {  	s10 =	sld [smem:$0x3FB6];
	_ =	sdelay $0x3  }
0x36: {  	p1 =	seq.s32 s10, $0x1;
	s10 =	sld [smem:$0x3FB7];
	_ =	sdelay $0x3  }
0x37: {  	[smem:$0x3FB7] =	sst s10  }
0x38: {  	s10 =	sld [smem:$0x3FB8]  }
0x39: {  	_ = 	snop;
	(pc) =	sbr.ind lr, $3  }
0x3a: {  	_ = 	snop  }
0x3b: {  	_ = 	snop  }
0x3c: {  	p2 =	seq.s32 s10, $0x1;
	s10 =	sld [smem:$0x3FB7]  }
0x3d: {  	_ =	shalt  }
0x3e: {  	_ =	shalt  }
0x3f: {  	_ =	shalt  }
0x40: {  	_ =	shalt  }
0x41: {  	_ =	shalt  }
0x42: {  	_ =	shalt  }
0x43: {  	_ =	shalt  }
0x44: {  	_ =	shalt  }
0x45: {  	_ =	shalt  }
0x46: {  	_ =	shalt  }
0x47: {  	_ =	shalt  }
0x48: {  	_ =	shalt  }
0x49: {  	_ =	shalt  }
0x4a: {  	_ =	shalt  }
0x4b: {  	_ =	shalt  }
0x4c: {  	_ =	shalt  }
0x4d: {  	_ =	shalt  }
0x4e: {  	_ =	shalt  }
0x4f: {  	_ =	shalt  }
0x50: {  	_ =	shalt  }
0x51: {  	_ =	shalt  }
0x52: {  	_ =	shalt  }
0x53: {  	_ =	shalt  }
0x54: {  	_ =	shalt  }
0x55: {  	_ =	shalt  }
0x56: {  	_ =	shalt  }
0x57: {  	_ =	shalt  }
0x58: {  	_ =	shalt  }
0x59: {  	_ =	shalt  }
0x5a: {  	_ =	shalt  }
0x5b: {  	_ =	shalt  }
0x5c: {  	_ =	shalt  }
0x5d: {  	_ =	shalt  }
0x5e: {  	_ =	shalt  }
0x5f: {  	_ =	shalt  }
0x60: {  	_ =	shalt  }
0x61: {  	_ =	shalt  }
0x62: {  	_ =	shalt  }
0x63: {  	_ =	shalt  }
0x64: {  	_ =	shalt  }
0x65: {  	_ =	shalt  }
0x66: {  	_ =	shalt  }
0x67: {  	_ =	shalt  }
0x68: {  	_ =	shalt  }
0x69: {  	_ =	shalt  }
0x6a: {  	_ =	shalt  }
0x6b: {  	_ =	shalt  }
0x6c: {  	_ =	shalt  }
0x6d: {  	_ =	shalt  }
0x6e: {  	_ =	shalt  }
0x6f: {  	_ =	shalt  }
0x70: {  	_ =	shalt  }
0x71: {  	_ =	shalt  }
0x72: {  	_ =	shalt  }
0x73: {  	_ =	shalt  }
0x74: {  	_ =	shalt  }
0x75: {  	_ =	shalt  }
0x76: {  	_ =	shalt  }
0x77: {  	_ =	shalt  }
0x78: {  	_ =	shalt  }
0x79: {  	_ =	shalt  }
0x7a: {  	_ =	shalt  }
0x7b: {  	_ =	shalt  }
0x7c: {  	_ =	shalt  }
0x7d: {  	_ =	shalt  }
0x7e: {  	_ =	shalt  }
0x7f: {  	_ =	shalt  }
0x80: {  	_ =	shalt  }
0x81: {  	_ =	shalt  }
0x82: {  	_ =	shalt  }
0x83: {  	_ =	shalt  }
0x84: {  	_ =	shalt  }
0x85: {  	_ =	shalt  }
0x86: {  	_ =	shalt  }
0x87: {  	_ =	shalt  }
.Lfunc_end0:
.L_simem_size_0:
called_computation_lowered:
.L_overlay_start_0:
0x88: {  	s2 =	sld [smem:$0x3FD9]  }
0x89: {  	s3 =	sld [smem:$0x3FFE];
	_ =	sdelay $0x1  }
0x8a: {  	s1 =	srdreg.scid  }
0x8b: {  	s0 =	sand.u32 $0x1, s1  }
0x8c: {  	s17 =	sshll.u32 s0, $0xA;
	s2 =	sadd.s32 s3, s2  }
0x8d: {  	s2 =	sadd.s32 s2, s17  }
0x8e: {  	[smem:$0x3FC3] =	sst s2  }
0x8f: {  	_ = 	snop  }
0x90: {  	s2 =	sld [smem:$0x3FC9]  }
0x91: {  	s18 =	sld [smem:$0x3FC8]  }
0x92: {  	s4 =	sld [smem:$0x3FC7];
	(tm) =	ssettm $0x1  }
0x93: {  	s5 =	sld [smem:$0x3FFB];
	_ =	sdelay $0x3  }
0x94: {  	_ =	strace s5  }
0x95: {  	s5 =	sld [smem:$0x3FFC];
	_ =	sdelay $0x3  }
0x96: {  	_ =	strace s5  }
0x97: {  	s5 =	sld [smem:$0x3FFD];
	_ =	sdelay $0x3  }
0x98: {  	_ =	strace s5  }
0x99: {  	_ =	strace $0x8FFFFFFF  }
0x9a: {  	s19 =	sld [smem:$0x3FDB];
	_ =	sdelay $0x1  }
0x9b: {  	s6 =	simm.s32 $_scs_section_size  }
0x9c: {  	s7 =	simm.s32 $_size__tile_overlayer_lowered;
	s8 =	simm.s32 $_tile_overlayer_lowered  }
0x9d: {  	s22 =	simm.s32 $0x1BFF;
	s21 =	sshll.u32 s8, $0x1;
	s5 =	sadd.s32 s6, s19  }
0x9e: {  	s9 =	simm.s32 $0x0;
	s20 =	sshll.u32 s7, $0x1;
	s7 =	sadd.s32 s21, s5  }
0x9f: {  	[timem:s9], [sflag:s22] =	dma.local [hbm:s7], s20  }
0xa0: {  	_ =	swait.ge [sflag:s22], s20  }
0xa1: {  	s6 =	ssub.s32 $0x0, s20;
	[sflag:s22] =	ssyncset.done $0x0  }
0xa2: {  	[sflag:s22] =	ssyncadd.s32 s6;
	_ =	sdelay $0x1  }
0xa3: {  	s23 =	simm.s32 $0x1B8B  }
0xa4: {  	_ =	swait.ge [sflag:s23], $0x1  }
0xa5: {  	[sflag:s23] =	ssyncset.done $0x0  }
0xa6: {  	s25 =	simm.s32 $0x1B8E;
	s24 =	sld [smem:$0x3FFE];
	[sflag:s23] =	ssyncadd.s32 $0xFFFFFFFF  }
0xa7: {  	s26 =	simm.s32 $execute0_lowered;
	[smem:$0x3FD2] =	sst s25  }
0xa8: {  	s7 =	sshll.u32 s26, $0x1;
	_ =	strace $0x80000046;
	[dreg:$0x1] =	wrdreg $0xFFFFFFFF  }
0xa9: {  	s28 =	simm.s32 $_size_execute0_lowered;
	s5 =	sadd.s32 s5, s7;
	[dreg:$0x0] =	wrdreg $0x0  }
0xaa: {  	s7 =	sshll.u32 s28, $0x1;
	[dreg:$0x2] =	wrdreg s5  }
0xab: {  	[dreg:$0x3] =	wrdreg s7  }
0xac: {  	[dreg:$0x4] =	wrdreg $0xC0  }
0xad: {  	_ =	task [dreg:s9], $0x5FFFF  }
0xae: {  	[dreg:$0x1] =	wrdreg $0xFFFFFFFF  }
0xaf: {  	[dreg:$0x0] =	wrdreg $0x60  }
0xb0: {  	[dreg:$0x2] =	wrdreg s2  }
0xb1: {  	[dreg:$0x3] =	wrdreg s18  }
0xb2: {  	[dreg:$0x4] =	wrdreg s4  }
0xb3: {  	[dreg:$0x5] =	wrdreg s24  }
0xb4: {  	[dreg:$0x6] =	wrdreg $0x9  }
0xb5: {  	_ =	task.clear_ibuf [dreg:s9], $0x7FFFF;
	_ =	strace $0x90000046  }
0xb6: {  	s29 =	simm.s32 $0x9;
	_ =	strace $0x80000048  }
0xb7: {  	_ =	swait.ge [sflag:s29], $0x1  }
0xb8: {  	[sflag:s29] =	ssyncadd.s32 $0xFFFFFFFF  }
0xb9: {  	_ =	strace $0x90000048  }
0xba: {  	_ =	sfence  }
0xbb: {  	s30 =	sld [smem:$0x0];
	_ =	sdelay $0x2  }
0xbc: {  	s31 =	sshll.u32 s1, $0xD;
	s1 =	sshrl.u32 s1, $0x2  }
0xbd: {  	s3 =	sand.u32 $0x4000, s31;
	s1 =	sadd.s32 s1, s30  }
0xbe: {  	s0 =	sor.u32 s3, s0;
	s1 =	sshll.u32 s1, $0x11  }
0xbf: {  	s0 =	sor.u32 s1, s0  }
0xc0: {  	s0 =	sadd.s32 $0x8F2B, s0  }
0xc1: {  	[sflag:s0] =	ssyncadd.remote.s32 $0x1  }
0xc2: {  	_ =	sfence.sel $0xFFFF  }
0xc3: {  	[dreg:$0x0] =	wrdreg $0xFFFFFFFF;
	(pc) =	sbr.abs _section_cstart, $3  }
0xc4: {  	[dreg:$0x1] =	wrdreg $0xFFFFFFFF  }
0xc5: {  	_ =	task.clear_ibuf [dreg:s9], $0x2FFFF;
	_ =	strace $0x9FFFFFFF  }
0xc6: {  	(tm) =	ssettm $0x7FFFFFFF  }
0xc7: {  	_ =	shalt  }
tec
execute0_lowered:
.L_overlay_start_1:
0x0: {  	(tag) =	ssettag $0x1  }
0x1: {  	s0 =	rddreg [dreg:$0x0]  }
0x2: {  	s2 =	rddreg [dreg:$0x1]  }
0x3: {  	s5 =	rddreg [dreg:$0x2];
	s7 =	srdreg.scid  }
0x4: {  	s6 =	rddreg [dreg:$0x3];
	s9 =	stileid.u32;
	s7 =	sand.u32 $0x1, s7  }
0x5: {  	s1 =	simm.s32 $0x0;
	s9 =	sshll.u32 s9, $0xA;
	s10 =	sshll.u32 s7, $0x9  }
0x6: {  	[smem:$0x7FF] =	sst s1;
	s3 =	sadd.s32 $0x4C00, s6;
	s9 =	sor.u32 s10, s9  }
0x7: {  	s4 =	sadd.s32 $0xC00, s6;
	s8 =	sadd.s32 $0xF47000, s6;
	s12 =	sshrl.u32 s9, $0x3  }
0x8: {  	s11 =	sadd.s32 $0xF87000, s6;
	s6 =	sadd.s32 $0xFC7000, s6;
	s0 =	sadd.s32 s0, s12  }
0x9: {  	_ =	strace $0x80000047;
	s5 =	sadd.s32 s5, s12;
	[smem:$0x7F4] =	sst s0  }
0xa: {  	s24 =	sshll.u32 s9, $0x4;
	s2 =	sadd.s32 s2, s12;
	[smem:$0x7F5] =	sst s5  }
0xb: {  	s7 =	ssub.s32 $0x2, s7;
	s25 =	sadd.s32 s8, s24;
	[smem:$0x7F6] =	sst s2  }
0xc: {  	s23 =	sshrl.u32 s7, $0x1;
	s26 =	sadd.s32 s6, s24;
	[smem:$0x7F7] =	sst s25  }
0xd: {  	s7 =	ssub.s32 s7, s23;
	s28 =	sadd.s32 s11, s24;
	[smem:$0x7F8] =	sst s26  }
0xe: {  	s31 =	smax.u32 s7, $0x1;
	[smem:$0x7F9] =	sst s28;
	s0 =	sor.u32 $0x1000, s24  }
0xf: {  	[smem:$0x7FD] =	sst s31;
	s29 =	sadd.s32 s8, s0  }
0x10: {  	s30 =	sadd.s32 s6, s0;
	[smem:$0x7FA] =	sst s29  }
0x11: {  	s0 =	sadd.s32 s11, s0;
	[smem:$0x7FB] =	sst s30  }
0x12: {  	s2 =	simm.s32 $0x0;
	s6 =	simm.s32 $0x4;
	[smem:$0x7FC] =	sst s0  }
.LBB2_1:
0x13: {  	s0 =	sld [smem:$0x7F4];
	_ =	sdelay $0x1  }
0x14: {  	[smem:$0x7F3] =	sst s2  }
0x15: {  	[tilespmem:s1], [sflag:$0x4] =	stream.linear.gather [hbm4b:s0+s1], $0x200, $0x38;
	[tilespmem:$0x18600] =	vst v63  }
0x16: {  	_ =	swait.ge [sflag:s6], $0x200  }
0x17: {  	s12 =	sld [smem:$0x7F5]  }
0x18: {  	[sflag:s6] =	ssyncset.done $0x0  }
0x19: {  	s11 =	simm.s32 $0x400;
	[sflag:s6] =	ssyncadd.s32 $0xFFFFFE00  }
0x1a: {  	[tilespmem:s11], [sflag:$0x4] =	stream.linear.gather [hbm4b:s12+s1], $0x200, $0x38;
	[tilespmem:$0x18600] =	vst v63  }
0x1b: {  	_ =	swait.ge [sflag:s6], $0x200  }
0x1c: {  	s5 =	sld [smem:$0x7F6]  }
0x1d: {  	[sflag:s6] =	ssyncset.done $0x0  }
0x1e: {  	s13 =	simm.s32 $0x200;
	[sflag:s6] =	ssyncadd.s32 $0xFFFFFE00  }
0x1f: {  	[tilespmem:s13], [sflag:$0x4] =	stream.linear.gather [hbm4b:s5+s1], $0x200, $0x38;
	[tilespmem:$0x18600] =	vst v63  }
0x20: {  	_ =	swait.ge [sflag:s6], $0x200  }
0x21: {  	[sflag:s6] =	ssyncset.done $0x0  }
0x22: {  	[sflag:s6] =	ssyncadd.s32 $0xFFFFFE00  }
0x23: {  	v0 =	vld [tilespmem:s1+$0x0]  }
0x24: {  	v1 =	vld [tilespmem:s11+$0x0]  }
0x25: {  	v3 =	vld [tilespmem:s13+$0x0];
	_ =	sdelay $0x2  }
0x26: {  	v2 =	vshll.u32 v0, $0x4  }
0x27: {  	v1 =	vshll.u32 v1, $0x4;
	(v2sf) =	vpush v2, $0x0  }
0x28: {  	v63 =	vshll.u32 v3, $0x4;
	(v2sf) =	vpush v1, $0x0  }
0x29: {  	(v2sf) =	vpush v63, $0x0;
	_ =	sdelay $0x1  }
0x2a: {  	(v2sf) =	vpush v2, $0x1  }
0x2b: {  	(v2sf) =	vpush v1, $0x1;
	_ =	sdelay $0x1  }
0x2c: {  	(v2sf) =	vpush v63, $0x1;
	_ =	sdelay $0x1  }
0x2d: {  	(v2sf) =	vpush v2, $0x2  }
0x2e: {  	s17 =	simm.s32 $0x2000  }
0x2f: {  	s23 =	simm.s32 $0x0;
	s15 =	simm.s32 $0x410;
	s16 =	simm.s32 $0x210  }
0x30: {  	s7 =	simm.s32 $0x8600;
	s14 =	simm.s32 $0x600;
	s8 =	simm.s32 $0x10600  }
0x31: {  	s2 =	simm.s32 $0xA00;
	s21 =	simm.s32 $0x680;
	s24 =	simm.s32 $0x10680  }
0x32: {  	s28 =	simm.s32 $0x10;
	s0 =	simm.s32 $0xA80;
	s12 =	simm.s32 $0x780  }
0x33: {  	s5 =	simm.s32 $0x980;
	s6 =	simm.s32 $0x10780;
	s9 =	spop (v2sf);
	(v2sf) =	vpush v1, $0x2  }
0x34: {  	s11 =	simm.s32 $0x8680;
	s9 =	sand.u32 $0x1FFFFFF0, s9;
	s10 =	spop (v2sf)  }
0x35: {  	(v2sf) =	vpush v63, $0x2;
	s9 =	sadd.s32 s3, s9;
	s18 =	sand.u32 $0x1FFFFFF0, s10;
	s19 =	spop (v2sf)  }
0x36: {  	(v2sf) =	vpush v2, $0x3;
	[tilespmem:s14], [sflag:$0x1] =	stream.linear.gather [hbm4b:s9+s1], $0x80, $0x38;
	[tilespmem:$0x18600] =	vst v63  }
0x37: {  	s10 =	sand.u32 $0x1FFFFFF0, s19;
	s13 =	spop (v2sf);
	s9 =	sadd.s32 s3, s18  }
0x38: {  	s20 =	sand.u32 $0x1FFFFFF0, s13;
	s10 =	sadd.s32 s4, s10;
	s22 =	spop (v2sf)  }
0x39: {  	(v2sf) =	vpush v1, $0x3;
	[tilespmem:s8], [sflag:$0x3] =	stream.linear.gather [hbm4b:s9+s1], $0x80, $0x38;
	[tilespmem:$0x18600] =	vst v63  }
0x3a: {  	s8 =	simm.s32 $0x8780;
	s9 =	sadd.s32 s3, s20;
	s26 =	spop (v2sf)  }
0x3b: {  	(v2sf) =	vpush v63, $0x3;
	[tilespmem:s7], [sflag:$0x2] =	stream.linear.gather [hbm4b:s10+s1], $0x80, $0x38;
	[tilespmem:$0x18600] =	vst v63  }
0x3c: {  	s25 =	sand.u32 $0x1FFFFFF0, s22;
	s29 =	sand.u32 $0x1FFFFFF0, s26;
	s14 =	spop (v2sf)  }
0x3d: {  	(v2sf) =	vpush v2, $0x4;
	[tilespmem:s21], [sflag:$0x1] =	stream.linear.gather [hbm4b:s9+s1], $0x80, $0x38;
	[tilespmem:$0x18600] =	vst v63  }
0x3e: {  	s26 =	simm.s32 $0x10800;
	s10 =	simm.s32 $0x10880;
	s9 =	sadd.s32 s3, s25  }
0x3f: {  	(v2sf) =	vpush v1, $0x4;
	[tilespmem:s24], [sflag:$0x3] =	stream.linear.gather [hbm4b:s9+s1], $0x80, $0x38;
	[tilespmem:$0x18600] =	vst v63  }
0x40: {  	s30 =	sadd.s32 s4, s29;
	s31 =	sand.u32 $0x1FFFFFF0, s14;
	s14 =	simm.s32 $0x10700  }
0x41: {  	[tilespmem:s11], [sflag:$0x2] =	stream.linear.gather [hbm4b:s30+s1], $0x80, $0x38;
	[tilespmem:$0x18600] =	vst v63  }
0x42: {  	s9 =	sadd.s32 s3, s31;
	s11 =	simm.s32 $0x700;
	s13 =	spop (v2sf)  }
0x43: {  	(v2sf) =	vpush v63, $0x4;
	[tilespmem:s11], [sflag:$0x1] =	stream.linear.gather [hbm4b:s9+s1], $0x80, $0x38;
	[tilespmem:$0x18600] =	vst v63  }
0x44: {  	s21 =	simm.s32 $0x8700;
	s18 =	sand.u32 $0x1FFFFFF0, s13;
	s19 =	spop (v2sf)  }
0x45: {  	(v2sf) =	vpush v2, $0x5;
	s9 =	sadd.s32 s3, s18;
	s11 =	sand.u32 $0x1FFFFFF0, s19;
	s20 =	spop (v2sf)  }
0x46: {  	(v2sf) =	vpush v1, $0x5;
	[tilespmem:s14], [sflag:$0x3] =	stream.linear.gather [hbm4b:s9+s1], $0x80, $0x38;
	[tilespmem:$0x18600] =	vst v63  }
0x47: {  	s31 =	simm.s32 $0x8800;
	s22 =	sadd.s32 s4, s11;
	s24 =	sand.u32 $0x1FFFFFF0, s20  }
0x48: {  	s9 =	simm.s32 $0x8A80;
	s25 =	spop (v2sf);
	s14 =	simm.s32 $0x800  }
0x49: {  	(v2sf) =	vpush v63, $0x5;
	[tilespmem:s21], [sflag:$0x2] =	stream.linear.gather [hbm4b:s22+s1], $0x80, $0x38;
	[tilespmem:$0x18600] =	vst v63  }
0x4a: {  	s11 =	sadd.s32 s3, s24;
	(v2sf) =	vpush v2, $0x6;
	s7 =	sand.u32 $0x1FFFFFF0, s25;
	s29 =	spop (v2sf)  }
0x4b: {  	[tilespmem:s12], [sflag:$0x1] =	stream.linear.gather [hbm4b:s11+s1], $0x80, $0x38;
	[tilespmem:$0x18600] =	vst v63  }
0x4c: {  	s7 =	sadd.s32 s3, s7;
	s30 =	spop (v2sf);
	(v2sf) =	vpush v1, $0x6;
	s12 =	sand.u32 $0x1FFFFFF0, s29  }
0x4d: {  	[tilespmem:s6], [sflag:$0x3] =	stream.linear.gather [hbm4b:s7+s1], $0x80, $0x38;
	[tilespmem:$0x18600] =	vst v63  }
0x4e: {  	s13 =	sand.u32 $0x1FFFFFF0, s30;
	s18 =	spop (v2sf);
	s12 =	sadd.s32 s4, s12  }
0x4f: {  	[tilespmem:s8], [sflag:$0x2] =	stream.linear.gather [hbm4b:s12+s1], $0x80, $0x38;
	[tilespmem:$0x18600] =	vst v63  }
0x50: {  	s24 =	simm.s32 $0x880;
	(v2sf) =	vpush v63, $0x6;
	s12 =	sadd.s32 s3, s13;
	s8 =	sand.u32 $0x1FFFFFF0, s18  }
0x51: {  	[tilespmem:s14], [sflag:$0x1] =	stream.linear.gather [hbm4b:s12+s1], $0x80, $0x38;
	[tilespmem:$0x18600] =	vst v63  }
0x52: {  	s11 =	simm.s32 $0x10900;
	s8 =	sadd.s32 s3, s8;
	s19 =	spop (v2sf)  }
0x53: {  	[tilespmem:s26], [sflag:$0x3] =	stream.linear.gather [hbm4b:s8+s1], $0x80, $0x38;
	[tilespmem:$0x18600] =	vst v63  }
0x54: {  	(v2sf) =	vpush v2, $0x7;
	s7 =	simm.s32 $0xB00;
	s12 =	sand.u32 $0x1FFFFFF0, s19;
	s20 =	spop (v2sf)  }
0x55: {  	s8 =	simm.s32 $0x10B00;
	s21 =	sadd.s32 s4, s12;
	s25 =	spop (v2sf)  }
0x56: {  	(v2sf) =	vpush v1, $0x7;
	[tilespmem:s31], [sflag:$0x2] =	stream.linear.gather [hbm4b:s21+s1], $0x80, $0x38;
	[tilespmem:$0x18600] =	vst v63  }
0x57: {  	(v2sf) =	vpush v63, $0x7;
	s19 =	simm.s32 $0x900;
	s22 =	sand.u32 $0x1FFFFFF0, s20;
	s29 =	sand.u32 $0x1FFFFFF0, s25  }
0x58: {  	s26 =	sadd.s32 s3, s22;
	s30 =	spop (v2sf);
	s6 =	sadd.s32 s3, s29  }
0x59: {  	(v2sf) =	vpush v2, $0x8;
	s12 =	sand.u32 $0x1FFFFFF0, s30;
	s31 =	spop (v2sf);
	s29 =	simm.s32 $0x10A00  }
0x5a: {  	[tilespmem:s24], [sflag:$0x1] =	stream.linear.gather [hbm4b:s26+s1], $0x80, $0x38;
	[tilespmem:$0x18600] =	vst v63  }
0x5b: {  	(v2sf) =	vpush v1, $0x8;
	s14 =	sadd.s32 s4, s12;
	s18 =	sand.u32 $0x1FFFFFF0, s31;
	s20 =	spop (v2sf)  }
0x5c: {  	(v2sf) =	vpush v63, $0x8;
	[tilespmem:s10], [sflag:$0x3] =	stream.linear.gather [hbm4b:s6+s1], $0x80, $0x38;
	[tilespmem:$0x18600] =	vst v63  }
0x5d: {  	s24 =	simm.s32 $0x8900;
	s31 =	simm.s32 $0x10980;
	s10 =	simm.s32 $0x8880  }
0x5e: {  	(v2sf) =	vpush v2, $0x9;
	[tilespmem:s10], [sflag:$0x2] =	stream.linear.gather [hbm4b:s14+s1], $0x80, $0x38;
	[tilespmem:$0x18600] =	vst v63  }
0x5f: {  	s12 =	sadd.s32 s3, s18;
	s21 =	spop (v2sf);
	s10 =	sand.u32 $0x1FFFFFF0, s20  }
0x60: {  	[tilespmem:s19], [sflag:$0x1] =	stream.linear.gather [hbm4b:s12+s1], $0x80, $0x38;
	[tilespmem:$0x18600] =	vst v63  }
0x61: {  	s18 =	simm.s32 $0x8980;
	s10 =	sadd.s32 s3, s10;
	s12 =	sand.u32 $0x1FFFFFF0, s21  }
0x62: {  	(v2sf) =	vpush v1, $0x9;
	[tilespmem:s11], [sflag:$0x3] =	stream.linear.gather [hbm4b:s10+s1], $0x80, $0x38;
	[tilespmem:$0x18600] =	vst v63  }
0x63: {  	s6 =	simm.s32 $0x10A80;
	s22 =	spop (v2sf);
	s25 =	sadd.s32 s4, s12  }
0x64: {  	[tilespmem:s24], [sflag:$0x2] =	stream.linear.gather [hbm4b:s25+s1], $0x80, $0x38;
	[tilespmem:$0x18600] =	vst v63  }
0x65: {  	s26 =	sand.u32 $0x1FFFFFF0, s22;
	s21 =	simm.s32 $0x8A00;
	s30 =	spop (v2sf)  }
0x66: {  	s12 =	sadd.s32 s3, s26;
	(v2sf) =	vpush v63, $0x9;
	s11 =	sand.u32 $0x1FFFFFF0, s30;
	s13 =	spop (v2sf)  }
0x67: {  	(v2sf) =	vpush v2, $0xA;
	[tilespmem:s5], [sflag:$0x1] =	stream.linear.gather [hbm4b:s12+s1], $0x80, $0x38;
	[tilespmem:$0x18600] =	vst v63  }
0x68: {  	s11 =	sadd.s32 s3, s11;
	s12 =	sand.u32 $0x1FFFFFF0, s13;
	s14 =	spop (v2sf)  }
0x69: {  	(v2sf) =	vpush v1, $0xA;
	[tilespmem:s31], [sflag:$0x3] =	stream.linear.gather [hbm4b:s11+s1], $0x80, $0x38;
	[tilespmem:$0x18600] =	vst v63  }
0x6a: {  	s13 =	simm.s32 $0x10D80;
	s19 =	sadd.s32 s4, s12;
	s22 =	spop (v2sf)  }
0x6b: {  	s20 =	sand.u32 $0x1FFFFFF0, s14;
	(v2sf) =	vpush v63, $0xA;
	s14 =	simm.s32 $0xC80;
	s25 =	spop (v2sf)  }
0x6c: {  	(v2sf) =	vpush v2, $0xB;
	[tilespmem:s18], [sflag:$0x2] =	stream.linear.gather [hbm4b:s19+s1], $0x80, $0x38;
	[tilespmem:$0x18600] =	vst v63  }
0x6d: {  	s12 =	sadd.s32 s3, s20;
	s24 =	sand.u32 $0x1FFFFFF0, s22;
	s26 =	spop (v2sf)  }
0x6e: {  	(v2sf) =	vpush v1, $0xB;
	[tilespmem:s2], [sflag:$0x1] =	stream.linear.gather [hbm4b:s12+s1], $0x80, $0x38;
	[tilespmem:$0x18600] =	vst v63  }
0x6f: {  	s11 =	sand.u32 $0x1FFFFFF0, s25;
	(v2sf) =	vpush v63, $0xB;
	s30 =	sand.u32 $0x1FFFFFF0, s26;
	s2 =	sadd.s32 s3, s24  }
0x70: {  	[tilespmem:s29], [sflag:$0x3] =	stream.linear.gather [hbm4b:s2+s1], $0x80, $0x38;
	[tilespmem:$0x18600] =	vst v63  }
0x71: {  	s31 =	spop (v2sf);
	(v2sf) =	vpush v2, $0xC;
	s26 =	simm.s32 $0x8B00;
	s29 =	sadd.s32 s4, s11  }
0x72: {  	[tilespmem:s21], [sflag:$0x2] =	stream.linear.gather [hbm4b:s29+s1], $0x80, $0x38;
	[tilespmem:$0x18600] =	vst v63  }
0x73: {  	s11 =	sadd.s32 s3, s30;
	s2 =	sand.u32 $0x1FFFFFF0, s31;
	s30 =	simm.s32 $0xB80  }
0x74: {  	[tilespmem:s0], [sflag:$0x1] =	stream.linear.gather [hbm4b:s11+s1], $0x80, $0x38;
	[tilespmem:$0x18600] =	vst v63  }
0x75: {  	s2 =	sadd.s32 s3, s2;
	s21 =	simm.s32 $0x8B80;
	s12 =	spop (v2sf)  }
0x76: {  	s0 =	simm.s32 $0x10C00;
	s5 =	sand.u32 $0x1FFFFFF0, s12;
	s18 =	spop (v2sf)  }
0x77: {  	(v2sf) =	vpush v1, $0xC;
	[tilespmem:s6], [sflag:$0x3] =	stream.linear.gather [hbm4b:s2+s1], $0x80, $0x38;
	[tilespmem:$0x18600] =	vst v63  }
0x78: {  	s19 =	sadd.s32 s4, s5;
	s20 =	sand.u32 $0x1FFFFFF0, s18;
	s22 =	spop (v2sf)  }
0x79: {  	(v2sf) =	vpush v63, $0xC;
	[tilespmem:s9], [sflag:$0x2] =	stream.linear.gather [hbm4b:s19+s1], $0x80, $0x38;
	[tilespmem:$0x18600] =	vst v63  }
0x7a: {  	s11 =	simm.s32 $0x8D00;
	s5 =	sadd.s32 s3, s20;
	s24 =	spop (v2sf)  }
0x7b: {  	s6 =	sand.u32 $0x1FFFFFF0, s22;
	s9 =	simm.s32 $0x10B80;
	s25 =	spop (v2sf)  }
0x7c: {  	[tilespmem:s7], [sflag:$0x1] =	stream.linear.gather [hbm4b:s5+s1], $0x80, $0x38;
	[tilespmem:$0x18600] =	vst v63  }
0x7d: {  	(v2sf) =	vpush v2, $0xD;
	s6 =	sadd.s32 s3, s6;
	s5 =	simm.s32 $0xC00;
	s31 =	spop (v2sf)  }
0x7e: {  	s7 =	sand.u32 $0x1FFFFFF0, s24;
	s29 =	sand.u32 $0x1FFFFFF0, s25;
	s10 =	spop (v2sf)  }
0x7f: {  	(v2sf) =	vpush v1, $0xD;
	[tilespmem:s8], [sflag:$0x3] =	stream.linear.gather [hbm4b:s6+s1], $0x80, $0x38;
	[tilespmem:$0x18600] =	vst v63  }
0x80: {  	s24 =	simm.s32 $0xD80;
	s7 =	sadd.s32 s4, s7;
	s12 =	spop (v2sf)  }
0x81: {  	[tilespmem:s26], [sflag:$0x2] =	stream.linear.gather [hbm4b:s7+s1], $0x80, $0x38;
	[tilespmem:$0x18600] =	vst v63  }
0x82: {  	s8 =	sadd.s32 s3, s29;
	s19 =	sand.u32 $0x1FFFFFF0, s12;
	s7 =	sand.u32 $0x1FFFFFF0, s31  }
0x83: {  	[tilespmem:s30], [sflag:$0x1] =	stream.linear.gather [hbm4b:s8+s1], $0x80, $0x38;
	[tilespmem:$0x18600] =	vst v63  }
0x84: {  	s7 =	sadd.s32 s3, s7;
	s8 =	sand.u32 $0x1FFFFFF0, s10;
	s30 =	simm.s32 $0x8C00  }
0x85: {  	[tilespmem:s9], [sflag:$0x3] =	stream.linear.gather [hbm4b:s7+s1], $0x80, $0x38;
	[tilespmem:$0x18600] =	vst v63  }
0x86: {  	s10 =	simm.s32 $0xD00;
	s18 =	sadd.s32 s4, s8;
	s20 =	spop (v2sf)  }
0x87: {  	[tilespmem:s21], [sflag:$0x2] =	stream.linear.gather [hbm4b:s18+s1], $0x80, $0x38;
	[tilespmem:$0x18600] =	vst v63  }
0x88: {  	(v2sf) =	vpush v63, $0xD;
	s21 =	sadd.s32 s3, s19;
	s22 =	sand.u32 $0x1FFFFFF0, s20;
	s25 =	spop (v2sf)  }
0x89: {  	(v2sf) =	vpush v2, $0xE;
	[tilespmem:s5], [sflag:$0x1] =	stream.linear.gather [hbm4b:s21+s1], $0x80, $0x38;
	[tilespmem:$0x18600] =	vst v63  }
0x8a: {  	s9 =	simm.s32 $0x10D00;
	(v2sf) =	vpush v1, $0xE;
	s26 =	sadd.s32 s3, s22;
	s29 =	sand.u32 $0x1FFFFFF0, s25  }
0x8b: {  	(v2sf) =	vpush v63, $0xE;
	[tilespmem:s0], [sflag:$0x3] =	stream.linear.gather [hbm4b:s26+s1], $0x80, $0x38;
	[tilespmem:$0x18600] =	vst v63  }
0x8c: {  	s20 =	simm.s32 $0x8C80;
	s5 =	sadd.s32 s4, s29;
	(v2sf) =	vpush v2, $0xF;
	s31 =	spop (v2sf)  }
0x8d: {  	(v2sf) =	vpush v1, $0xF;
	[tilespmem:s30], [sflag:$0x2] =	stream.linear.gather [hbm4b:s5+s1], $0x80, $0x38;
	[tilespmem:$0x18600] =	vst v63  }
0x8e: {  	s21 =	simm.s32 $0x10C80;
	s0 =	sand.u32 $0x1FFFFFF0, s31;
	(v2sf) =	vpush v63, $0xF;
	s5 =	spop (v2sf)  }
.LBB2_2:
0x8f: {  	_ =	sdelay $0x3  }
0x90: {  	s0 =	sadd.s32 s3, s0;
	s5 =	sand.u32 $0x1FFFFFF0, s5  }
0x91: {  	[tilespmem:s14], [sflag:$0x1] =	stream.linear.gather [hbm4b:s0+s1], $0x80, $0x38;
	[tilespmem:$0x18600] =	vst v63  }
0x92: {  	s18 =	sadd.s32 s3, s5  }
0x93: {  	[tilespmem:s21], [sflag:$0x3] =	stream.linear.gather [hbm4b:s18+s1], $0x80, $0x38;
	[tilespmem:$0x18600] =	vst v63  }
0x94: {  	s6 =	spop (v2sf)  }
0x95: {  	s19 =	sand.u32 $0x1FFFFFF0, s6;
	s22 =	spop (v2sf)  }
0x96: {  	s25 =	sadd.s32 s4, s19;
	s26 =	sand.u32 $0x1FFFFFF0, s22;
	s29 =	spop (v2sf)  }
0x97: {  	[tilespmem:s20], [sflag:$0x2] =	stream.linear.gather [hbm4b:s25+s1], $0x80, $0x38;
	[tilespmem:$0x18600] =	vst v63  }
0x98: {  	s30 =	sadd.s32 s3, s26;
	s31 =	sand.u32 $0x1FFFFFF0, s29;
	s2 =	spop (v2sf)  }
0x99: {  	[tilespmem:s10], [sflag:$0x1] =	stream.linear.gather [hbm4b:s30+s1], $0x80, $0x38;
	[tilespmem:$0x18600] =	vst v63  }
0x9a: {  	s7 =	sadd.s32 s3, s31;
	s12 =	spop (v2sf);
	s10 =	sand.u32 $0x1FFFFFF0, s2  }
0x9b: {  	[tilespmem:s9], [sflag:$0x3] =	stream.linear.gather [hbm4b:s7+s1], $0x80, $0x38;
	[tilespmem:$0x18600] =	vst v63  }
0x9c: {  	s2 =	sand.u32 $0x1FFFFFF0, s12;
	s14 =	sadd.s32 s4, s10  }
0x9d: {  	[tilespmem:s11], [sflag:$0x2] =	stream.linear.gather [hbm4b:s14+s1], $0x80, $0x38;
	[tilespmem:$0x18600] =	vst v63  }
0x9e: {  	s8 =	smov.u32 s17;
	s18 =	spop (v2sf);
	s19 =	sadd.s32 s3, s2  }
0x9f: {  	[tilespmem:s24], [sflag:$0x1] =	stream.linear.gather [hbm4b:s19+s1], $0x80, $0x38;
	[tilespmem:$0x18600] =	vst v63  }
0xa0: {  	s20 =	sand.u32 $0x1FFFFFF0, s18;
	s24 =	sadd.s32 $0x8D80, s23;
	s23 =	sshra.s32 s8, $0x2  }
0xa1: {  	s22 =	sadd.s32 s3, s20;
	s26 =	sadd.s32 $0x10780, s23  }
0xa2: {  	[tilespmem:s13], [sflag:$0x3] =	stream.linear.gather [hbm4b:s22+s1], $0x80, $0x38;
	[tilespmem:$0x18600] =	vst v63  }
0xa3: {  	s21 =	spop (v2sf);
	s29 =	sadd.s32 $0x980, s23;
	[smem:$0x7E6] =	sst s26  }
0xa4: {  	s5 =	sand.u32 $0x1FFFFFF0, s21;
	s30 =	sadd.s32 $0xA00, s23;
	[dreg:$0x1e] =	wrdreg s29  }
0xa5: {  	s25 =	sadd.s32 s4, s5;
	s31 =	sadd.s32 $0xA80, s23;
	[dreg:$0x1a] =	wrdreg s30  }
0xa6: {  	[tilespmem:s24], [sflag:$0x2] =	stream.linear.gather [hbm4b:s25+s1], $0x80, $0x38;
	[tilespmem:$0x18600] =	vst v63  }
0xa7: {  	s2 =	sadd.s32 $0x10880, s23;
	[dreg:$0x14] =	wrdreg s31;
	v0 =	vld [tilespmem:s28+$0x0]  }
0xa8: {  	p0 =	sne.s32 s17, $0x1E000;
	s7 =	sadd.s32 $0x8A80, s23;
	[smem:$0x7EA] =	sst s2;
	v1 =	vld [tilespmem:s15+$0x0]  }
0xa9: {  	s17 =	sadd.s32 $0x2000, s17;
	s9 =	sadd.s32 $0x10800, s23;
	[dreg:$0x10] =	wrdreg s7;
	v3 =	vld [tilespmem:s16+$0x0]  }
0xaa: {  	s5 =	sadd.s32 $0x8600, s23;
	s10 =	sadd.s32 $0x8800, s23;
	[smem:$0x7E7] =	sst s9  }
0xab: {  	s21 =	sadd.s32 $0x600, s23;
	s12 =	sadd.s32 $0xB00, s23;
	[smem:$0x7E8] =	sst s10  }
0xac: {  	s6 =	sadd.s32 $0x10600, s23;
	s14 =	sadd.s32 $0x10B00, s23;
	[dreg:$0xe] =	wrdreg s12;
	v2 =	vshll.u32 v0, $0x4  }
0xad: {  	s8 =	sadd.s32 $0x8680, s23;
	s19 =	sadd.s32 $0x10A80, s23;
	[dreg:$0xa] =	wrdreg s14;
	v1 =	vshll.u32 v1, $0x4;
	(v2sf) =	vpush v2, $0x0  }
0xae: {  	s11 =	sadd.s32 $0x8780, s23;
	s20 =	sadd.s32 $0x10A00, s23;
	[dreg:$0x18] =	wrdreg s19;
	v63 =	vshll.u32 v3, $0x4;
	(v2sf) =	vpush v1, $0x0  }
0xaf: {  	s18 =	sadd.s32 $0x800, s23;
	s13 =	sadd.s32 $0x10900, s23;
	[smem:$0x7F1] =	sst s20;
	(v2sf) =	vpush v63, $0x0  }
0xb0: {  	s0 =	sadd.s32 $0x680, s23;
	s26 =	sadd.s32 $0x10980, s23;
	[smem:$0x7ED] =	sst s13  }
0xb1: {  	s22 =	sadd.s32 $0x780, s23;
	s31 =	sadd.s32 $0x8980, s23;
	[smem:$0x7EF] =	sst s26;
	(v2sf) =	vpush v2, $0x1  }
0xb2: {  	s29 =	sadd.s32 $0x700, s23;
	s7 =	sadd.s32 $0x8880, s23;
	[smem:$0x7F0] =	sst s31  }
0xb3: {  	s30 =	sadd.s32 $0x10700, s23;
	s9 =	sadd.s32 $0x8900, s23;
	[smem:$0x7EB] =	sst s7  }
0xb4: {  	s14 =	sadd.s32 $0xC80, s23;
	s10 =	sadd.s32 $0x10C00, s23;
	[smem:$0x7EE] =	sst s9;
	(v2sf) =	vpush v1, $0x1  }
0xb5: {  	s12 =	sadd.s32 $0x8D00, s23;
	s19 =	sadd.s32 $0x8B80, s23;
	[dreg:$0x5] =	wrdreg s10  }
0xb6: {  	s20 =	sadd.s32 $0xC00, s23;
	s31 =	sadd.s32 $0x8700, s23;
	[smem:$0x7EC] =	sst s12;
	(v2sf) =	vpush v63, $0x1  }
0xb7: {  	s13 =	sadd.s32 $0x10D80, s23;
	s7 =	sadd.s32 $0x10680, s23;
	[dreg:$0xc] =	wrdreg s19  }
0xb8: {  	[dreg:$0x8] =	wrdreg s20;
	s26 =	sadd.s32 $0x10B80, s23;
	s9 =	sadd.s32 $0x10D00, s23;
	(v2sf) =	vpush v2, $0x2  }
0xb9: {  	s12 =	sadd.s32 $0x900, s23;
	s10 =	sadd.s32 $0xD00, s23;
	s20 =	sadd.s32 $0x8C80, s23  }
0xba: {  	s24 =	sadd.s32 $0x8A00, s23;
	s25 =	sadd.s32 $0x880, s23;
	[dreg:$0x12] =	wrdreg s26;
	(v2sf) =	vpush v1, $0x2  }
0xbb: {  	s15 =	sadd.s32 $0x10, s15;
	s16 =	sadd.s32 $0x10, s16;
	[dreg:$0x1c] =	wrdreg s24  }
0xbc: {  	[smem:$0x7E9] =	sst s25;
	s25 =	sadd.s32 $0xB80, s23;
	s2 =	spop (v2sf);
	(v2sf) =	vpush v63, $0x2  }
0xbd: {  	[dreg:$0x16] =	wrdreg s25;
	s25 =	sand.u32 $0x1FFFFFF0, s2;
	s26 =	spop (v2sf)  }
0xbe: {  	s28 =	sadd.s32 $0x10, s28;
	s25 =	sadd.s32 s3, s25;
	s19 =	spop (v2sf);
	(v2sf) =	vpush v2, $0x3  }
0xbf: {  	[tilespmem:s21], [sflag:$0x1] =	stream.linear.gather [hbm4b:s25+s1], $0x80, $0x38;
	[tilespmem:$0x18600] =	vst v63  }
0xc0: {  	s26 =	sand.u32 $0x1FFFFFF0, s26;
	s2 =	sand.u32 $0x1FFFFFF0, s19;
	s19 =	spop (v2sf)  }
0xc1: {  	s26 =	sadd.s32 s3, s26;
	s25 =	sand.u32 $0x1FFFFFF0, s19;
	s19 =	sadd.s32 $0x8B00, s23  }
0xc2: {  	(v2sf) =	vpush v1, $0x3;
	[tilespmem:s6], [sflag:$0x3] =	stream.linear.gather [hbm4b:s26+s1], $0x80, $0x38;
	[tilespmem:$0x18600] =	vst v63  }
0xc3: {  	(v2sf) =	vpush v63, $0x3;
	s2 =	sadd.s32 s4, s2;
	[smem:$0x7F2] =	sst s19;
	s19 =	spop (v2sf)  }
0xc4: {  	(v2sf) =	vpush v2, $0x4;
	[tilespmem:s5], [sflag:$0x2] =	stream.linear.gather [hbm4b:s2+s1], $0x80, $0x38;
	[tilespmem:$0x18600] =	vst v63  }
0xc5: {  	s19 =	sand.u32 $0x1FFFFFF0, s19;
	s5 =	sadd.s32 s3, s25;
	s25 =	spop (v2sf)  }
0xc6: {  	(v2sf) =	vpush v1, $0x4;
	[tilespmem:s0], [sflag:$0x1] =	stream.linear.gather [hbm4b:s5+s1], $0x80, $0x38;
	[tilespmem:$0x18600] =	vst v63  }
0xc7: {  	s2 =	sadd.s32 s3, s19;
	s6 =	spop (v2sf);
	s5 =	sand.u32 $0x1FFFFFF0, s25  }
0xc8: {  	(v2sf) =	vpush v63, $0x4;
	[tilespmem:s7], [sflag:$0x3] =	stream.linear.gather [hbm4b:s2+s1], $0x80, $0x38;
	[tilespmem:$0x18600] =	vst v63  }
0xc9: {  	s19 =	sand.u32 $0x1FFFFFF0, s6;
	s25 =	spop (v2sf);
	s7 =	sadd.s32 s4, s5  }
0xca: {  	[tilespmem:s8], [sflag:$0x2] =	stream.linear.gather [hbm4b:s7+s1], $0x80, $0x38;
	[tilespmem:$0x18600] =	vst v63  }
0xcb: {  	s6 =	sadd.s32 s3, s19;
	s7 =	sand.u32 $0x1FFFFFF0, s25;
	s8 =	spop (v2sf)  }
0xcc: {  	(v2sf) =	vpush v2, $0x5;
	[tilespmem:s29], [sflag:$0x1] =	stream.linear.gather [hbm4b:s6+s1], $0x80, $0x38;
	[tilespmem:$0x18600] =	vst v63  }
0xcd: {  	s19 =	sadd.s32 s3, s7;
	s25 =	sand.u32 $0x1FFFFFF0, s8;
	s29 =	spop (v2sf)  }
0xce: {  	(v2sf) =	vpush v1, $0x5;
	[tilespmem:s30], [sflag:$0x3] =	stream.linear.gather [hbm4b:s19+s1], $0x80, $0x38;
	[tilespmem:$0x18600] =	vst v63  }
0xcf: {  	s24 =	sadd.s32 $0xD80, s23;
	s2 =	sadd.s32 s4, s25;
	s5 =	sand.u32 $0x1FFFFFF0, s29  }
0xd0: {  	[tilespmem:s31], [sflag:$0x2] =	stream.linear.gather [hbm4b:s2+s1], $0x80, $0x38;
	[tilespmem:$0x18600] =	vst v63  }
0xd1: {  	s21 =	sadd.s32 $0x10C80, s23;
	(v2sf) =	vpush v63, $0x5;
	s6 =	spop (v2sf);
	s7 =	sadd.s32 s3, s5  }
0xd2: {  	s8 =	sand.u32 $0x1FFFFFF0, s6;
	s19 =	spop (v2sf);
	s31 =	sld [smem:$0x7E6]  }
0xd3: {  	(v2sf) =	vpush v2, $0x6;
	s25 =	sadd.s32 s3, s8;
	s29 =	sand.u32 $0x1FFFFFF0, s19;
	s30 =	spop (v2sf)  }
0xd4: {  	(v2sf) =	vpush v1, $0x6;
	[tilespmem:s22], [sflag:$0x1] =	stream.linear.gather [hbm4b:s7+s1], $0x80, $0x38;
	[tilespmem:$0x18600] =	vst v63  }
0xd5: {  	s6 =	sadd.s32 s4, s29;
	s7 =	sand.u32 $0x1FFFFFF0, s30;
	s8 =	spop (v2sf)  }
0xd6: {  	[tilespmem:s31], [sflag:$0x3] =	stream.linear.gather [hbm4b:s25+s1], $0x80, $0x38;
	[tilespmem:$0x18600] =	vst v63  }
0xd7: {  	(v2sf) =	vpush v63, $0x6;
	s19 =	sand.u32 $0x1FFFFFF0, s8;
	s22 =	spop (v2sf);
	s31 =	sld [smem:$0x7E7]  }
0xd8: {  	[tilespmem:s11], [sflag:$0x2] =	stream.linear.gather [hbm4b:s6+s1], $0x80, $0x38;
	[tilespmem:$0x18600] =	vst v63  }
0xd9: {  	(v2sf) =	vpush v2, $0x7;
	s8 =	sld [smem:$0x7E8];
	s25 =	sadd.s32 s3, s19;
	s11 =	sadd.s32 s3, s7  }
0xda: {  	[tilespmem:s18], [sflag:$0x1] =	stream.linear.gather [hbm4b:s11+s1], $0x80, $0x38;
	[tilespmem:$0x18600] =	vst v63  }
0xdb: {  	(v2sf) =	vpush v1, $0x7;
	s29 =	sand.u32 $0x1FFFFFF0, s22;
	s30 =	spop (v2sf);
	s22 =	sld [smem:$0x7E9]  }
0xdc: {  	[tilespmem:s31], [sflag:$0x3] =	stream.linear.gather [hbm4b:s25+s1], $0x80, $0x38;
	[tilespmem:$0x18600] =	vst v63  }
0xdd: {  	(v2sf) =	vpush v63, $0x7;
	s2 =	sadd.s32 s4, s29;
	s5 =	sand.u32 $0x1FFFFFF0, s30;
	s7 =	spop (v2sf)  }
0xde: {  	[tilespmem:s8], [sflag:$0x2] =	stream.linear.gather [hbm4b:s2+s1], $0x80, $0x38;
	[tilespmem:$0x18600] =	vst v63  }
0xdf: {  	s26 =	sadd.s32 $0x8C00, s23;
	s11 =	sadd.s32 s3, s5;
	s18 =	sand.u32 $0x1FFFFFF0, s7  }
0xe0: {  	s31 =	sld [smem:$0x7EA];
	s19 =	spop (v2sf);
	s25 =	sadd.s32 s3, s18  }
0xe1: {  	(v2sf) =	vpush v2, $0x8;
	[tilespmem:s22], [sflag:$0x1] =	stream.linear.gather [hbm4b:s11+s1], $0x80, $0x38;
	[tilespmem:$0x18600] =	vst v63  }
0xe2: {  	s29 =	sand.u32 $0x1FFFFFF0, s19;
	s30 =	spop (v2sf);
	s11 =	sld [smem:$0x7EB]  }
0xe3: {  	(v2sf) =	vpush v1, $0x8;
	s6 =	sadd.s32 s4, s29;
	s7 =	sand.u32 $0x1FFFFFF0, s30;
	s8 =	spop (v2sf)  }
0xe4: {  	[tilespmem:s31], [sflag:$0x3] =	stream.linear.gather [hbm4b:s25+s1], $0x80, $0x38;
	[tilespmem:$0x18600] =	vst v63  }
0xe5: {  	s18 =	sadd.s32 s3, s7;
	s19 =	sand.u32 $0x1FFFFFF0, s8;
	s31 =	sld [smem:$0x7ED]  }
0xe6: {  	(v2sf) =	vpush v63, $0x8;
	s22 =	spop (v2sf);
	s8 =	sld [smem:$0x7EE];
	s25 =	sadd.s32 s3, s19  }
0xe7: {  	(v2sf) =	vpush v2, $0x9;
	[tilespmem:s11], [sflag:$0x2] =	stream.linear.gather [hbm4b:s6+s1], $0x80, $0x38;
	[tilespmem:$0x18600] =	vst v63  }
0xe8: {  	(v2sf) =	vpush v1, $0x9;
	s29 =	sand.u32 $0x1FFFFFF0, s22;
	s22 =	rddreg [dreg:$0x1e];
	s30 =	spop (v2sf)  }
0xe9: {  	[tilespmem:s12], [sflag:$0x1] =	stream.linear.gather [hbm4b:s18+s1], $0x80, $0x38;
	[tilespmem:$0x18600] =	vst v63  }
0xea: {  	s11 =	sld [smem:$0x7EC];
	(v2sf) =	vpush v63, $0x9;
	s5 =	sand.u32 $0x1FFFFFF0, s30;
	s7 =	spop (v2sf)  }
0xeb: {  	[tilespmem:s31], [sflag:$0x3] =	stream.linear.gather [hbm4b:s25+s1], $0x80, $0x38;
	[tilespmem:$0x18600] =	vst v63  }
0xec: {  	s2 =	sadd.s32 s4, s29;
	(v2sf) =	vpush v2, $0xA;
	s12 =	sadd.s32 s3, s5;
	s19 =	spop (v2sf)  }
0xed: {  	[tilespmem:s8], [sflag:$0x2] =	stream.linear.gather [hbm4b:s2+s1], $0x80, $0x38;
	[tilespmem:$0x18600] =	vst v63  }
0xee: {  	s18 =	sand.u32 $0x1FFFFFF0, s7;
	s29 =	sand.u32 $0x1FFFFFF0, s19;
	s31 =	sld [smem:$0x7EF]  }
0xef: {  	(v2sf) =	vpush v1, $0xA;
	[tilespmem:s22], [sflag:$0x1] =	stream.linear.gather [hbm4b:s12+s1], $0x80, $0x38;
	[tilespmem:$0x18600] =	vst v63  }
0xf0: {  	s25 =	sadd.s32 s3, s18;
	s8 =	sld [smem:$0x7F0];
	s30 =	spop (v2sf)  }
0xf1: {  	[tilespmem:s31], [sflag:$0x3] =	stream.linear.gather [hbm4b:s25+s1], $0x80, $0x38;
	[tilespmem:$0x18600] =	vst v63  }
0xf2: {  	s2 =	sadd.s32 s4, s29;
	s5 =	sand.u32 $0x1FFFFFF0, s30;
	s7 =	spop (v2sf)  }
0xf3: {  	(v2sf) =	vpush v63, $0xA;
	s22 =	rddreg [dreg:$0x1a];
	s12 =	sadd.s32 s3, s5;
	s18 =	sand.u32 $0x1FFFFFF0, s7  }
0xf4: {  	[tilespmem:s8], [sflag:$0x2] =	stream.linear.gather [hbm4b:s2+s1], $0x80, $0x38;
	[tilespmem:$0x18600] =	vst v63  }
0xf5: {  	(v2sf) =	vpush v2, $0xB;
	s31 =	sld [smem:$0x7F1];
	s19 =	spop (v2sf);
	s25 =	sadd.s32 s3, s18  }
0xf6: {  	s29 =	sand.u32 $0x1FFFFFF0, s19;
	s30 =	spop (v2sf);
	s8 =	rddreg [dreg:$0x1c]  }
0xf7: {  	(v2sf) =	vpush v1, $0xB;
	s2 =	sadd.s32 s4, s29;
	s5 =	sand.u32 $0x1FFFFFF0, s30;
	s7 =	spop (v2sf)  }
0xf8: {  	[tilespmem:s22], [sflag:$0x1] =	stream.linear.gather [hbm4b:s12+s1], $0x80, $0x38;
	[tilespmem:$0x18600] =	vst v63  }
0xf9: {  	(v2sf) =	vpush v63, $0xB;
	s12 =	sadd.s32 s3, s5;
	s18 =	sand.u32 $0x1FFFFFF0, s7;
	s19 =	spop (v2sf)  }
0xfa: {  	[tilespmem:s31], [sflag:$0x3] =	stream.linear.gather [hbm4b:s25+s1], $0x80, $0x38;
	[tilespmem:$0x18600] =	vst v63  }
0xfb: {  	(v2sf) =	vpush v2, $0xC;
	s22 =	rddreg [dreg:$0x14];
	s25 =	sadd.s32 s3, s18;
	s30 =	spop (v2sf)  }
0xfc: {  	s29 =	sand.u32 $0x1FFFFFF0, s19;
	s31 =	rddreg [dreg:$0x18];
	s5 =	sand.u32 $0x1FFFFFF0, s30  }
0xfd: {  	[tilespmem:s8], [sflag:$0x2] =	stream.linear.gather [hbm4b:s2+s1], $0x80, $0x38;
	[tilespmem:$0x18600] =	vst v63  }
0xfe: {  	s7 =	spop (v2sf);
	s2 =	sadd.s32 s4, s29;
	s8 =	rddreg [dreg:$0x10]  }
0xff: {  	(v2sf) =	vpush v1, $0xC;
	[tilespmem:s22], [sflag:$0x1] =	stream.linear.gather [hbm4b:s12+s1], $0x80, $0x38;
	[tilespmem:$0x18600] =	vst v63  }
0x100: {  	s18 =	sand.u32 $0x1FFFFFF0, s7;
	s12 =	sadd.s32 s3, s5;
	s22 =	rddreg [dreg:$0xe]  }
0x101: {  	(v2sf) =	vpush v63, $0xC;
	[tilespmem:s31], [sflag:$0x3] =	stream.linear.gather [hbm4b:s25+s1], $0x80, $0x38;
	[tilespmem:$0x18600] =	vst v63  }
0x102: {  	s25 =	sadd.s32 s3, s18;
	s31 =	rddreg [dreg:$0xa];
	s19 =	spop (v2sf)  }
0x103: {  	[tilespmem:s8], [sflag:$0x2] =	stream.linear.gather [hbm4b:s2+s1], $0x80, $0x38;
	[tilespmem:$0x18600] =	vst v63  }
0x104: {  	(v2sf) =	vpush v2, $0xD;
	s29 =	sand.u32 $0x1FFFFFF0, s19;
	s8 =	sld [smem:$0x7F2];
	s30 =	spop (v2sf)  }
0x105: {  	[tilespmem:s22], [sflag:$0x1] =	stream.linear.gather [hbm4b:s12+s1], $0x80, $0x38;
	[tilespmem:$0x18600] =	vst v63  }
0x106: {  	(v2sf) =	vpush v1, $0xD;
	s2 =	sadd.s32 s4, s29;
	s5 =	sand.u32 $0x1FFFFFF0, s30;
	s7 =	spop (v2sf)  }
0x107: {  	[tilespmem:s31], [sflag:$0x3] =	stream.linear.gather [hbm4b:s25+s1], $0x80, $0x38;
	[tilespmem:$0x18600] =	vst v63  }
0x108: {  	s22 =	rddreg [dreg:$0x16];
	s18 =	sand.u32 $0x1FFFFFF0, s7;
	s19 =	spop (v2sf)  }
0x109: {  	[tilespmem:s8], [sflag:$0x2] =	stream.linear.gather [hbm4b:s2+s1], $0x80, $0x38;
	[tilespmem:$0x18600] =	vst v63  }
0x10a: {  	s12 =	sadd.s32 s3, s5;
	s25 =	sadd.s32 s3, s18;
	s30 =	spop (v2sf)  }
0x10b: {  	[tilespmem:s22], [sflag:$0x1] =	stream.linear.gather [hbm4b:s12+s1], $0x80, $0x38;
	[tilespmem:$0x18600] =	vst v63  }
0x10c: {  	s29 =	sand.u32 $0x1FFFFFF0, s19;
	s31 =	rddreg [dreg:$0x12];
	s5 =	sand.u32 $0x1FFFFFF0, s30  }
0x10d: {  	[tilespmem:s31], [sflag:$0x3] =	stream.linear.gather [hbm4b:s25+s1], $0x80, $0x38;
	[tilespmem:$0x18600] =	vst v63  }
0x10e: {  	s2 =	sadd.s32 s4, s29;
	s7 =	spop (v2sf);
	s8 =	rddreg [dreg:$0xc]  }
0x10f: {  	[tilespmem:s8], [sflag:$0x2] =	stream.linear.gather [hbm4b:s2+s1], $0x80, $0x38;
	[tilespmem:$0x18600] =	vst v63  }
0x110: {  	(v2sf) =	vpush v63, $0xD;
	s19 =	spop (v2sf);
	s12 =	sadd.s32 s3, s5;
	s22 =	rddreg [dreg:$0x8]  }
0x111: {  	(v2sf) =	vpush v2, $0xE;
	[tilespmem:s22], [sflag:$0x1] =	stream.linear.gather [hbm4b:s12+s1], $0x80, $0x38;
	[tilespmem:$0x18600] =	vst v63  }
.Ltmp0:
0x112: {  	(v2sf) =	vpush v1, $0xE;
	s18 =	sand.u32 $0x1FFFFFF0, s7;
	s29 =	sand.u32 $0x1FFFFFF0, s19;
	(pc) =	sbr.rel @p0 .LBB2_2-.Ltmp0, $4  }
0x113: {  	(v2sf) =	vpush v63, $0xE;
	s30 =	spop (v2sf);
	s25 =	sadd.s32 s3, s18;
	s31 =	rddreg [dreg:$0x5]  }
0x114: {  	(v2sf) =	vpush v2, $0xF;
	[tilespmem:s31], [sflag:$0x3] =	stream.linear.gather [hbm4b:s25+s1], $0x80, $0x38;
	[tilespmem:$0x18600] =	vst v63  }
0x115: {  	(v2sf) =	vpush v1, $0xF;
	s0 =	sand.u32 $0x1FFFFFF0, s30;
	s2 =	sadd.s32 s4, s29;
	s5 =	spop (v2sf)  }
0x116: {  	(v2sf) =	vpush v63, $0xF;
	[tilespmem:s26], [sflag:$0x2] =	stream.linear.gather [hbm4b:s2+s1], $0x80, $0x38;
	[tilespmem:$0x18600] =	vst v63  }
0x117: {  	_ =	sdelay $0x3  }
0x118: {  	s0 =	sadd.s32 s3, s0;
	s2 =	sand.u32 $0x1FFFFFF0, s5  }
0x119: {  	[tilespmem:s14], [sflag:$0x1] =	stream.linear.gather [hbm4b:s0+s1], $0x80, $0x38;
	[tilespmem:$0x18600] =	vst v63  }
0x11a: {  	s15 =	sadd.s32 s3, s2  }
0x11b: {  	[tilespmem:s21], [sflag:$0x3] =	stream.linear.gather [hbm4b:s15+s1], $0x80, $0x38;
	[tilespmem:$0x18600] =	vst v63  }
0x11c: {  	s12 =	spop (v2sf)  }
0x11d: {  	s16 =	sand.u32 $0x1FFFFFF0, s12;
	s17 =	spop (v2sf)  }
0x11e: {  	s18 =	sadd.s32 s4, s16;
	s19 =	sand.u32 $0x1FFFFFF0, s17;
	s21 =	spop (v2sf)  }
0x11f: {  	[tilespmem:s20], [sflag:$0x2] =	stream.linear.gather [hbm4b:s18+s1], $0x80, $0x38;
	[tilespmem:$0x18600] =	vst v63  }
0x120: {  	s22 =	sadd.s32 s3, s19;
	s25 =	sand.u32 $0x1FFFFFF0, s21;
	s26 =	spop (v2sf)  }
0x121: {  	[tilespmem:s10], [sflag:$0x1] =	stream.linear.gather [hbm4b:s22+s1], $0x80, $0x38;
	[tilespmem:$0x18600] =	vst v63  }
0x122: {  	s29 =	sadd.s32 s3, s25;
	s30 =	sand.u32 $0x1FFFFFF0, s26;
	s31 =	spop (v2sf)  }
0x123: {  	[tilespmem:s9], [sflag:$0x3] =	stream.linear.gather [hbm4b:s29+s1], $0x80, $0x38;
	[tilespmem:$0x18600] =	vst v63  }
0x124: {  	s6 =	sadd.s32 s4, s30;
	s7 =	sand.u32 $0x1FFFFFF0, s31;
	s8 =	spop (v2sf)  }
0x125: {  	[tilespmem:s11], [sflag:$0x2] =	stream.linear.gather [hbm4b:s6+s1], $0x80, $0x38;
	[tilespmem:$0x18600] =	vst v63  }
0x126: {  	s10 =	sand.u32 $0x1FFFFFF0, s8;
	s9 =	sadd.s32 s3, s7;
	s11 =	spop (v2sf)  }
0x127: {  	[tilespmem:s24], [sflag:$0x1] =	stream.linear.gather [hbm4b:s9+s1], $0x80, $0x38;
	[tilespmem:$0x18600] =	vst v63  }
0x128: {  	s12 =	sadd.s32 s3, s10;
	s14 =	sand.u32 $0x1FFFFFF0, s11  }
0x129: {  	[tilespmem:s13], [sflag:$0x3] =	stream.linear.gather [hbm4b:s12+s1], $0x80, $0x38;
	[tilespmem:$0x18600] =	vst v63  }
0x12a: {  	s15 =	sadd.s32 $0x8D80, s23;
	s16 =	simm.s32 $0x1;
	s2 =	sadd.s32 s4, s14  }
0x12b: {  	[tilespmem:s15], [sflag:$0x2] =	stream.linear.gather [hbm4b:s2+s1], $0x80, $0x38;
	[tilespmem:$0x18600] =	vst v63  }
0x12c: {  	_ =	swait.ge [sflag:s16], $0x8000  }
0x12d: {  	[sflag:s16] =	ssyncset.done $0x0  }
0x12e: {  	s17 =	simm.s32 $0x3;
	[sflag:s16] =	ssyncadd.s32 $0xFFFF8000  }
0x12f: {  	_ =	swait.ge [sflag:s17], $0x8000  }
0x130: {  	[sflag:s17] =	ssyncset.done $0x0  }
0x131: {  	s18 =	simm.s32 $0x2;
	[sflag:s17] =	ssyncadd.s32 $0xFFFF8000  }
0x132: {  	_ =	swait.ge [sflag:s18], $0x8000  }
0x133: {  	s20 =	sld [smem:$0x7F7]  }
0x134: {  	s19 =	simm.s32 $0x0;
	[sflag:s18] =	ssyncset.done $0x0  }
0x135: {  	s21 =	simm.s32 $0x600;
	s22 =	simm.s32 $0x4;
	[sflag:s18] =	ssyncadd.s32 $0xFFFF8000  }
0x136: {  	[hbm4b:s20+s19] =	stream.linear.scatter [tilespmem:s21], [sflag:$0x4], $0x8000, $0x38;
	[tilespmem:$0x18600] =	vst v63  }
0x137: {  	_ =	swait.ge [sflag:s22], $0x8000  }
0x138: {  	s23 =	sld [smem:$0x7F8]  }
0x139: {  	[sflag:s22] =	ssyncset.done $0x0  }
0x13a: {  	s6 =	simm.s32 $0x10600;
	[sflag:s22] =	ssyncadd.s32 $0xFFFF8000  }
0x13b: {  	[hbm4b:s23+s19] =	stream.linear.scatter [tilespmem:s6], [sflag:$0x4], $0x8000, $0x38;
	[tilespmem:$0x18600] =	vst v63  }
0x13c: {  	_ =	swait.ge [sflag:s22], $0x8000  }
0x13d: {  	s24 =	sld [smem:$0x7F9]  }
0x13e: {  	[sflag:s22] =	ssyncset.done $0x0  }
0x13f: {  	s25 =	simm.s32 $0x8600;
	[sflag:s22] =	ssyncadd.s32 $0xFFFF8000  }
0x140: {  	[hbm4b:s24+s19] =	stream.linear.scatter [tilespmem:s25], [sflag:$0x4], $0x8000, $0x38;
	[tilespmem:$0x18600] =	vst v63  }
0x141: {  	_ =	swait.ge [sflag:s22], $0x8000  }
0x142: {  	[sflag:s22] =	ssyncset.done $0x0  }
0x143: {  	s26 =	simm.s32 $0x100;
	[sflag:s22] =	ssyncadd.s32 $0xFFFF8000  }
0x144: {  	s29 =	simm.s32 $0x500;
	v0 =	vld [tilespmem:s26+$0x0]  }
0x145: {  	s30 =	simm.s32 $0x300;
	v1 =	vld [tilespmem:s29+$0x0]  }
0x146: {  	v3 =	vld [tilespmem:s30+$0x0];
	_ =	sdelay $0x2  }
0x147: {  	v2 =	vshll.u32 v0, $0x4  }
0x148: {  	v1 =	vshll.u32 v1, $0x4;
	(v2sf) =	vpush v2, $0x0  }
0x149: {  	v63 =	vshll.u32 v3, $0x4;
	(v2sf) =	vpush v1, $0x0  }
0x14a: {  	(v2sf) =	vpush v63, $0x0;
	_ =	sdelay $0x1  }
0x14b: {  	(v2sf) =	vpush v2, $0x1;
	_ =	sdelay $0x2  }
0x14c: {  	(v2sf) =	vpush v1, $0x1  }
0x14d: {  	(v2sf) =	vpush v63, $0x1;
	_ =	sdelay $0x1  }
0x14e: {  	s5 =	simm.s32 $0x980;
	(v2sf) =	vpush v2, $0x2  }
0x14f: {  	s28 =	simm.s32 $0x110;
	s0 =	simm.s32 $0xA80;
	s31 =	simm.s32 $0x600  }
0x150: {  	s8 =	simm.s32 $0x10600;
	s7 =	simm.s32 $0x8600;
	s10 =	simm.s32 $0x8680;
	(v2sf) =	vpush v1, $0x2  }
0x151: {  	s11 =	simm.s32 $0x780;
	s14 =	simm.s32 $0x510;
	s15 =	simm.s32 $0x310  }
0x152: {  	s2 =	simm.s32 $0xA00;
	s17 =	simm.s32 $0x2000;
	s21 =	simm.s32 $0x680  }
0x153: {  	s23 =	simm.s32 $0x0;
	s6 =	simm.s32 $0x10780;
	s13 =	spop (v2sf)  }
0x154: {  	s24 =	simm.s32 $0x10680;
	s9 =	sand.u32 $0x1FFFFFF0, s13;
	s12 =	spop (v2sf)  }
0x155: {  	s13 =	simm.s32 $0x700;
	s9 =	sadd.s32 s3, s9;
	s18 =	spop (v2sf)  }
0x156: {  	(v2sf) =	vpush v63, $0x2;
	[tilespmem:s31], [sflag:$0x1] =	stream.linear.gather [hbm4b:s9+s1], $0x80, $0x38;
	[tilespmem:$0x18600] =	vst v63  }
0x157: {  	(v2sf) =	vpush v2, $0x3;
	s16 =	sand.u32 $0x1FFFFFF0, s12;
	s12 =	sand.u32 $0x1FFFFFF0, s18;
	s19 =	spop (v2sf)  }
0x158: {  	s9 =	sadd.s32 s3, s16;
	s18 =	simm.s32 $0x10700;
	s20 =	sand.u32 $0x1FFFFFF0, s19  }
0x159: {  	(v2sf) =	vpush v1, $0x3;
	[tilespmem:s8], [sflag:$0x3] =	stream.linear.gather [hbm4b:s9+s1], $0x80, $0x38;
	[tilespmem:$0x18600] =	vst v63  }
0x15a: {  	s12 =	sadd.s32 s4, s12;
	s22 =	spop (v2sf);
	s9 =	simm.s32 $0x8780  }
0x15b: {  	(v2sf) =	vpush v63, $0x3;
	s8 =	sadd.s32 s3, s20;
	s25 =	sand.u32 $0x1FFFFFF0, s22;
	s26 =	spop (v2sf)  }
0x15c: {  	[tilespmem:s7], [sflag:$0x2] =	stream.linear.gather [hbm4b:s12+s1], $0x80, $0x38;
	[tilespmem:$0x18600] =	vst v63  }
0x15d: {  	(v2sf) =	vpush v2, $0x4;
	s29 =	spop (v2sf);
	s12 =	sand.u32 $0x1FFFFFF0, s26;
	s7 =	simm.s32 $0x10880  }
0x15e: {  	(v2sf) =	vpush v1, $0x4;
	[tilespmem:s21], [sflag:$0x1] =	stream.linear.gather [hbm4b:s8+s1], $0x80, $0x38;
	[tilespmem:$0x18600] =	vst v63  }
0x15f: {  	s31 =	sand.u32 $0x1FFFFFF0, s29;
	s16 =	spop (v2sf);
	s8 =	sadd.s32 s3, s25  }
0x160: {  	(v2sf) =	vpush v63, $0x4;
	[tilespmem:s24], [sflag:$0x3] =	stream.linear.gather [hbm4b:s8+s1], $0x80, $0x38;
	[tilespmem:$0x18600] =	vst v63  }
0x161: {  	s26 =	simm.s32 $0x10800;
	s30 =	sadd.s32 s4, s12;
	s12 =	sadd.s32 s3, s31  }
0x162: {  	(v2sf) =	vpush v2, $0x5;
	[tilespmem:s10], [sflag:$0x2] =	stream.linear.gather [hbm4b:s30+s1], $0x80, $0x38;
	[tilespmem:$0x18600] =	vst v63  }
0x163: {  	s31 =	simm.s32 $0x8800;
	s21 =	simm.s32 $0x8700;
	s10 =	sand.u32 $0x1FFFFFF0, s16  }
0x164: {  	[tilespmem:s13], [sflag:$0x1] =	stream.linear.gather [hbm4b:s12+s1], $0x80, $0x38;
	[tilespmem:$0x18600] =	vst v63  }
0x165: {  	s8 =	simm.s32 $0x8A80;
	s10 =	sadd.s32 s3, s10;
	s19 =	spop (v2sf)  }
0x166: {  	s12 =	sand.u32 $0x1FFFFFF0, s19;
	s20 =	spop (v2sf);
	s19 =	simm.s32 $0x800  }
0x167: {  	[tilespmem:s18], [sflag:$0x3] =	stream.linear.gather [hbm4b:s10+s1], $0x80, $0x38;
	[tilespmem:$0x18600] =	vst v63  }
0x168: {  	(v2sf) =	vpush v1, $0x5;
	s22 =	sadd.s32 s4, s12;
	s24 =	sand.u32 $0x1FFFFFF0, s20;
	s25 =	spop (v2sf)  }
0x169: {  	(v2sf) =	vpush v63, $0x5;
	[tilespmem:s21], [sflag:$0x2] =	stream.linear.gather [hbm4b:s22+s1], $0x80, $0x38;
	[tilespmem:$0x18600] =	vst v63  }
0x16a: {  	s12 =	sadd.s32 s3, s24;
	s10 =	sand.u32 $0x1FFFFFF0, s25;
	s29 =	spop (v2sf)  }
0x16b: {  	(v2sf) =	vpush v2, $0x6;
	[tilespmem:s11], [sflag:$0x1] =	stream.linear.gather [hbm4b:s12+s1], $0x80, $0x38;
	[tilespmem:$0x18600] =	vst v63  }
0x16c: {  	s10 =	sadd.s32 s3, s10;
	s30 =	spop (v2sf);
	(v2sf) =	vpush v1, $0x6;
	s12 =	sand.u32 $0x1FFFFFF0, s29  }
0x16d: {  	s18 =	sand.u32 $0x1FFFFFF0, s30;
	s20 =	spop (v2sf);
	s16 =	sadd.s32 s4, s12  }
0x16e: {  	(v2sf) =	vpush v63, $0x6;
	[tilespmem:s6], [sflag:$0x3] =	stream.linear.gather [hbm4b:s10+s1], $0x80, $0x38;
	[tilespmem:$0x18600] =	vst v63  }
0x16f: {  	(v2sf) =	vpush v2, $0x7;
	s12 =	sadd.s32 s3, s18;
	s21 =	spop (v2sf);
	s10 =	sand.u32 $0x1FFFFFF0, s20  }
0x170: {  	[tilespmem:s9], [sflag:$0x2] =	stream.linear.gather [hbm4b:s16+s1], $0x80, $0x38;
	[tilespmem:$0x18600] =	vst v63  }
0x171: {  	(v2sf) =	vpush v1, $0x7;
	s22 =	spop (v2sf);
	s6 =	simm.s32 $0x10B00;
	s10 =	sadd.s32 s3, s10  }
0x172: {  	(v2sf) =	vpush v63, $0x7;
	[tilespmem:s19], [sflag:$0x1] =	stream.linear.gather [hbm4b:s12+s1], $0x80, $0x38;
	[tilespmem:$0x18600] =	vst v63  }
0x173: {  	s25 =	sand.u32 $0x1FFFFFF0, s22;
	s9 =	simm.s32 $0xB00;
	s12 =	sand.u32 $0x1FFFFFF0, s21  }
0x174: {  	(v2sf) =	vpush v2, $0x8;
	[tilespmem:s26], [sflag:$0x3] =	stream.linear.gather [hbm4b:s10+s1], $0x80, $0x38;
	[tilespmem:$0x18600] =	vst v63  }
0x175: {  	s19 =	simm.s32 $0x900;
	s24 =	sadd.s32 s4, s12;
	s12 =	sadd.s32 s3, s25  }
0x176: {  	[tilespmem:s31], [sflag:$0x2] =	stream.linear.gather [hbm4b:s24+s1], $0x80, $0x38;
	[tilespmem:$0x18600] =	vst v63  }
0x177: {  	s10 =	simm.s32 $0x10900;
	s26 =	simm.s32 $0x880;
	s29 =	spop (v2sf)  }
0x178: {  	s24 =	simm.s32 $0x8900;
	s11 =	sand.u32 $0x1FFFFFF0, s29;
	s30 =	spop (v2sf)  }
0x179: {  	[tilespmem:s26], [sflag:$0x1] =	stream.linear.gather [hbm4b:s12+s1], $0x80, $0x38;
	[tilespmem:$0x18600] =	vst v63  }
0x17a: {  	s29 =	simm.s32 $0x10A00;
	s12 =	sand.u32 $0x1FFFFFF0, s30;
	s31 =	spop (v2sf)  }
0x17b: {  	s11 =	sadd.s32 s3, s11;
	s16 =	sadd.s32 s4, s12;
	s20 =	spop (v2sf)  }
0x17c: {  	(v2sf) =	vpush v1, $0x8;
	[tilespmem:s7], [sflag:$0x3] =	stream.linear.gather [hbm4b:s11+s1], $0x80, $0x38;
	[tilespmem:$0x18600] =	vst v63  }
0x17d: {  	s18 =	sand.u32 $0x1FFFFFF0, s31;
	s31 =	simm.s32 $0x10980;
	s21 =	spop (v2sf)  }
0x17e: {  	(v2sf) =	vpush v63, $0x8;
	s11 =	simm.s32 $0x8880;
	s12 =	sadd.s32 s3, s18;
	s22 =	spop (v2sf)  }
0x17f: {  	(v2sf) =	vpush v2, $0x9;
	[tilespmem:s11], [sflag:$0x2] =	stream.linear.gather [hbm4b:s16+s1], $0x80, $0x38;
	[tilespmem:$0x18600] =	vst v63  }
0x180: {  	s7 =	simm.s32 $0x10A80;
	s18 =	simm.s32 $0x8980;
	s30 =	spop (v2sf)  }
0x181: {  	(v2sf) =	vpush v1, $0x9;
	s11 =	sand.u32 $0x1FFFFFF0, s20;
	s26 =	sand.u32 $0x1FFFFFF0, s22;
	s13 =	spop (v2sf)  }
0x182: {  	[tilespmem:s19], [sflag:$0x1] =	stream.linear.gather [hbm4b:s12+s1], $0x80, $0x38;
	[tilespmem:$0x18600] =	vst v63  }
0x183: {  	(v2sf) =	vpush v63, $0x9;
	s11 =	sadd.s32 s3, s11;
	s12 =	sand.u32 $0x1FFFFFF0, s21;
	s16 =	spop (v2sf)  }
0x184: {  	[tilespmem:s10], [sflag:$0x3] =	stream.linear.gather [hbm4b:s11+s1], $0x80, $0x38;
	[tilespmem:$0x18600] =	vst v63  }
0x185: {  	(v2sf) =	vpush v2, $0xA;
	s21 =	simm.s32 $0x8A00;
	s25 =	sadd.s32 s4, s12;
	s12 =	sadd.s32 s3, s26  }
0x186: {  	[tilespmem:s24], [sflag:$0x2] =	stream.linear.gather [hbm4b:s25+s1], $0x80, $0x38;
	[tilespmem:$0x18600] =	vst v63  }
0x187: {  	(v2sf) =	vpush v1, $0xA;
	s20 =	sand.u32 $0x1FFFFFF0, s16;
	s16 =	simm.s32 $0xC80;
	s11 =	sand.u32 $0x1FFFFFF0, s30  }
0x188: {  	[tilespmem:s5], [sflag:$0x1] =	stream.linear.gather [hbm4b:s12+s1], $0x80, $0x38;
	[tilespmem:$0x18600] =	vst v63  }
0x189: {  	(v2sf) =	vpush v63, $0xA;
	s10 =	simm.s32 $0x10B80;
	s11 =	sadd.s32 s3, s11;
	s12 =	sand.u32 $0x1FFFFFF0, s13  }
0x18a: {  	[tilespmem:s31], [sflag:$0x3] =	stream.linear.gather [hbm4b:s11+s1], $0x80, $0x38;
	[tilespmem:$0x18600] =	vst v63  }
0x18b: {  	s13 =	simm.s32 $0x10D80;
	s19 =	sadd.s32 s4, s12;
	s22 =	spop (v2sf)  }
0x18c: {  	[tilespmem:s18], [sflag:$0x2] =	stream.linear.gather [hbm4b:s19+s1], $0x80, $0x38;
	[tilespmem:$0x18600] =	vst v63  }
0x18d: {  	s5 =	simm.s32 $0x10C00;
	s12 =	sadd.s32 s3, s20;
	(v2sf) =	vpush v2, $0xB;
	s25 =	spop (v2sf)  }
0x18e: {  	s24 =	sand.u32 $0x1FFFFFF0, s22;
	(v2sf) =	vpush v1, $0xB;
	s22 =	simm.s32 $0x8B80;
	s26 =	spop (v2sf)  }
0x18f: {  	[tilespmem:s2], [sflag:$0x1] =	stream.linear.gather [hbm4b:s12+s1], $0x80, $0x38;
	[tilespmem:$0x18600] =	vst v63  }
0x190: {  	s11 =	sand.u32 $0x1FFFFFF0, s25;
	(v2sf) =	vpush v63, $0xB;
	s2 =	sadd.s32 s3, s24;
	s31 =	spop (v2sf)  }
0x191: {  	[tilespmem:s29], [sflag:$0x3] =	stream.linear.gather [hbm4b:s2+s1], $0x80, $0x38;
	[tilespmem:$0x18600] =	vst v63  }
0x192: {  	s30 =	sand.u32 $0x1FFFFFF0, s26;
	(v2sf) =	vpush v2, $0xC;
	s18 =	spop (v2sf);
	s29 =	sadd.s32 s4, s11  }
0x193: {  	[tilespmem:s21], [sflag:$0x2] =	stream.linear.gather [hbm4b:s29+s1], $0x80, $0x38;
	[tilespmem:$0x18600] =	vst v63  }
0x194: {  	s12 =	sand.u32 $0x1FFFFFF0, s31;
	(v2sf) =	vpush v1, $0xC;
	s11 =	sadd.s32 s3, s30;
	s19 =	spop (v2sf)  }
0x195: {  	[tilespmem:s0], [sflag:$0x1] =	stream.linear.gather [hbm4b:s11+s1], $0x80, $0x38;
	[tilespmem:$0x18600] =	vst v63  }
0x196: {  	s2 =	sand.u32 $0x1FFFFFF0, s18;
	s24 =	spop (v2sf);
	s0 =	sadd.s32 s3, s12  }
0x197: {  	(v2sf) =	vpush v63, $0xC;
	[tilespmem:s7], [sflag:$0x3] =	stream.linear.gather [hbm4b:s0+s1], $0x80, $0x38;
	[tilespmem:$0x18600] =	vst v63  }
0x198: {  	s20 =	sadd.s32 s4, s2;
	s21 =	sand.u32 $0x1FFFFFF0, s19;
	s25 =	spop (v2sf)  }
0x199: {  	[tilespmem:s8], [sflag:$0x2] =	stream.linear.gather [hbm4b:s20+s1], $0x80, $0x38;
	[tilespmem:$0x18600] =	vst v63  }
0x19a: {  	s29 =	simm.s32 $0x8B00;
	s2 =	sadd.s32 s3, s21;
	s11 =	simm.s32 $0x8D00  }
0x19b: {  	[tilespmem:s9], [sflag:$0x1] =	stream.linear.gather [hbm4b:s2+s1], $0x80, $0x38;
	[tilespmem:$0x18600] =	vst v63  }
0x19c: {  	s7 =	sand.u32 $0x1FFFFFF0, s24;
	s8 =	sand.u32 $0x1FFFFFF0, s25;
	s26 =	spop (v2sf)  }
0x19d: {  	(v2sf) =	vpush v2, $0xD;
	s7 =	sadd.s32 s3, s7;
	s30 =	sadd.s32 s4, s8;
	s9 =	spop (v2sf)  }
0x19e: {  	[tilespmem:s6], [sflag:$0x3] =	stream.linear.gather [hbm4b:s7+s1], $0x80, $0x38;
	[tilespmem:$0x18600] =	vst v63  }
0x19f: {  	s2 =	simm.s32 $0xC00;
	(v2sf) =	vpush v1, $0xD;
	s31 =	sand.u32 $0x1FFFFFF0, s26;
	s12 =	spop (v2sf)  }
0x1a0: {  	[tilespmem:s29], [sflag:$0x2] =	stream.linear.gather [hbm4b:s30+s1], $0x80, $0x38;
	[tilespmem:$0x18600] =	vst v63  }
0x1a1: {  	s7 =	simm.s32 $0xB80;
	s8 =	sadd.s32 s3, s31;
	s18 =	spop (v2sf)  }
0x1a2: {  	[tilespmem:s7], [sflag:$0x1] =	stream.linear.gather [hbm4b:s8+s1], $0x80, $0x38;
	[tilespmem:$0x18600] =	vst v63  }
0x1a3: {  	s20 =	sand.u32 $0x1FFFFFF0, s18;
	s21 =	spop (v2sf);
	s7 =	sand.u32 $0x1FFFFFF0, s9  }
0x1a4: {  	s30 =	simm.s32 $0x8C00;
	s8 =	sand.u32 $0x1FFFFFF0, s12;
	s7 =	sadd.s32 s3, s7  }
0x1a5: {  	[tilespmem:s10], [sflag:$0x3] =	stream.linear.gather [hbm4b:s7+s1], $0x80, $0x38;
	[tilespmem:$0x18600] =	vst v63  }
0x1a6: {  	s24 =	sand.u32 $0x1FFFFFF0, s21;
	s25 =	spop (v2sf);
	s19 =	sadd.s32 s4, s8  }
0x1a7: {  	[tilespmem:s22], [sflag:$0x2] =	stream.linear.gather [hbm4b:s19+s1], $0x80, $0x38;
	[tilespmem:$0x18600] =	vst v63  }
0x1a8: {  	(v2sf) =	vpush v63, $0xD;
	s21 =	simm.s32 $0x10C80;
	s29 =	sand.u32 $0x1FFFFFF0, s25;
	s22 =	sadd.s32 s3, s20  }
0x1a9: {  	(v2sf) =	vpush v2, $0xE;
	[tilespmem:s2], [sflag:$0x1] =	stream.linear.gather [hbm4b:s22+s1], $0x80, $0x38;
	[tilespmem:$0x18600] =	vst v63  }
0x1aa: {  	(v2sf) =	vpush v1, $0xE;
	s9 =	simm.s32 $0xD80;
	s26 =	sadd.s32 s3, s24;
	s6 =	sadd.s32 s4, s29  }
0x1ab: {  	(v2sf) =	vpush v63, $0xE;
	[tilespmem:s5], [sflag:$0x3] =	stream.linear.gather [hbm4b:s26+s1], $0x80, $0x38;
	[tilespmem:$0x18600] =	vst v63  }
0x1ac: {  	(v2sf) =	vpush v2, $0xF;
	s31 =	spop (v2sf);
	s10 =	simm.s32 $0xD00;
	s20 =	simm.s32 $0x8C80  }
0x1ad: {  	(v2sf) =	vpush v1, $0xF;
	[tilespmem:s30], [sflag:$0x2] =	stream.linear.gather [hbm4b:s6+s1], $0x80, $0x38;
	[tilespmem:$0x18600] =	vst v63  }
0x1ae: {  	(v2sf) =	vpush v63, $0xF;
	s2 =	simm.s32 $0x10D00;
	s5 =	spop (v2sf);
	s6 =	sand.u32 $0x1FFFFFF0, s31  }
.LBB2_4:
0x1af: {  	_ =	sdelay $0x3  }
0x1b0: {  	s6 =	sadd.s32 s3, s6;
	s5 =	sand.u32 $0x1FFFFFF0, s5  }
0x1b1: {  	[tilespmem:s16], [sflag:$0x1] =	stream.linear.gather [hbm4b:s6+s1], $0x80, $0x38;
	[tilespmem:$0x18600] =	vst v63  }
0x1b2: {  	s5 =	sadd.s32 s3, s5  }
0x1b3: {  	[tilespmem:s21], [sflag:$0x3] =	stream.linear.gather [hbm4b:s5+s1], $0x80, $0x38;
	[tilespmem:$0x18600] =	vst v63  }
0x1b4: {  	s7 =	spop (v2sf)  }
0x1b5: {  	s8 =	smov.u32 s17;
	s22 =	sand.u32 $0x1FFFFFF0, s7;
	s24 =	spop (v2sf)  }
0x1b6: {  	s25 =	sadd.s32 s4, s22;
	s26 =	sand.u32 $0x1FFFFFF0, s24;
	s29 =	spop (v2sf)  }
0x1b7: {  	[tilespmem:s20], [sflag:$0x2] =	stream.linear.gather [hbm4b:s25+s1], $0x80, $0x38;
	[tilespmem:$0x18600] =	vst v63  }
0x1b8: {  	s24 =	sadd.s32 $0x8D80, s23;
	s23 =	sshra.s32 s8, $0x2;
	s30 =	sadd.s32 s3, s26  }
0x1b9: {  	s31 =	sand.u32 $0x1FFFFFF0, s29;
	s0 =	spop (v2sf);
	s29 =	sadd.s32 $0x10780, s23  }
0x1ba: {  	s5 =	sadd.s32 $0xA80, s23;
	s7 =	sadd.s32 $0x8A80, s23;
	s6 =	sadd.s32 s3, s31  }
0x1bb: {  	[tilespmem:s10], [sflag:$0x1] =	stream.linear.gather [hbm4b:s30+s1], $0x80, $0x38;
	[tilespmem:$0x18600] =	vst v63  }
0x1bc: {  	s12 =	spop (v2sf);
	[smem:$0x7DA] =	sst s29;
	s10 =	sand.u32 $0x1FFFFFF0, s0  }
0x1bd: {  	[tilespmem:s2], [sflag:$0x3] =	stream.linear.gather [hbm4b:s6+s1], $0x80, $0x38;
	[tilespmem:$0x18600] =	vst v63  }
0x1be: {  	s18 =	sand.u32 $0x1FFFFFF0, s12;
	s19 =	spop (v2sf);
	s16 =	sadd.s32 s4, s10  }
0x1bf: {  	[tilespmem:s11], [sflag:$0x2] =	stream.linear.gather [hbm4b:s16+s1], $0x80, $0x38;
	[tilespmem:$0x18600] =	vst v63  }
0x1c0: {  	s20 =	sadd.s32 s3, s18;
	s21 =	sand.u32 $0x1FFFFFF0, s19;
	s22 =	spop (v2sf)  }
0x1c1: {  	[tilespmem:s9], [sflag:$0x1] =	stream.linear.gather [hbm4b:s20+s1], $0x80, $0x38;
	[tilespmem:$0x18600] =	vst v63  }
0x1c2: {  	[dreg:$0x15] =	wrdreg s5;
	s0 =	sadd.s32 s3, s21;
	s25 =	sand.u32 $0x1FFFFFF0, s22  }
0x1c3: {  	[tilespmem:s13], [sflag:$0x3] =	stream.linear.gather [hbm4b:s0+s1], $0x80, $0x38;
	[tilespmem:$0x18600] =	vst v63  }
0x1c4: {  	s8 =	sadd.s32 $0x10800, s23;
	[dreg:$0x11] =	wrdreg s7;
	s26 =	sadd.s32 s4, s25  }
0x1c5: {  	[tilespmem:s24], [sflag:$0x2] =	stream.linear.gather [hbm4b:s26+s1], $0x80, $0x38;
	[tilespmem:$0x18600] =	vst v63  }
0x1c6: {  	s31 =	sadd.s32 $0x980, s23;
	[smem:$0x7DB] =	sst s8;
	v0 =	vld [tilespmem:s28+$0x0]  }
0x1c7: {  	p0 =	sne.s32 s17, $0x1E000;
	s29 =	sadd.s32 $0x8980, s23;
	[dreg:$0x1f] =	wrdreg s31;
	v1 =	vld [tilespmem:s14+$0x0]  }
0x1c8: {  	s17 =	sadd.s32 $0x2000, s17;
	s8 =	sadd.s32 $0x8900, s23;
	[smem:$0x7E3] =	sst s29;
	v3 =	vld [tilespmem:s15+$0x0]  }
0x1c9: {  	s7 =	sadd.s32 $0x680, s23;
	s12 =	sadd.s32 $0x10B00, s23;
	[smem:$0x7E1] =	sst s8  }
0x1ca: {  	s5 =	sadd.s32 $0x700, s23;
	s10 =	sadd.s32 $0xB00, s23;
	[dreg:$0xb] =	wrdreg s12  }
0x1cb: {  	s30 =	sadd.s32 $0x8600, s23;
	s12 =	sadd.s32 $0xC00, s23;
	[dreg:$0xf] =	wrdreg s10;
	v2 =	vshll.u32 v0, $0x4  }
0x1cc: {  	s31 =	sadd.s32 $0x10600, s23;
	s2 =	sadd.s32 $0xA00, s23;
	[dreg:$0x9] =	wrdreg s12;
	v1 =	vshll.u32 v1, $0x4;
	(v2sf) =	vpush v2, $0x0  }
0x1cd: {  	s29 =	sadd.s32 $0x8700, s23;
	s6 =	sadd.s32 $0x10880, s23;
	[dreg:$0x1b] =	wrdreg s2;
	v63 =	vshll.u32 v3, $0x4;
	(v2sf) =	vpush v1, $0x0  }
0x1ce: {  	s8 =	sadd.s32 $0x900, s23;
	s10 =	sadd.s32 $0x8B80, s23;
	[smem:$0x7DE] =	sst s6;
	(v2sf) =	vpush v63, $0x0  }
0x1cf: {  	s19 =	sadd.s32 $0x8780, s23;
	s25 =	sadd.s32 $0x880, s23;
	[dreg:$0xd] =	wrdreg s10  }
0x1d0: {  	s18 =	sadd.s32 $0x800, s23;
	s2 =	sadd.s32 $0x8880, s23;
	[smem:$0x7DD] =	sst s25;
	(v2sf) =	vpush v2, $0x1  }
0x1d1: {  	s21 =	sadd.s32 $0x600, s23;
	s11 =	sadd.s32 $0x10900, s23;
	[smem:$0x7DF] =	sst s2  }
0x1d2: {  	s22 =	sadd.s32 $0x780, s23;
	s16 =	sadd.s32 $0x10A00, s23;
	[smem:$0x7E0] =	sst s11  }
0x1d3: {  	s6 =	sadd.s32 $0x10700, s23;
	s25 =	sadd.s32 $0x10B80, s23;
	[smem:$0x7E4] =	sst s16;
	(v2sf) =	vpush v1, $0x1  }
0x1d4: {  	s10 =	sadd.s32 $0xD00, s23;
	[dreg:$0x13] =	wrdreg s25;
	s9 =	sadd.s32 $0x8800, s23  }
0x1d5: {  	s16 =	sadd.s32 $0xC80, s23;
	s20 =	sadd.s32 $0x8A00, s23;
	[smem:$0x7DC] =	sst s9;
	(v2sf) =	vpush v63, $0x1  }
0x1d6: {  	s11 =	sadd.s32 $0x8D00, s23;
	[dreg:$0x1d] =	wrdreg s20;
	s9 =	sadd.s32 $0x10C00, s23  }
0x1d7: {  	s20 =	sadd.s32 $0xB80, s23;
	s13 =	sadd.s32 $0x10A80, s23;
	[dreg:$0x6] =	wrdreg s9;
	(v2sf) =	vpush v2, $0x2  }
0x1d8: {  	s9 =	sadd.s32 $0xD80, s23;
	s0 =	sadd.s32 $0x10680, s23;
	[dreg:$0x17] =	wrdreg s20  }
0x1d9: {  	s20 =	sadd.s32 $0x8C80, s23;
	[dreg:$0x19] =	wrdreg s13;
	s13 =	sadd.s32 $0x10D80, s23;
	(v2sf) =	vpush v1, $0x2  }
0x1da: {  	s24 =	sadd.s32 $0x8680, s23;
	s26 =	sadd.s32 $0x10980, s23;
	s14 =	sadd.s32 $0x10, s14  }
0x1db: {  	[smem:$0x7E2] =	sst s26;
	s26 =	sadd.s32 $0x10D00, s23;
	s2 =	spop (v2sf);
	(v2sf) =	vpush v63, $0x2  }
0x1dc: {  	[dreg:$0x7] =	wrdreg s26;
	s25 =	sand.u32 $0x1FFFFFF0, s2;
	s26 =	spop (v2sf)  }
0x1dd: {  	s15 =	sadd.s32 $0x10, s15;
	s25 =	sadd.s32 s3, s25;
	s12 =	spop (v2sf)  }
0x1de: {  	[tilespmem:s21], [sflag:$0x1] =	stream.linear.gather [hbm4b:s25+s1], $0x80, $0x38;
	[tilespmem:$0x18600] =	vst v63  }
0x1df: {  	s26 =	sand.u32 $0x1FFFFFF0, s26;
	(v2sf) =	vpush v2, $0x3;
	s2 =	sand.u32 $0x1FFFFFF0, s12;
	s12 =	spop (v2sf)  }
0x1e0: {  	(v2sf) =	vpush v1, $0x3;
	s26 =	sadd.s32 s3, s26;
	s25 =	sand.u32 $0x1FFFFFF0, s12;
	s12 =	sadd.s32 $0x8B00, s23  }
0x1e1: {  	[tilespmem:s31], [sflag:$0x3] =	stream.linear.gather [hbm4b:s26+s1], $0x80, $0x38;
	[tilespmem:$0x18600] =	vst v63  }
0x1e2: {  	(v2sf) =	vpush v63, $0x3;
	s2 =	sadd.s32 s4, s2;
	[smem:$0x7E5] =	sst s12;
	s12 =	spop (v2sf)  }
0x1e3: {  	[tilespmem:s30], [sflag:$0x2] =	stream.linear.gather [hbm4b:s2+s1], $0x80, $0x38;
	[tilespmem:$0x18600] =	vst v63  }
0x1e4: {  	(v2sf) =	vpush v2, $0x4;
	s25 =	sadd.s32 s3, s25;
	s30 =	sand.u32 $0x1FFFFFF0, s12;
	s12 =	spop (v2sf)  }
0x1e5: {  	[tilespmem:s7], [sflag:$0x1] =	stream.linear.gather [hbm4b:s25+s1], $0x80, $0x38;
	[tilespmem:$0x18600] =	vst v63  }
0x1e6: {  	(v2sf) =	vpush v1, $0x4;
	s26 =	sand.u32 $0x1FFFFFF0, s12;
	s25 =	sadd.s32 s3, s30;
	s30 =	spop (v2sf)  }
0x1e7: {  	[tilespmem:s0], [sflag:$0x3] =	stream.linear.gather [hbm4b:s25+s1], $0x80, $0x38;
	[tilespmem:$0x18600] =	vst v63  }
0x1e8: {  	s12 =	sadd.s32 s4, s26;
	s26 =	sand.u32 $0x1FFFFFF0, s30;
	s30 =	spop (v2sf)  }
0x1e9: {  	(v2sf) =	vpush v63, $0x4;
	[tilespmem:s24], [sflag:$0x2] =	stream.linear.gather [hbm4b:s12+s1], $0x80, $0x38;
	[tilespmem:$0x18600] =	vst v63  }
0x1ea: {  	s2 =	sadd.s32 s3, s26;
	s12 =	sand.u32 $0x1FFFFFF0, s30;
	s24 =	spop (v2sf)  }
0x1eb: {  	(v2sf) =	vpush v2, $0x5;
	[tilespmem:s5], [sflag:$0x1] =	stream.linear.gather [hbm4b:s2+s1], $0x80, $0x38;
	[tilespmem:$0x18600] =	vst v63  }
0x1ec: {  	s28 =	sadd.s32 $0x10, s28;
	s25 =	sadd.s32 s3, s12;
	s26 =	sand.u32 $0x1FFFFFF0, s24  }
0x1ed: {  	(v2sf) =	vpush v1, $0x5;
	[tilespmem:s6], [sflag:$0x3] =	stream.linear.gather [hbm4b:s25+s1], $0x80, $0x38;
	[tilespmem:$0x18600] =	vst v63  }
0x1ee: {  	s21 =	sadd.s32 $0x10C80, s23;
	s30 =	spop (v2sf);
	s2 =	sadd.s32 s4, s26  }
0x1ef: {  	s5 =	sand.u32 $0x1FFFFFF0, s30;
	s6 =	spop (v2sf);
	s30 =	sld [smem:$0x7DA]  }
0x1f0: {  	(v2sf) =	vpush v63, $0x5;
	[tilespmem:s29], [sflag:$0x2] =	stream.linear.gather [hbm4b:s2+s1], $0x80, $0x38;
	[tilespmem:$0x18600] =	vst v63  }
0x1f1: {  	s7 =	sadd.s32 s3, s5;
	s12 =	sand.u32 $0x1FFFFFF0, s6;
	s24 =	spop (v2sf)  }
0x1f2: {  	(v2sf) =	vpush v2, $0x6;
	[tilespmem:s22], [sflag:$0x1] =	stream.linear.gather [hbm4b:s7+s1], $0x80, $0x38;
	[tilespmem:$0x18600] =	vst v63  }
0x1f3: {  	(v2sf) =	vpush v1, $0x6;
	s25 =	sadd.s32 s3, s12;
	s26 =	sand.u32 $0x1FFFFFF0, s24;
	s29 =	spop (v2sf)  }
0x1f4: {  	[tilespmem:s30], [sflag:$0x3] =	stream.linear.gather [hbm4b:s25+s1], $0x80, $0x38;
	[tilespmem:$0x18600] =	vst v63  }
0x1f5: {  	s6 =	sadd.s32 s4, s26;
	s12 =	spop (v2sf);
	s30 =	sld [smem:$0x7DB]  }
0x1f6: {  	(v2sf) =	vpush v63, $0x6;
	s7 =	sand.u32 $0x1FFFFFF0, s29;
	s22 =	sand.u32 $0x1FFFFFF0, s12;
	s12 =	sld [smem:$0x7DC]  }
0x1f7: {  	[tilespmem:s19], [sflag:$0x2] =	stream.linear.gather [hbm4b:s6+s1], $0x80, $0x38;
	[tilespmem:$0x18600] =	vst v63  }
0x1f8: {  	(v2sf) =	vpush v2, $0x7;
	s24 =	spop (v2sf);
	s25 =	sadd.s32 s3, s22;
	s19 =	sadd.s32 s3, s7  }
0x1f9: {  	[tilespmem:s18], [sflag:$0x1] =	stream.linear.gather [hbm4b:s19+s1], $0x80, $0x38;
	[tilespmem:$0x18600] =	vst v63  }
0x1fa: {  	(v2sf) =	vpush v1, $0x7;
	s26 =	sand.u32 $0x1FFFFFF0, s24;
	s29 =	spop (v2sf);
	s24 =	sld [smem:$0x7DD]  }
0x1fb: {  	[tilespmem:s30], [sflag:$0x3] =	stream.linear.gather [hbm4b:s25+s1], $0x80, $0x38;
	[tilespmem:$0x18600] =	vst v63  }
0x1fc: {  	(v2sf) =	vpush v63, $0x7;
	s2 =	sadd.s32 s4, s26;
	s5 =	sand.u32 $0x1FFFFFF0, s29;
	s7 =	spop (v2sf)  }
0x1fd: {  	[tilespmem:s12], [sflag:$0x2] =	stream.linear.gather [hbm4b:s2+s1], $0x80, $0x38;
	[tilespmem:$0x18600] =	vst v63  }
0x1fe: {  	s31 =	sadd.s32 $0x8C00, s23;
	s18 =	sadd.s32 s3, s5;
	s19 =	sand.u32 $0x1FFFFFF0, s7  }
0x1ff: {  	s30 =	sld [smem:$0x7DE];
	s22 =	spop (v2sf);
	s25 =	sadd.s32 s3, s19  }
0x200: {  	(v2sf) =	vpush v2, $0x8;
	[tilespmem:s24], [sflag:$0x1] =	stream.linear.gather [hbm4b:s18+s1], $0x80, $0x38;
	[tilespmem:$0x18600] =	vst v63  }
0x201: {  	s26 =	sand.u32 $0x1FFFFFF0, s22;
	s29 =	spop (v2sf);
	s18 =	sld [smem:$0x7DF]  }
0x202: {  	(v2sf) =	vpush v1, $0x8;
	s6 =	sadd.s32 s4, s26;
	s7 =	sand.u32 $0x1FFFFFF0, s29;
	s12 =	spop (v2sf)  }
0x203: {  	(v2sf) =	vpush v63, $0x8;
	[tilespmem:s30], [sflag:$0x3] =	stream.linear.gather [hbm4b:s25+s1], $0x80, $0x38;
	[tilespmem:$0x18600] =	vst v63  }
0x204: {  	s19 =	sadd.s32 s3, s7;
	s22 =	sand.u32 $0x1FFFFFF0, s12;
	s30 =	sld [smem:$0x7E0]  }
0x205: {  	(v2sf) =	vpush v2, $0x9;
	s24 =	spop (v2sf);
	s12 =	sld [smem:$0x7E1];
	s25 =	sadd.s32 s3, s22  }
0x206: {  	[tilespmem:s18], [sflag:$0x2] =	stream.linear.gather [hbm4b:s6+s1], $0x80, $0x38;
	[tilespmem:$0x18600] =	vst v63  }
0x207: {  	s26 =	sand.u32 $0x1FFFFFF0, s24;
	s24 =	rddreg [dreg:$0x1f];
	s29 =	spop (v2sf)  }
0x208: {  	(v2sf) =	vpush v1, $0x9;
	[tilespmem:s8], [sflag:$0x1] =	stream.linear.gather [hbm4b:s19+s1], $0x80, $0x38;
	[tilespmem:$0x18600] =	vst v63  }
0x209: {  	(v2sf) =	vpush v63, $0x9;
	s6 =	sadd.s32 s4, s26;
	s7 =	sand.u32 $0x1FFFFFF0, s29;
	s8 =	spop (v2sf)  }
0x20a: {  	[tilespmem:s30], [sflag:$0x3] =	stream.linear.gather [hbm4b:s25+s1], $0x80, $0x38;
	[tilespmem:$0x18600] =	vst v63  }
0x20b: {  	(v2sf) =	vpush v2, $0xA;
	s18 =	sadd.s32 s3, s7;
	s19 =	sand.u32 $0x1FFFFFF0, s8;
	s22 =	spop (v2sf)  }
0x20c: {  	[tilespmem:s12], [sflag:$0x2] =	stream.linear.gather [hbm4b:s6+s1], $0x80, $0x38;
	[tilespmem:$0x18600] =	vst v63  }
0x20d: {  	(v2sf) =	vpush v1, $0xA;
	s25 =	sadd.s32 s3, s19;
	s26 =	sand.u32 $0x1FFFFFF0, s22;
	s30 =	sld [smem:$0x7E2]  }
0x20e: {  	[tilespmem:s24], [sflag:$0x1] =	stream.linear.gather [hbm4b:s18+s1], $0x80, $0x38;
	[tilespmem:$0x18600] =	vst v63  }
0x20f: {  	s6 =	sadd.s32 s4, s26;
	s12 =	sld [smem:$0x7E3];
	s29 =	spop (v2sf)  }
0x210: {  	[tilespmem:s30], [sflag:$0x3] =	stream.linear.gather [hbm4b:s25+s1], $0x80, $0x38;
	[tilespmem:$0x18600] =	vst v63  }
0x211: {  	(v2sf) =	vpush v63, $0xA;
	s24 =	rddreg [dreg:$0x1b];
	s7 =	sand.u32 $0x1FFFFFF0, s29;
	s8 =	spop (v2sf)  }
0x212: {  	s18 =	sadd.s32 s3, s7;
	s19 =	sand.u32 $0x1FFFFFF0, s8;
	s22 =	spop (v2sf)  }
0x213: {  	[tilespmem:s12], [sflag:$0x2] =	stream.linear.gather [hbm4b:s6+s1], $0x80, $0x38;
	[tilespmem:$0x18600] =	vst v63  }
0x214: {  	(v2sf) =	vpush v2, $0xB;
	s30 =	sld [smem:$0x7E4];
	s25 =	sadd.s32 s3, s19;
	s29 =	spop (v2sf)  }
0x215: {  	s26 =	sand.u32 $0x1FFFFFF0, s22;
	s12 =	rddreg [dreg:$0x1d];
	s7 =	sand.u32 $0x1FFFFFF0, s29  }
0x216: {  	(v2sf) =	vpush v1, $0xB;
	[tilespmem:s24], [sflag:$0x1] =	stream.linear.gather [hbm4b:s18+s1], $0x80, $0x38;
	[tilespmem:$0x18600] =	vst v63  }
0x217: {  	s6 =	sadd.s32 s4, s26;
	s8 =	spop (v2sf);
	s18 =	sadd.s32 s3, s7  }
0x218: {  	s19 =	sand.u32 $0x1FFFFFF0, s8;
	s24 =	rddreg [dreg:$0x15];
	s22 =	spop (v2sf)  }
0x219: {  	[tilespmem:s30], [sflag:$0x3] =	stream.linear.gather [hbm4b:s25+s1], $0x80, $0x38;
	[tilespmem:$0x18600] =	vst v63  }
0x21a: {  	(v2sf) =	vpush v63, $0xB;
	s25 =	sadd.s32 s3, s19;
	s26 =	sand.u32 $0x1FFFFFF0, s22;
	s29 =	spop (v2sf)  }
0x21b: {  	[tilespmem:s12], [sflag:$0x2] =	stream.linear.gather [hbm4b:s6+s1], $0x80, $0x38;
	[tilespmem:$0x18600] =	vst v63  }
0x21c: {  	(v2sf) =	vpush v2, $0xC;
	s30 =	rddreg [dreg:$0x19];
	s6 =	sadd.s32 s4, s26;
	s8 =	spop (v2sf)  }
0x21d: {  	[tilespmem:s24], [sflag:$0x1] =	stream.linear.gather [hbm4b:s18+s1], $0x80, $0x38;
	[tilespmem:$0x18600] =	vst v63  }
0x21e: {  	(v2sf) =	vpush v1, $0xC;
	s7 =	sand.u32 $0x1FFFFFF0, s29;
	s12 =	rddreg [dreg:$0x11];
	s19 =	sand.u32 $0x1FFFFFF0, s8  }
0x21f: {  	[tilespmem:s30], [sflag:$0x3] =	stream.linear.gather [hbm4b:s25+s1], $0x80, $0x38;
	[tilespmem:$0x18600] =	vst v63  }
0x220: {  	(v2sf) =	vpush v63, $0xC;
	s18 =	sadd.s32 s3, s7;
	s24 =	rddreg [dreg:$0xf];
	s22 =	spop (v2sf)  }
0x221: {  	[tilespmem:s12], [sflag:$0x2] =	stream.linear.gather [hbm4b:s6+s1], $0x80, $0x38;
	[tilespmem:$0x18600] =	vst v63  }
0x222: {  	(v2sf) =	vpush v2, $0xD;
	s25 =	sadd.s32 s3, s19;
	s30 =	rddreg [dreg:$0xb];
	s26 =	sand.u32 $0x1FFFFFF0, s22  }
0x223: {  	s12 =	sld [smem:$0x7E5];
	s29 =	spop (v2sf);
	s6 =	sadd.s32 s4, s26  }
0x224: {  	[tilespmem:s24], [sflag:$0x1] =	stream.linear.gather [hbm4b:s18+s1], $0x80, $0x38;
	[tilespmem:$0x18600] =	vst v63  }
0x225: {  	(v2sf) =	vpush v1, $0xD;
	s7 =	sand.u32 $0x1FFFFFF0, s29;
	s8 =	spop (v2sf);
	s24 =	rddreg [dreg:$0x17]  }
0x226: {  	[tilespmem:s30], [sflag:$0x3] =	stream.linear.gather [hbm4b:s25+s1], $0x80, $0x38;
	[tilespmem:$0x18600] =	vst v63  }
0x227: {  	s18 =	sadd.s32 s3, s7;
	s19 =	sand.u32 $0x1FFFFFF0, s8;
	s8 =	rddreg [dreg:$0xd]  }
0x228: {  	[tilespmem:s12], [sflag:$0x2] =	stream.linear.gather [hbm4b:s6+s1], $0x80, $0x38;
	[tilespmem:$0x18600] =	vst v63  }
0x229: {  	s22 =	spop (v2sf);
	s25 =	sadd.s32 s3, s19;
	s30 =	rddreg [dreg:$0x13]  }
0x22a: {  	[tilespmem:s24], [sflag:$0x1] =	stream.linear.gather [hbm4b:s18+s1], $0x80, $0x38;
	[tilespmem:$0x18600] =	vst v63  }
0x22b: {  	s26 =	sand.u32 $0x1FFFFFF0, s22;
	s29 =	spop (v2sf);
	s22 =	rddreg [dreg:$0x9]  }
0x22c: {  	[tilespmem:s30], [sflag:$0x3] =	stream.linear.gather [hbm4b:s25+s1], $0x80, $0x38;
	[tilespmem:$0x18600] =	vst v63  }
0x22d: {  	s2 =	sadd.s32 s4, s26;
	s5 =	sand.u32 $0x1FFFFFF0, s29;
	s7 =	spop (v2sf)  }
0x22e: {  	[tilespmem:s8], [sflag:$0x2] =	stream.linear.gather [hbm4b:s2+s1], $0x80, $0x38;
	[tilespmem:$0x18600] =	vst v63  }
0x22f: {  	(v2sf) =	vpush v63, $0xD;
	s29 =	rddreg [dreg:$0x6];
	s12 =	sadd.s32 s3, s5;
	s19 =	spop (v2sf)  }
0x230: {  	(v2sf) =	vpush v2, $0xE;
	[tilespmem:s22], [sflag:$0x1] =	stream.linear.gather [hbm4b:s12+s1], $0x80, $0x38;
	[tilespmem:$0x18600] =	vst v63  }
.Ltmp1:
0x231: {  	(v2sf) =	vpush v1, $0xE;
	s18 =	sand.u32 $0x1FFFFFF0, s7;
	s26 =	spop (v2sf);
	(pc) =	sbr.rel @p0 .LBB2_4-.Ltmp1, $4  }
0x232: {  	(v2sf) =	vpush v63, $0xE;
	s24 =	sadd.s32 s3, s18;
	s25 =	sand.u32 $0x1FFFFFF0, s19;
	s6 =	sand.u32 $0x1FFFFFF0, s26  }
0x233: {  	(v2sf) =	vpush v2, $0xF;
	[tilespmem:s29], [sflag:$0x3] =	stream.linear.gather [hbm4b:s24+s1], $0x80, $0x38;
	[tilespmem:$0x18600] =	vst v63  }
0x234: {  	(v2sf) =	vpush v1, $0xF;
	s30 =	sadd.s32 s4, s25;
	s2 =	rddreg [dreg:$0x7];
	s5 =	spop (v2sf)  }
0x235: {  	(v2sf) =	vpush v63, $0xF;
	[tilespmem:s31], [sflag:$0x2] =	stream.linear.gather [hbm4b:s30+s1], $0x80, $0x38;
	[tilespmem:$0x18600] =	vst v63  }
0x236: {  	_ =	sdelay $0x3  }
0x237: {  	s0 =	sadd.s32 s3, s6;
	s7 =	sand.u32 $0x1FFFFFF0, s5  }
0x238: {  	[tilespmem:s16], [sflag:$0x1] =	stream.linear.gather [hbm4b:s0+s1], $0x80, $0x38;
	[tilespmem:$0x18600] =	vst v63  }
0x239: {  	s0 =	sadd.s32 s3, s7  }
0x23a: {  	[tilespmem:s21], [sflag:$0x3] =	stream.linear.gather [hbm4b:s0+s1], $0x80, $0x38;
	[tilespmem:$0x18600] =	vst v63  }
0x23b: {  	s8 =	spop (v2sf)  }
0x23c: {  	s0 =	sand.u32 $0x1FFFFFF0, s8  }
0x23d: {  	s12 =	spop (v2sf);
	s0 =	sadd.s32 s4, s0  }
0x23e: {  	[tilespmem:s20], [sflag:$0x2] =	stream.linear.gather [hbm4b:s0+s1], $0x80, $0x38;
	[tilespmem:$0x18600] =	vst v63  }
0x23f: {  	s0 =	sand.u32 $0x1FFFFFF0, s12  }
0x240: {  	s14 =	spop (v2sf);
	s0 =	sadd.s32 s3, s0  }
0x241: {  	[tilespmem:s10], [sflag:$0x1] =	stream.linear.gather [hbm4b:s0+s1], $0x80, $0x38;
	[tilespmem:$0x18600] =	vst v63  }
0x242: {  	s0 =	sand.u32 $0x1FFFFFF0, s14  }
0x243: {  	s15 =	spop (v2sf);
	s0 =	sadd.s32 s3, s0  }
0x244: {  	[tilespmem:s2], [sflag:$0x3] =	stream.linear.gather [hbm4b:s0+s1], $0x80, $0x38;
	[tilespmem:$0x18600] =	vst v63  }
0x245: {  	s0 =	sand.u32 $0x1FFFFFF0, s15  }
0x246: {  	s16 =	spop (v2sf);
	s0 =	sadd.s32 s4, s0  }
0x247: {  	[tilespmem:s11], [sflag:$0x2] =	stream.linear.gather [hbm4b:s0+s1], $0x80, $0x38;
	[tilespmem:$0x18600] =	vst v63  }
0x248: {  	s0 =	sand.u32 $0x1FFFFFF0, s16  }
0x249: {  	s17 =	spop (v2sf);
	s0 =	sadd.s32 s3, s0  }
0x24a: {  	[tilespmem:s9], [sflag:$0x1] =	stream.linear.gather [hbm4b:s0+s1], $0x80, $0x38;
	[tilespmem:$0x18600] =	vst v63  }
0x24b: {  	s0 =	sand.u32 $0x1FFFFFF0, s17  }
0x24c: {  	s18 =	spop (v2sf);
	s0 =	sadd.s32 s3, s0  }
0x24d: {  	[tilespmem:s13], [sflag:$0x3] =	stream.linear.gather [hbm4b:s0+s1], $0x80, $0x38;
	[tilespmem:$0x18600] =	vst v63  }
0x24e: {  	s0 =	sand.u32 $0x1FFFFFF0, s18  }
0x24f: {  	s19 =	sadd.s32 $0x8D80, s23;
	s20 =	simm.s32 $0x1;
	s0 =	sadd.s32 s4, s0  }
0x250: {  	[tilespmem:s19], [sflag:$0x2] =	stream.linear.gather [hbm4b:s0+s1], $0x80, $0x38;
	[tilespmem:$0x18600] =	vst v63  }
0x251: {  	_ =	swait.ge [sflag:s20], $0x8000  }
0x252: {  	[sflag:s20] =	ssyncset.done $0x0  }
0x253: {  	s21 =	simm.s32 $0x3;
	[sflag:s20] =	ssyncadd.s32 $0xFFFF8000  }
0x254: {  	_ =	swait.ge [sflag:s21], $0x8000  }
0x255: {  	[sflag:s21] =	ssyncset.done $0x0  }
0x256: {  	s22 =	simm.s32 $0x2;
	[sflag:s21] =	ssyncadd.s32 $0xFFFF8000  }
0x257: {  	_ =	swait.ge [sflag:s22], $0x8000  }
0x258: {  	s23 =	sld [smem:$0x7FA]  }
0x259: {  	[sflag:s22] =	ssyncset.done $0x0  }
0x25a: {  	s24 =	simm.s32 $0x600;
	s6 =	simm.s32 $0x4;
	[sflag:s22] =	ssyncadd.s32 $0xFFFF8000  }
0x25b: {  	[hbm4b:s23+s1] =	stream.linear.scatter [tilespmem:s24], [sflag:$0x4], $0x8000, $0x38;
	[tilespmem:$0x18600] =	vst v63  }
0x25c: {  	_ =	swait.ge [sflag:s6], $0x8000  }
0x25d: {  	s25 =	sld [smem:$0x7FB]  }
0x25e: {  	[sflag:s6] =	ssyncset.done $0x0  }
0x25f: {  	s26 =	simm.s32 $0x10600;
	[sflag:s6] =	ssyncadd.s32 $0xFFFF8000  }
0x260: {  	[hbm4b:s25+s1] =	stream.linear.scatter [tilespmem:s26], [sflag:$0x4], $0x8000, $0x38;
	[tilespmem:$0x18600] =	vst v63  }
0x261: {  	_ =	swait.ge [sflag:s6], $0x8000  }
0x262: {  	s28 =	sld [smem:$0x7FC]  }
0x263: {  	[sflag:s6] =	ssyncset.done $0x0  }
0x264: {  	s29 =	simm.s32 $0x8600;
	[sflag:s6] =	ssyncadd.s32 $0xFFFF8000  }
0x265: {  	[hbm4b:s28+s1] =	stream.linear.scatter [tilespmem:s29], [sflag:$0x4], $0x8000, $0x38;
	[tilespmem:$0x18600] =	vst v63  }
0x266: {  	_ =	swait.ge [sflag:s6], $0x8000  }
0x267: {  	s30 =	sld [smem:$0x7F3]  }
0x268: {  	s31 =	sld [smem:$0x7FD];
	_ =	sdelay $0x1  }
0x269: {  	s2 =	sadd.s32 $0x1, s30  }
0x26a: {  	p0 =	sne.s32 s2, s31  }
.Ltmp2:
0x26b: {  	_ = 	snop;
	(pc) =	sbr.rel @p0 .LBB2_1-.Ltmp2, $3  }
0x26c: {  	_ =	sdelay $0x1  }
0x26d: {  	[sflag:s6] =	ssyncset.done $0x0  }
0x26e: {  	[sflag:s6] =	ssyncadd.s32 $0xFFFF8000  }
0x26f: {  	_ =	sfence.sel $0x180000  }
0x270: {  	[bflag:$0x0] =	sbarrier.arrive $0xFFFF  }
0x271: {  	_ =	strace $0x90000047  }
0x272: {  	s0 =	stileid.u32;
	[bflag:$0x2] =	sbarrier.arrive $0xFFFF  }
0x273: {  	p0 =	sne.s32 s0, $0x0;
	s0 =	rddreg [dreg:$0x4]  }
0x274: {  	s0 =	sadd.s32 @!p0 $0x100000, s0  }
0x275: {  	[sflag:s0] =	ssyncadd.tile.s32 @!p0 $0x1;
	_ =	shalt  }
.Lfunc_end2:
_tile_overlayer_lowered:
.L_overlay_start_2:
0x276: {  	(tag) =	ssettag $0x2  }
0x277: {  	s0 =	rddreg [dreg:$0x0];
	s2 =	stileid.u32  }
0x278: {  	s1 =	rddreg [dreg:$0x1];
	p0 =	sne.s32 s2, $0x0  }
0x279: {  	s3 =	rddreg [dreg:$0x2];
	[bflag:$0x3] =	sbarrier.arrive $0xFFFF;
	s2 =	simm.s32 @!p0 $0x1C04  }
0x27a: {  	[timem:s3], [sflag:s2] =	dma.local @!p0 [hbm:s0], s1  }
0x27b: {  	s0 =	simm.s32 @!p0 $0x4  }
0x27c: {  	_ =	swait.ge @!p0 [sflag:s0], s1  }
0x27d: {  	s1 =	ssub.s32 @!p0 $0x0, s1;
	[sflag:s0] =	ssyncset.done @!p0 $0x0  }
0x27e: {  	[sflag:s0] =	ssyncadd.s32 @!p0 s1  }
0x27f: {  	[bflag:$0x3] =	sbarrier.arrive $0xFFFF  }
0x280: {  	_ =	shalt  }

</sc_bundles>
